<compile_context>
chip_gen: v7x
topology: tpu7x:2x2x1
jax: 0.10.2.dev20260603
libtpu: 0.0.44.dev20260713+nightly
codegen_flags: <defaults>
</compile_context>

<pallas_src>
import functools
import jax
import jax.numpy as jnp
from jax import lax
from jax.experimental import pallas as pl
from jax.experimental.pallas import tpu as pltpu
from jax.experimental.pallas import tpu_sc as plsc

N = 100000
E = 6400000
G = 128

NC = 2
NS = 16
NW = NC * NS

NP = 100096
PAD = NP - N
RPW = NP // NW
RPS = NP // NS
GP = 136

EPC = E // NC
EPT = EPC // NS

EB = 2000
PB8 = 2000
PB16 = 400

VN = NP // 16

_mesh = plsc.VectorSubcoreMesh(core_axis_name="c", subcore_axis_name="s")
_sc_params = pltpu.CompilerParams(use_tc_tiling_on_sc=False)


def _f32(*shape):
  return jax.ShapeDtypeStruct(shape, jnp.float32)


@functools.partial(
    pl.kernel,
    out_type=_f32(NC, NP, 8),
    mesh=_mesh,
    compiler_params=_sc_params,
    scratch_types=[
        pltpu.VMEM((EB,), jnp.int32),
        pltpu.VMEM((EB,), jnp.int32),
        pltpu.VMEM((EB, 8), jnp.float32),
        pltpu.SemaphoreType.DMA,
        pltpu.SemaphoreType.DMA,
        pltpu.VMEM_SHARED((NP, 8), jnp.float32),
    ],
)
def _sc_deg(dst_hbm, ones_hbm, zeros_hbm, out_hbm,
            idx0, idx1, ones_v, sem0, sem1, acc_sh):
  c = lax.axis_index("c")
  s = lax.axis_index("s")
  nstep = EPT // EB
  row0 = s * RPS
  pltpu.sync_copy(zeros_hbm.at[pl.ds(row0, RPS)], acc_sh.at[pl.ds(row0, RPS)])
  pltpu.sync_copy(ones_hbm, ones_v)
  plsc.subcore_barrier()
  ebase = c * EPC + s * EPT

  def _start(i, idx, sem):
    pltpu.async_copy(dst_hbm.at[pl.ds(ebase + i * EB, EB)], idx, sem)

  def _drain(i, idx, sem):
    pltpu.make_async_copy(dst_hbm.at[pl.ds(ebase + i * EB, EB)], idx,
                          sem).wait()
    pltpu.sync_copy(ones_v, acc_sh.at[idx], add=True)

  _start(0, idx0, sem0)

  def step(k, carry):
    i0 = 2 * k
    _start(i0 + 1, idx1, sem1)
    _drain(i0, idx0, sem0)

    @pl.when(i0 + 2 < nstep)
    def _():
      _start(i0 + 2, idx0, sem0)

    _drain(i0 + 1, idx1, sem1)
    return carry

  lax.fori_loop(0, nstep // 2, step, 0)
  plsc.subcore_barrier()
  pltpu.sync_copy(acc_sh.at[pl.ds(row0, RPS)],
                  out_hbm.at[c, pl.ds(row0, RPS)])


def _make_prop(F, pb):
  nstep = EPT // pb
  assert nstep * pb == EPT and nstep % 4 == 0 and pb % 8 == 0 and F % 8 == 0

  @functools.partial(
      pl.kernel,
      out_type=_f32(NC, NP, F),
      mesh=_mesh,
      compiler_params=_sc_params,
      scratch_types=(
          [pltpu.VMEM((pb,), jnp.int32)] * 8 +
          [pltpu.VMEM((pb, F), jnp.float32)] * 2 +
          [pltpu.SemaphoreType.DMA] * 6 +
          [pltpu.VMEM_SHARED((NP, F), jnp.float32)]
      ),
  )
  def _prop(src_hbm, dst_hbm, g_hbm, zeros_hbm, out_hbm,
            ixs0, ixd0, ixs1, ixd1, ixs2, ixd2, ixs3, ixd3,
            rowsA, rowsB, is0, is1, is2, is3, gsA, gsB, acc_sh):
    c = lax.axis_index("c")
    s = lax.axis_index("s")
    row0 = s * RPS
    pltpu.sync_copy(zeros_hbm.at[pl.ds(row0, RPS)],
                    acc_sh.at[pl.ds(row0, RPS)])
    plsc.subcore_barrier()
    ebase = c * EPC + s * EPT
    IX = [(ixs0, ixd0, is0), (ixs1, ixd1, is1),
          (ixs2, ixd2, is2), (ixs3, ixd3, is3)]
    RW = [(rowsA, gsA), (rowsB, gsB)]

    def _load(i, j):
      ixs, ixd, isem = IX[j]
      base = ebase + i * pb
      pltpu.async_copy(src_hbm.at[pl.ds(base, pb)], ixs, isem)
      pltpu.async_copy(dst_hbm.at[pl.ds(base, pb)], ixd, isem)

    def _gather(i, j, r):
      ixs, ixd, isem = IX[j]
      rows, gsem = RW[r]
      base = ebase + i * pb
      pltpu.make_async_copy(src_hbm.at[pl.ds(base, pb)], ixs, isem).wait()
      pltpu.make_async_copy(dst_hbm.at[pl.ds(base, pb)], ixd, isem).wait()
      pltpu.async_copy(g_hbm.at[ixs], rows, gsem)

    def _scatter(j, r):
      ixs, ixd, isem = IX[j]
      rows, gsem = RW[r]
      pltpu.make_async_copy(g_hbm.at[ixs], rows, gsem).wait()
      pltpu.sync_copy(rows, acc_sh.at[ixd], add=True)

    _load(0, 0)
    _gather(0, 0, 0)
    _load(1, 1)

    def step(k, carry):
      i0 = 4 * k
      _gather(i0 + 1, 1, 1)
      _load(i0 + 2, 2)
      _scatter(0, 0)
      _gather(i0 + 2, 2, 0)
      _load(i0 + 3, 3)
      _scatter(1, 1)
      _gather(i0 + 3, 3, 1)

      @pl.when(i0 + 4 < nstep)
      def _():
        _load(i0 + 4, 0)

      _scatter(2, 0)

      @pl.when(i0 + 4 < nstep)
      def _():
        _gather(i0 + 4, 0, 0)

      @pl.when(i0 + 5 < nstep)
      def _():
        _load(i0 + 5, 1)

      _scatter(3, 1)
      return carry

    lax.fori_loop(0, nstep // 4, step, 0)
    plsc.subcore_barrier()
    pltpu.sync_copy(acc_sh.at[pl.ds(row0, RPS)],
                    out_hbm.at[c, pl.ds(row0, RPS)])

  return _prop


_prop8 = _make_prop(8, PB8)
_prop16 = _make_prop(16, PB16)


@functools.partial(
    pl.kernel,
    out_type=_f32(NC, GP, 16),
    mesh=_mesh,
    compiler_params=_sc_params,
    scratch_types=[
        pltpu.VMEM((RPW,), jnp.int32),
        pltpu.VMEM((RPW, 16), jnp.float32),
        pltpu.VMEM_SHARED((GP, 16), jnp.float32),
    ],
)
def _sc_pool(h_hbm, batch_hbm, zeros_hbm, out_hbm, idx_v, rows_v, acc_sh):
  c = lax.axis_index("c")
  s = lax.axis_index("s")

  @pl.when(s == 0)
  def _():
    pltpu.sync_copy(zeros_hbm, acc_sh)

  plsc.subcore_barrier()
  row0 = (c * NS + s) * RPW
  pltpu.sync_copy(h_hbm.at[pl.ds(row0, RPW)], rows_v)
  pltpu.sync_copy(batch_hbm.at[pl.ds(row0, RPW)], idx_v)
  pltpu.sync_copy(rows_v, acc_sh.at[idx_v], add=True)
  plsc.subcore_barrier()

  @pl.when(s == 0)
  def _():
    pltpu.sync_copy(acc_sh, out_hbm.at[c])


_TCR = 3128
_TCG = VN // _TCR


def _vspec(w):
  return pl.BlockSpec((_TCR, w), lambda i: (i, 0))


def _pspec(w):
  def mk(c):
    return pl.BlockSpec((1, _TCR, w), lambda i, _c=c: (_c, i, 0))
  return mk


def _full_spec(r, f):
  return pl.BlockSpec((r, f), lambda i: (0, 0))


def _tc1_body(d0, d1, x, dinv_o, gx_o):
  dinv = lax.rsqrt(d0[0] + d1[0] + 1.0)
  dinv_o[...] = dinv
  gx_o[...] = x[...] * dinv


def _tc1(dpp, x):
  return pl.pallas_call(
      _tc1_body,
      grid=(_TCG,),
      in_specs=[_pspec(128)(0), _pspec(128)(1), _vspec(128)],
      out_specs=[_vspec(128), _vspec(128)],
      out_shape=[_f32(VN, 128), _f32(VN, 128)],
  )(dpp, dpp, x)


def _tc2_body(a0, a1, gx, dinv, BW1, b1t, BW2, R16, g2_o):
  p = dinv[...] * (a0[0] + a1[0] + gx[...])
  h1 = jnp.maximum(
      jnp.dot(p, BW1[...], preferred_element_type=jnp.float32) + b1t[...],
      0.0)
  dinv16 = jnp.dot(dinv[...], R16[...], preferred_element_type=jnp.float32)
  g2_o[...] = dinv16 * jnp.dot(h1, BW2[...],
                               preferred_element_type=jnp.float32)


def _tc2(app, gx, dinv, BW1, b1t, BW2, R16):
  return pl.pallas_call(
      _tc2_body,
      grid=(_TCG,),
      in_specs=[_pspec(128)(0), _pspec(128)(1), _vspec(128), _vspec(128),
                _full_spec(128, 512), _full_spec(1, 512),
                _full_spec(512, 256), _full_spec(128, 256)],
      out_specs=_vspec(256),
      out_shape=_f32(VN, 256),
  )(app, app, gx, dinv, BW1, b1t, BW2, R16)


def _tc3_body(a0, a1, g2, dinv, R16, b2t, BW3, g3_o):
  dinv16 = jnp.dot(dinv[...], R16[...], preferred_element_type=jnp.float32)
  h2 = jnp.maximum(dinv16 * (a0[0] + a1[0] + g2[...]) + b2t[...], 0.0)
  g3_o[...] = dinv[...] * jnp.dot(h2, BW3[...],
                                  preferred_element_type=jnp.float32)


def _tc3(app, g2, dinv, R16, b2t, BW3):
  return pl.pallas_call(
      _tc3_body,
      grid=(_TCG,),
      in_specs=[_pspec(256)(0), _pspec(256)(1), _vspec(256), _vspec(128),
                _full_spec(128, 256), _full_spec(1, 256),
                _full_spec(256, 128)],
      out_specs=_vspec(128),
      out_shape=_f32(VN, 128),
  )(app, app, g2, dinv, R16, b2t, BW3)


def _tc4_body(a0, a1, g3, dinv, b3t, P16, e8t, h_o):
  h3 = jnp.maximum(dinv[...] * (a0[0] + a1[0] + g3[...]) + b3t[...], 0.0)
  h_o[...] = jnp.dot(h3, P16[...],
                     preferred_element_type=jnp.float32) + e8t[...]


def _tc4(app, g3, dinv, b3t, P16, e8t):
  return pl.pallas_call(
      _tc4_body,
      grid=(_TCG,),
      in_specs=[_pspec(128)(0), _pspec(128)(1), _vspec(128), _vspec(128),
                _full_spec(1, 128), _full_spec(128, 256),
                _full_spec(1, 256)],
      out_specs=_vspec(256),
      out_shape=_f32(VN, 256),
  )(app, app, g3, dinv, b3t, P16, e8t)


def _tc5_body(s0, s1, Wfc, bfc, out_o):
  acc = (s0[...] + s1[...])[:G]
  sums = acc[:, :8]
  cnts = jnp.maximum(acc[:, 8:9], 1.0)
  pooled = sums / cnts
  out_o[...] = jnp.dot(pooled, Wfc[...],
                       preferred_element_type=jnp.float32) + bfc[...]


def _tc5(s0, s1, Wfc, bfc):
  return pl.pallas_call(
      _tc5_body,
      out_shape=_f32(G, 3),
  )(s0, s1, Wfc, bfc)


@jax.jit
def kernel(x, edge_index, batch, W1, b1, W2, b2, W3, b3, Wfc, bfc):
  src = edge_index[0]
  dst = edge_index[1]
  f32 = jnp.float32
  x8 = jnp.pad(x, ((0, PAD), (0, 5)))
  batch_p = jnp.pad(batch, (0, PAD), constant_values=G)

  eye16 = jnp.eye(16, dtype=f32)
  BW1 = jnp.kron(eye16, jnp.pad(W1, ((0, 5), (0, 0))))
  BW2 = jnp.kron(eye16, W2)
  BW3 = jnp.kron(eye16, W3)
  R16 = jnp.kron(eye16, jnp.zeros((8, 16), f32).at[0, :].set(1.0))
  P16 = jnp.kron(eye16, jnp.concatenate(
      [jnp.eye(8, dtype=f32), jnp.zeros((8, 8), f32)], axis=1))
  b1t = jnp.tile(b1, 16).reshape(1, 512)
  b2t = jnp.tile(b2, 16).reshape(1, 256)
  b3t = jnp.tile(b3, 16).reshape(1, 128)
  e8t = jnp.tile(jnp.zeros((16,), f32).at[8].set(1.0), 16).reshape(1, 256)

  ones_eb = jnp.ones((EB, 8), f32)
  zeros8 = jnp.zeros((NP, 8), f32)
  zeros16 = jnp.zeros((NP, 16), f32)
  zgp = jnp.zeros((GP, 16), f32)

  deg_pp = _sc_deg(dst, ones_eb, zeros8)
  dinv, gx = _tc1(deg_pp.reshape(NC, VN, 128), x8.reshape(VN, 128))

  aggx = _prop8(src, dst, gx.reshape(NP, 8), zeros8)
  g2 = _tc2(aggx.reshape(NC, VN, 128), gx, dinv, BW1, b1t, BW2, R16)

  agg2 = _prop16(src, dst, g2.reshape(NP, 16), zeros16)
  g3 = _tc3(agg2.reshape(NC, VN, 256), g2, dinv, R16, b2t, BW3)

  agg3 = _prop8(src, dst, g3.reshape(NP, 8), zeros8)
  h16 = _tc4(agg3.reshape(NC, VN, 128), g3, dinv, b3t, P16, e8t)

  sums_pp = _sc_pool(h16.reshape(NP, 16), batch_p, zgp)
  out = _tc5(sums_pp[0], sums_pp[1], Wfc, bfc.reshape(1, -1))
  return out

# --- scband reference (transcript-rebuilt; emitter-appended) ---
"""Pipeline reference for scband-shared-encoder-87909390615182 (READ-ONLY COPY).

The authoritative reference and input builder live on the scoring server;
editing this copy changes nothing except your own understanding.
"""

import jax, jax.numpy as jnp
import numpy as np

N = 100000
E = 6400000
NUM_GRAPHS = 128

def setup_inputs(seed: int = 0) -> dict:
    key = jax.random.key(seed)
    ks = jax.random.split(key, 12)
    x = jax.random.normal(ks[0], (N, 3), dtype=jnp.float32)
    edge_index = jax.random.randint(ks[1], (2, E), 0, N, dtype=jnp.int32)
    batch = jnp.sort(jax.random.randint(ks[2], (N,), 0, NUM_GRAPHS, dtype=jnp.int32))
    W1 = jax.random.normal(ks[3], (3, 32), dtype=jnp.float32) * 0.1
    b1 = jnp.zeros((32,), dtype=jnp.float32)
    W2 = jax.random.normal(ks[4], (32, 16), dtype=jnp.float32) * 0.1
    b2 = jnp.zeros((16,), dtype=jnp.float32)
    W3 = jax.random.normal(ks[5], (16, 8), dtype=jnp.float32) * 0.1
    b3 = jnp.zeros((8,), dtype=jnp.float32)
    Wfc = jax.random.normal(ks[6], (8, 3), dtype=jnp.float32) * 0.1
    bfc = jnp.zeros((3,), dtype=jnp.float32)
    return {"x": x, "edge_index": edge_index, "batch": batch,
            "W1": W1, "b1": b1, "W2": W2, "b2": b2, "W3": W3, "b3": b3,
            "Wfc": Wfc, "bfc": bfc}

def reference(x, edge_index, batch, W1, b1, W2, b2, W3, b3, Wfc, bfc):
    # GCNConv with self-loops and symmetric normalization (PyG semantics)
    loop = jnp.arange(N, dtype=edge_index.dtype)
    src = jnp.concatenate([edge_index[0], loop])
    dst = jnp.concatenate([edge_index[1], loop])
    deg = jnp.zeros((N,), dtype=jnp.float32).at[dst].add(1.0)
    dinv = jnp.where(deg > 0, 1.0 / jnp.sqrt(deg), 0.0)
    norm = dinv[src] * dinv[dst]

    def gcn(h, W, b):
        h = h @ W
        msg = h[src] * norm[:, None]
        agg = jnp.zeros((N, W.shape[1]), dtype=h.dtype).at[dst].add(msg)
        return agg + b

    h = jax.nn.relu(gcn(x, W1, b1))
    h = jax.nn.relu(gcn(h, W2, b2))
    h = jax.nn.relu(gcn(h, W3, b3))
    # global_mean_pool over batch ids
    sums = jax.ops.segment_sum(h, batch, num_segments=NUM_GRAPHS)
    counts = jax.ops.segment_sum(jnp.ones((N, 1), dtype=h.dtype), batch, num_segments=NUM_GRAPHS)
    pooled = sums / jnp.maximum(counts, 1.0)
    out = pooled @ Wfc + bfc
    return out

if __name__ == "__main__":
    import jax
    _d = setup_inputs()
    print(jax.jit(kernel)(*tuple(_d.values())))

</pallas_src>

<mosaic_0001>
#map = affine_map<(d0, d1) -> (0)>
#map1 = affine_map<(d0, d1) -> (0, 0)>
#map2 = affine_map<(d0, d1) -> (0, 0, 0)>
module attributes {stable_mosaic.version = 14 : i64} {
  func.func @_prop(%arg0: i32, %arg1: i32, %arg2: memref<6400000xi32, #tpu.memory_space<hbm>>, %arg3: memref<6400000xi32, #tpu.memory_space<hbm>>, %arg4: memref<100096x16xf32, #tpu.memory_space<hbm>>, %arg5: memref<100096x16xf32, #tpu.memory_space<hbm>>, %arg6: memref<2x100096x16xf32, #tpu.memory_space<hbm>>, %arg7: memref<400xi32, #tpu.memory_space<vmem>>, %arg8: memref<400xi32, #tpu.memory_space<vmem>>, %arg9: memref<400xi32, #tpu.memory_space<vmem>>, %arg10: memref<400xi32, #tpu.memory_space<vmem>>, %arg11: memref<400xi32, #tpu.memory_space<vmem>>, %arg12: memref<400xi32, #tpu.memory_space<vmem>>, %arg13: memref<400xi32, #tpu.memory_space<vmem>>, %arg14: memref<400xi32, #tpu.memory_space<vmem>>, %arg15: memref<400x16xf32, #tpu.memory_space<vmem>>, %arg16: memref<400x16xf32, #tpu.memory_space<vmem>>, %arg17: memref<!tpu.dma_semaphore, #tpu.memory_space<semaphore_mem>>, %arg18: memref<!tpu.dma_semaphore, #tpu.memory_space<semaphore_mem>>, %arg19: memref<!tpu.dma_semaphore, #tpu.memory_space<semaphore_mem>>, %arg20: memref<!tpu.dma_semaphore, #tpu.memory_space<semaphore_mem>>, %arg21: memref<!tpu.dma_semaphore, #tpu.memory_space<semaphore_mem>>, %arg22: memref<!tpu.dma_semaphore, #tpu.memory_space<semaphore_mem>>, %arg23: memref<100096x16xf32, #tpu.memory_space<vmem_shared>>) attributes {dimension_semantics = [#tpu.dimension_semantics<core_parallel>, #tpu.dimension_semantics<subcore_parallel>], iteration_bounds = array<i64: 2, 16>, scalar_prefetch = 0 : i64, scratch_operands = 17 : i64, tpu.core_type = #tpu.core_type<sc_vector_subcore>, window_params = [{transform_indices = #map}, {transform_indices = #map}, {transform_indices = #map1}, {transform_indices = #map1}, {transform_indices = #map2}]} {
    %mul3A = arith.constant 6256 : i32
    %mul3A_0 = arith.muli %arg1, %mul3A : i32
    "tpu.region"() ({
      %run_scoped3A = tpu.sem_alloc : memref<!tpu.dma_semaphore, #tpu.memory_space<semaphore_mem>>
      %dma_start3A_30 = arith.constant 0 : i32
      %dma_start3A_31 = tpu.memref_slice %arg23[%mul3A_0, %dma_start3A_30] : memref<100096x16xf32, #tpu.memory_space<vmem_shared>> -> memref<6256x16xf32, #tpu.memory_space<vmem_shared>>
      %dma_start3A_32 = arith.constant 0 : i32
      %dma_start3A_33 = tpu.memref_slice %arg5[%mul3A_0, %dma_start3A_32] : memref<100096x16xf32, #tpu.memory_space<hbm>> -> memref<6256x16xf32, #tpu.memory_space<hbm>>
      tpu.enqueue_dma source(%dma_start3A_33 : memref<6256x16xf32, #tpu.memory_space<hbm>>) target(%dma_start3A_31 : memref<6256x16xf32, #tpu.memory_space<vmem_shared>>) target_semaphore(%run_scoped3A : memref<!tpu.dma_semaphore, #tpu.memory_space<semaphore_mem>>)
      %dma_wait3A_34 = arith.constant 0 : i32
      %dma_wait3A_35 = tpu.memref_slice %arg23[%mul3A_0, %dma_wait3A_34] : memref<100096x16xf32, #tpu.memory_space<vmem_shared>> -> memref<6256x16xf32, #tpu.memory_space<vmem_shared>>
      %dma_wait3A_36 = arith.constant 0 : i32
      %dma_wait3A_37 = tpu.memref_slice %arg5[%mul3A_0, %dma_wait3A_36] : memref<100096x16xf32, #tpu.memory_space<hbm>> -> memref<6256x16xf32, #tpu.memory_space<hbm>>
      tpu.wait_dma2 semaphore(%run_scoped3A : memref<!tpu.dma_semaphore, #tpu.memory_space<semaphore_mem>>) src(%dma_wait3A_37 : memref<6256x16xf32, #tpu.memory_space<hbm>>) dst(%dma_wait3A_35 : memref<6256x16xf32, #tpu.memory_space<vmem_shared>>)
      tpu.yield
    }) : () -> ()
    %barrier3A = arith.constant 0 : index
    tpu.barrier barrier_id(%barrier3A)
    %mul3A_1 = arith.constant 3200000 : i32
    %mul3A_2 = arith.muli %arg0, %mul3A_1 : i32
    %mul3A_3 = arith.constant 200000 : i32
    %mul3A_4 = arith.muli %arg1, %mul3A_3 : i32
    %add3A = arith.addi %mul3A_2, %mul3A_4 : i32
    %add3A_5 = arith.constant 0 : i32
    %add3A_6 = arith.addi %add3A, %add3A_5 : i32
    %dma_start3A = tpu.memref_slice %arg2[%add3A_6] : memref<6400000xi32, #tpu.memory_space<hbm>> -> memref<400xi32, #tpu.memory_space<hbm>>
    %dma_start3A_7 = tpu.memref_slice %arg2[%add3A_6] : memref<6400000xi32, #tpu.memory_space<hbm>> -> memref<400xi32, #tpu.memory_space<hbm>>
    tpu.enqueue_dma source(%dma_start3A_7 : memref<400xi32, #tpu.memory_space<hbm>>) target(%arg7 : memref<400xi32, #tpu.memory_space<vmem>>) target_semaphore(%arg17 : memref<!tpu.dma_semaphore, #tpu.memory_space<semaphore_mem>>)
    %dma_start3A_8 = tpu.memref_slice %arg3[%add3A_6] : memref<6400000xi32, #tpu.memory_space<hbm>> -> memref<400xi32, #tpu.memory_space<hbm>>
    %dma_start3A_9 = tpu.memref_slice %arg3[%add3A_6] : memref<6400000xi32, #tpu.memory_space<hbm>> -> memref<400xi32, #tpu.memory_space<hbm>>
    tpu.enqueue_dma source(%dma_start3A_9 : memref<400xi32, #tpu.memory_space<hbm>>) target(%arg8 : memref<400xi32, #tpu.memory_space<vmem>>) target_semaphore(%arg17 : memref<!tpu.dma_semaphore, #tpu.memory_space<semaphore_mem>>)
    %add3A_10 = arith.constant 0 : i32
    %add3A_11 = arith.addi %add3A, %add3A_10 : i32
    %dma_wait3A = tpu.memref_slice %arg2[%add3A_11] : memref<6400000xi32, #tpu.memory_space<hbm>> -> memref<400xi32, #tpu.memory_space<hbm>>
    %dma_wait3A_12 = tpu.memref_slice %arg2[%add3A_11] : memref<6400000xi32, #tpu.memory_space<hbm>> -> memref<400xi32, #tpu.memory_space<hbm>>
    tpu.wait_dma2 semaphore(%arg17 : memref<!tpu.dma_semaphore, #tpu.memory_space<semaphore_mem>>) src(%dma_wait3A_12 : memref<400xi32, #tpu.memory_space<hbm>>) dst(%arg7 : memref<400xi32, #tpu.memory_space<vmem>>)
    %dma_wait3A_13 = tpu.memref_slice %arg3[%add3A_11] : memref<6400000xi32, #tpu.memory_space<hbm>> -> memref<400xi32, #tpu.memory_space<hbm>>
    %dma_wait3A_14 = tpu.memref_slice %arg3[%add3A_11] : memref<6400000xi32, #tpu.memory_space<hbm>> -> memref<400xi32, #tpu.memory_space<hbm>>
    tpu.wait_dma2 semaphore(%arg17 : memref<!tpu.dma_semaphore, #tpu.memory_space<semaphore_mem>>) src(%dma_wait3A_14 : memref<400xi32, #tpu.memory_space<hbm>>) dst(%arg8 : memref<400xi32, #tpu.memory_space<vmem>>)
    %dma_start3A_15 = arith.constant 0 : i32
    %dma_start3A_16 = arith.constant 0 : i32
    %dma_start3A_17 = tpu.memref_slice %arg4[%dma_start3A_15, %dma_start3A_16] : memref<100096x16xf32, #tpu.memory_space<hbm>> -> memref<100096x16xf32, #tpu.memory_space<hbm>>
    tpu.enqueue_indirect_dma source(%dma_start3A_17 : memref<100096x16xf32, #tpu.memory_space<hbm>>) target(%arg15 : memref<400x16xf32, #tpu.memory_space<vmem>>) offsets(%arg7 : memref<400xi32, #tpu.memory_space<vmem>>) semaphore(%arg21 : memref<!tpu.dma_semaphore, #tpu.memory_space<semaphore_mem>>)
    %add3A_18 = arith.constant 400 : i32
    %add3A_19 = arith.addi %add3A, %add3A_18 : i32
    %dma_start3A_20 = tpu.memref_slice %arg2[%add3A_19] : memref<6400000xi32, #tpu.memory_space<hbm>> -> memref<400xi32, #tpu.memory_space<hbm>>
    %dma_start3A_21 = tpu.memref_slice %arg2[%add3A_19] : memref<6400000xi32, #tpu.memory_space<hbm>> -> memref<400xi32, #tpu.memory_space<hbm>>
    tpu.enqueue_dma source(%dma_start3A_21 : memref<400xi32, #tpu.memory_space<hbm>>) target(%arg9 : memref<400xi32, #tpu.memory_space<vmem>>) target_semaphore(%arg18 : memref<!tpu.dma_semaphore, #tpu.memory_space<semaphore_mem>>)
    %dma_start3A_22 = tpu.memref_slice %arg3[%add3A_19] : memref<6400000xi32, #tpu.memory_space<hbm>> -> memref<400xi32, #tpu.memory_space<hbm>>
    %dma_start3A_23 = tpu.memref_slice %arg3[%add3A_19] : memref<6400000xi32, #tpu.memory_space<hbm>> -> memref<400xi32, #tpu.memory_space<hbm>>
    tpu.enqueue_dma source(%dma_start3A_23 : memref<400xi32, #tpu.memory_space<hbm>>) target(%arg10 : memref<400xi32, #tpu.memory_space<vmem>>) target_semaphore(%arg18 : memref<!tpu.dma_semaphore, #tpu.memory_space<semaphore_mem>>)
    %scan3A = arith.constant 0 : i32
    %scan3A_24 = arith.constant 0 : i32
    %scan3A_25 = arith.constant 125 : i32
    %scan3A_26 = arith.addi %scan3A_24, %scan3A_25 : i32
    %scan3A_27 = arith.constant 1 : i32
    scf.for %scan3A_30 = %scan3A_24 to %scan3A_26 step %scan3A_27  : i32 {
      %mul3A_31 = arith.constant 4 : i32
      %mul3A_32 = arith.muli %mul3A_31, %scan3A_30 : i32
      %add3A_33 = arith.constant 1 : i32
      %add3A_34 = arith.addi %mul3A_32, %add3A_33 : i32
      %mul3A_35 = arith.constant 400 : i32
      %mul3A_36 = arith.muli %add3A_34, %mul3A_35 : i32
      %add3A_37 = arith.addi %add3A, %mul3A_36 : i32
      %dma_wait3A_38 = tpu.memref_slice %arg2[%add3A_37] : memref<6400000xi32, #tpu.memory_space<hbm>> -> memref<400xi32, #tpu.memory_space<hbm>>
      %dma_wait3A_39 = tpu.memref_slice %arg2[%add3A_37] : memref<6400000xi32, #tpu.memory_space<hbm>> -> memref<400xi32, #tpu.memory_space<hbm>>
      tpu.wait_dma2 semaphore(%arg18 : memref<!tpu.dma_semaphore, #tpu.memory_space<semaphore_mem>>) src(%dma_wait3A_39 : memref<400xi32, #tpu.memory_space<hbm>>) dst(%arg9 : memref<400xi32, #tpu.memory_space<vmem>>)
      %dma_wait3A_40 = tpu.memref_slice %arg3[%add3A_37] : memref<6400000xi32, #tpu.memory_space<hbm>> -> memref<400xi32, #tpu.memory_space<hbm>>
      %dma_wait3A_41 = tpu.memref_slice %arg3[%add3A_37] : memref<6400000xi32, #tpu.memory_space<hbm>> -> memref<400xi32, #tpu.memory_space<hbm>>
      tpu.wait_dma2 semaphore(%arg18 : memref<!tpu.dma_semaphore, #tpu.memory_space<semaphore_mem>>) src(%dma_wait3A_41 : memref<400xi32, #tpu.memory_space<hbm>>) dst(%arg10 : memref<400xi32, #tpu.memory_space<vmem>>)
      %dma_start3A_42 = arith.constant 0 : i32
      %dma_start3A_43 = arith.constant 0 : i32
      %dma_start3A_44 = tpu.memref_slice %arg4[%dma_start3A_42, %dma_start3A_43] : memref<100096x16xf32, #tpu.memory_space<hbm>> -> memref<100096x16xf32, #tpu.memory_space<hbm>>
      tpu.enqueue_indirect_dma source(%dma_start3A_44 : memref<100096x16xf32, #tpu.memory_space<hbm>>) target(%arg16 : memref<400x16xf32, #tpu.memory_space<vmem>>) offsets(%arg9 : memref<400xi32, #tpu.memory_space<vmem>>) semaphore(%arg22 : memref<!tpu.dma_semaphore, #tpu.memory_space<semaphore_mem>>)
      %add3A_45 = arith.constant 2 : i32
      %add3A_46 = arith.addi %mul3A_32, %add3A_45 : i32
      %mul3A_47 = arith.constant 400 : i32
      %mul3A_48 = arith.muli %add3A_46, %mul3A_47 : i32
      %add3A_49 = arith.addi %add3A, %mul3A_48 : i32
      %dma_start3A_50 = tpu.memref_slice %arg2[%add3A_49] : memref<6400000xi32, #tpu.memory_space<hbm>> -> memref<400xi32, #tpu.memory_space<hbm>>
      %dma_start3A_51 = tpu.memref_slice %arg2[%add3A_49] : memref<6400000xi32, #tpu.memory_space<hbm>> -> memref<400xi32, #tpu.memory_space<hbm>>
      tpu.enqueue_dma source(%dma_start3A_51 : memref<400xi32, #tpu.memory_space<hbm>>) target(%arg11 : memref<400xi32, #tpu.memory_space<vmem>>) target_semaphore(%arg19 : memref<!tpu.dma_semaphore, #tpu.memory_space<semaphore_mem>>)
      %dma_start3A_52 = tpu.memref_slice %arg3[%add3A_49] : memref<6400000xi32, #tpu.memory_space<hbm>> -> memref<400xi32, #tpu.memory_space<hbm>>
      %dma_start3A_53 = tpu.memref_slice %arg3[%add3A_49] : memref<6400000xi32, #tpu.memory_space<hbm>> -> memref<400xi32, #tpu.memory_space<hbm>>
      tpu.enqueue_dma source(%dma_start3A_53 : memref<400xi32, #tpu.memory_space<hbm>>) target(%arg12 : memref<400xi32, #tpu.memory_space<vmem>>) target_semaphore(%arg19 : memref<!tpu.dma_semaphore, #tpu.memory_space<semaphore_mem>>)
      %dma_wait3A_54 = arith.constant 0 : i32
      %dma_wait3A_55 = arith.constant 0 : i32
      %dma_wait3A_56 = tpu.memref_slice %arg4[%dma_wait3A_54, %dma_wait3A_55] : memref<100096x16xf32, #tpu.memory_space<hbm>> -> memref<100096x16xf32, #tpu.memory_space<hbm>>
      tpu.wait_indirect_dma semaphore(%arg21 : memref<!tpu.dma_semaphore, #tpu.memory_space<semaphore_mem>>) src(%dma_wait3A_56 : memref<100096x16xf32, #tpu.memory_space<hbm>>) dst(%arg15 : memref<400x16xf32, #tpu.memory_space<vmem>>)
      "tpu.region"() ({
        %run_scoped3A = tpu.sem_alloc : memref<!tpu.dma_semaphore, #tpu.memory_space<semaphore_mem>>
        %dma_start3A_117 = arith.constant 0 : i32
        %dma_start3A_118 = arith.constant 0 : i32
        %dma_start3A_119 = tpu.memref_slice %arg23[%dma_start3A_117, %dma_start3A_118] : memref<100096x16xf32, #tpu.memory_space<vmem_shared>> -> memref<100096x16xf32, #tpu.memory_space<vmem_shared>>
        tpu.enqueue_indirect_dma source(%arg15 : memref<400x16xf32, #tpu.memory_space<vmem>>) target(%dma_start3A_119 : memref<100096x16xf32, #tpu.memory_space<vmem_shared>>) offsets(%arg8 : memref<400xi32, #tpu.memory_space<vmem>>) semaphore(%run_scoped3A : memref<!tpu.dma_semaphore, #tpu.memory_space<semaphore_mem>>) {add = true}
        %dma_wait3A_120 = arith.constant 0 : i32
        %dma_wait3A_121 = arith.constant 0 : i32
        %dma_wait3A_122 = tpu.memref_slice %arg23[%dma_wait3A_120, %dma_wait3A_121] : memref<100096x16xf32, #tpu.memory_space<vmem_shared>> -> memref<100096x16xf32, #tpu.memory_space<vmem_shared>>
        tpu.wait_indirect_dma semaphore(%run_scoped3A : memref<!tpu.dma_semaphore, #tpu.memory_space<semaphore_mem>>) src(%arg15 : memref<400x16xf32, #tpu.memory_space<vmem>>) dst(%dma_wait3A_122 : memref<100096x16xf32, #tpu.memory_space<vmem_shared>>)
        tpu.yield
      }) : () -> ()
      %add3A_57 = arith.constant 2 : i32
      %add3A_58 = arith.addi %mul3A_32, %add3A_57 : i32
      %mul3A_59 = arith.constant 400 : i32
      %mul3A_60 = arith.muli %add3A_58, %mul3A_59 : i32
      %add3A_61 = arith.addi %add3A, %mul3A_60 : i32
      %dma_wait3A_62 = tpu.memref_slice %arg2[%add3A_61] : memref<6400000xi32, #tpu.memory_space<hbm>> -> memref<400xi32, #tpu.memory_space<hbm>>
      %dma_wait3A_63 = tpu.memref_slice %arg2[%add3A_61] : memref<6400000xi32, #tpu.memory_space<hbm>> -> memref<400xi32, #tpu.memory_space<hbm>>
      tpu.wait_dma2 semaphore(%arg19 : memref<!tpu.dma_semaphore, #tpu.memory_space<semaphore_mem>>) src(%dma_wait3A_63 : memref<400xi32, #tpu.memory_space<hbm>>) dst(%arg11 : memref<400xi32, #tpu.memory_space<vmem>>)
      %dma_wait3A_64 = tpu.memref_slice %arg3[%add3A_61] : memref<6400000xi32, #tpu.memory_space<hbm>> -> memref<400xi32, #tpu.memory_space<hbm>>
      %dma_wait3A_65 = tpu.memref_slice %arg3[%add3A_61] : memref<6400000xi32, #tpu.memory_space<hbm>> -> memref<400xi32, #tpu.memory_space<hbm>>
      tpu.wait_dma2 semaphore(%arg19 : memref<!tpu.dma_semaphore, #tpu.memory_space<semaphore_mem>>) src(%dma_wait3A_65 : memref<400xi32, #tpu.memory_space<hbm>>) dst(%arg12 : memref<400xi32, #tpu.memory_space<vmem>>)
      %dma_start3A_66 = arith.constant 0 : i32
      %dma_start3A_67 = arith.constant 0 : i32
      %dma_start3A_68 = tpu.memref_slice %arg4[%dma_start3A_66, %dma_start3A_67] : memref<100096x16xf32, #tpu.memory_space<hbm>> -> memref<100096x16xf32, #tpu.memory_space<hbm>>
      tpu.enqueue_indirect_dma source(%dma_start3A_68 : memref<100096x16xf32, #tpu.memory_space<hbm>>) target(%arg15 : memref<400x16xf32, #tpu.memory_space<vmem>>) offsets(%arg11 : memref<400xi32, #tpu.memory_space<vmem>>) semaphore(%arg21 : memref<!tpu.dma_semaphore, #tpu.memory_space<semaphore_mem>>)
      %add3A_69 = arith.constant 3 : i32
      %add3A_70 = arith.addi %mul3A_32, %add3A_69 : i32
      %mul3A_71 = arith.constant 400 : i32
      %mul3A_72 = arith.muli %add3A_70, %mul3A_71 : i32
      %add3A_73 = arith.addi %add3A, %mul3A_72 : i32
      %dma_start3A_74 = tpu.memref_slice %arg2[%add3A_73] : memref<6400000xi32, #tpu.memory_space<hbm>> -> memref<400xi32, #tpu.memory_space<hbm>>
      %dma_start3A_75 = tpu.memref_slice %arg2[%add3A_73] : memref<6400000xi32, #tpu.memory_space<hbm>> -> memref<400xi32, #tpu.memory_space<hbm>>
      tpu.enqueue_dma source(%dma_start3A_75 : memref<400xi32, #tpu.memory_space<hbm>>) target(%arg13 : memref<400xi32, #tpu.memory_space<vmem>>) target_semaphore(%arg20 : memref<!tpu.dma_semaphore, #tpu.memory_space<semaphore_mem>>)
      %dma_start3A_76 = tpu.memref_slice %arg3[%add3A_73] : memref<6400000xi32, #tpu.memory_space<hbm>> -> memref<400xi32, #tpu.memory_space<hbm>>
      %dma_start3A_77 = tpu.memref_slice %arg3[%add3A_73] : memref<6400000xi32, #tpu.memory_space<hbm>> -> memref<400xi32, #tpu.memory_space<hbm>>
      tpu.enqueue_dma source(%dma_start3A_77 : memref<400xi32, #tpu.memory_space<hbm>>) target(%arg14 : memref<400xi32, #tpu.memory_space<vmem>>) target_semaphore(%arg20 : memref<!tpu.dma_semaphore, #tpu.memory_space<semaphore_mem>>)
      %dma_wait3A_78 = arith.constant 0 : i32
      %dma_wait3A_79 = arith.constant 0 : i32
      %dma_wait3A_80 = tpu.memref_slice %arg4[%dma_wait3A_78, %dma_wait3A_79] : memref<100096x16xf32, #tpu.memory_space<hbm>> -> memref<100096x16xf32, #tpu.memory_space<hbm>>
      tpu.wait_indirect_dma semaphore(%arg22 : memref<!tpu.dma_semaphore, #tpu.memory_space<semaphore_mem>>) src(%dma_wait3A_80 : memref<100096x16xf32, #tpu.memory_space<hbm>>) dst(%arg16 : memref<400x16xf32, #tpu.memory_space<vmem>>)
      "tpu.region"() ({
        %run_scoped3A = tpu.sem_alloc : memref<!tpu.dma_semaphore, #tpu.memory_space<semaphore_mem>>
        %dma_start3A_117 = arith.constant 0 : i32
        %dma_start3A_118 = arith.constant 0 : i32
        %dma_start3A_119 = tpu.memref_slice %arg23[%dma_start3A_117, %dma_start3A_118] : memref<100096x16xf32, #tpu.memory_space<vmem_shared>> -> memref<100096x16xf32, #tpu.memory_space<vmem_shared>>
        tpu.enqueue_indirect_dma source(%arg16 : memref<400x16xf32, #tpu.memory_space<vmem>>) target(%dma_start3A_119 : memref<100096x16xf32, #tpu.memory_space<vmem_shared>>) offsets(%arg10 : memref<400xi32, #tpu.memory_space<vmem>>) semaphore(%run_scoped3A : memref<!tpu.dma_semaphore, #tpu.memory_space<semaphore_mem>>) {add = true}
        %dma_wait3A_120 = arith.constant 0 : i32
        %dma_wait3A_121 = arith.constant 0 : i32
        %dma_wait3A_122 = tpu.memref_slice %arg23[%dma_wait3A_120, %dma_wait3A_121] : memref<100096x16xf32, #tpu.memory_space<vmem_shared>> -> memref<100096x16xf32, #tpu.memory_space<vmem_shared>>
        tpu.wait_indirect_dma semaphore(%run_scoped3A : memref<!tpu.dma_semaphore, #tpu.memory_space<semaphore_mem>>) src(%arg16 : memref<400x16xf32, #tpu.memory_space<vmem>>) dst(%dma_wait3A_122 : memref<100096x16xf32, #tpu.memory_space<vmem_shared>>)
        tpu.yield
      }) : () -> ()
      %add3A_81 = arith.constant 3 : i32
      %add3A_82 = arith.addi %mul3A_32, %add3A_81 : i32
      %mul3A_83 = arith.constant 400 : i32
      %mul3A_84 = arith.muli %add3A_82, %mul3A_83 : i32
      %add3A_85 = arith.addi %add3A, %mul3A_84 : i32
      %dma_wait3A_86 = tpu.memref_slice %arg2[%add3A_85] : memref<6400000xi32, #tpu.memory_space<hbm>> -> memref<400xi32, #tpu.memory_space<hbm>>
      %dma_wait3A_87 = tpu.memref_slice %arg2[%add3A_85] : memref<6400000xi32, #tpu.memory_space<hbm>> -> memref<400xi32, #tpu.memory_space<hbm>>
      tpu.wait_dma2 semaphore(%arg20 : memref<!tpu.dma_semaphore, #tpu.memory_space<semaphore_mem>>) src(%dma_wait3A_87 : memref<400xi32, #tpu.memory_space<hbm>>) dst(%arg13 : memref<400xi32, #tpu.memory_space<vmem>>)
      %dma_wait3A_88 = tpu.memref_slice %arg3[%add3A_85] : memref<6400000xi32, #tpu.memory_space<hbm>> -> memref<400xi32, #tpu.memory_space<hbm>>
      %dma_wait3A_89 = tpu.memref_slice %arg3[%add3A_85] : memref<6400000xi32, #tpu.memory_space<hbm>> -> memref<400xi32, #tpu.memory_space<hbm>>
      tpu.wait_dma2 semaphore(%arg20 : memref<!tpu.dma_semaphore, #tpu.memory_space<semaphore_mem>>) src(%dma_wait3A_89 : memref<400xi32, #tpu.memory_space<hbm>>) dst(%arg14 : memref<400xi32, #tpu.memory_space<vmem>>)
      %dma_start3A_90 = arith.constant 0 : i32
      %dma_start3A_91 = arith.constant 0 : i32
      %dma_start3A_92 = tpu.memref_slice %arg4[%dma_start3A_90, %dma_start3A_91] : memref<100096x16xf32, #tpu.memory_space<hbm>> -> memref<100096x16xf32, #tpu.memory_space<hbm>>
      tpu.enqueue_indirect_dma source(%dma_start3A_92 : memref<100096x16xf32, #tpu.memory_space<hbm>>) target(%arg16 : memref<400x16xf32, #tpu.memory_space<vmem>>) offsets(%arg13 : memref<400xi32, #tpu.memory_space<vmem>>) semaphore(%arg22 : memref<!tpu.dma_semaphore, #tpu.memory_space<semaphore_mem>>)
      %add3A_93 = arith.constant 4 : i32
      %add3A_94 = arith.addi %mul3A_32, %add3A_93 : i32
      %lt3A = arith.constant 500 : i32
      %lt3A_95 = arith.cmpi slt, %add3A_94, %lt3A : i32
      %convert_element_type3A = arith.extui %lt3A_95 : i1 to i32
      %cond3A = arith.constant 0 : i32
      %cond3A_96 = arith.cmpi ne, %convert_element_type3A, %cond3A : i32
      scf.if %cond3A_96 {
        %add3A_117 = arith.constant 4 : i32
        %add3A_118 = arith.addi %mul3A_32, %add3A_117 : i32
        %mul3A_119 = arith.constant 400 : i32
        %mul3A_120 = arith.muli %add3A_118, %mul3A_119 : i32
        %add3A_121 = arith.addi %add3A, %mul3A_120 : i32
        %dma_start3A_122 = tpu.memref_slice %arg2[%add3A_121] : memref<6400000xi32, #tpu.memory_space<hbm>> -> memref<400xi32, #tpu.memory_space<hbm>>
        %dma_start3A_123 = tpu.memref_slice %arg2[%add3A_121] : memref<6400000xi32, #tpu.memory_space<hbm>> -> memref<400xi32, #tpu.memory_space<hbm>>
        tpu.enqueue_dma source(%dma_start3A_123 : memref<400xi32, #tpu.memory_space<hbm>>) target(%arg7 : memref<400xi32, #tpu.memory_space<vmem>>) target_semaphore(%arg17 : memref<!tpu.dma_semaphore, #tpu.memory_space<semaphore_mem>>)
        %dma_start3A_124 = tpu.memref_slice %arg3[%add3A_121] : memref<6400000xi32, #tpu.memory_space<hbm>> -> memref<400xi32, #tpu.memory_space<hbm>>
        %dma_start3A_125 = tpu.memref_slice %arg3[%add3A_121] : memref<6400000xi32, #tpu.memory_space<hbm>> -> memref<400xi32, #tpu.memory_space<hbm>>
        tpu.enqueue_dma source(%dma_start3A_125 : memref<400xi32, #tpu.memory_space<hbm>>) target(%arg8 : memref<400xi32, #tpu.memory_space<vmem>>) target_semaphore(%arg17 : memref<!tpu.dma_semaphore, #tpu.memory_space<semaphore_mem>>)
      } else {
      }
      %dma_wait3A_97 = arith.constant 0 : i32
      %dma_wait3A_98 = arith.constant 0 : i32
      %dma_wait3A_99 = tpu.memref_slice %arg4[%dma_wait3A_97, %dma_wait3A_98] : memref<100096x16xf32, #tpu.memory_space<hbm>> -> memref<100096x16xf32, #tpu.memory_space<hbm>>
      tpu.wait_indirect_dma semaphore(%arg21 : memref<!tpu.dma_semaphore, #tpu.memory_space<semaphore_mem>>) src(%dma_wait3A_99 : memref<100096x16xf32, #tpu.memory_space<hbm>>) dst(%arg15 : memref<400x16xf32, #tpu.memory_space<vmem>>)
      "tpu.region"() ({
        %run_scoped3A = tpu.sem_alloc : memref<!tpu.dma_semaphore, #tpu.memory_space<semaphore_mem>>
        %dma_start3A_117 = arith.constant 0 : i32
        %dma_start3A_118 = arith.constant 0 : i32
        %dma_start3A_119 = tpu.memref_slice %arg23[%dma_start3A_117, %dma_start3A_118] : memref<100096x16xf32, #tpu.memory_space<vmem_shared>> -> memref<100096x16xf32, #tpu.memory_space<vmem_shared>>
        tpu.enqueue_indirect_dma source(%arg15 : memref<400x16xf32, #tpu.memory_space<vmem>>) target(%dma_start3A_119 : memref<100096x16xf32, #tpu.memory_space<vmem_shared>>) offsets(%arg12 : memref<400xi32, #tpu.memory_space<vmem>>) semaphore(%run_scoped3A : memref<!tpu.dma_semaphore, #tpu.memory_space<semaphore_mem>>) {add = true}
        %dma_wait3A_120 = arith.constant 0 : i32
        %dma_wait3A_121 = arith.constant 0 : i32
        %dma_wait3A_122 = tpu.memref_slice %arg23[%dma_wait3A_120, %dma_wait3A_121] : memref<100096x16xf32, #tpu.memory_space<vmem_shared>> -> memref<100096x16xf32, #tpu.memory_space<vmem_shared>>
        tpu.wait_indirect_dma semaphore(%run_scoped3A : memref<!tpu.dma_semaphore, #tpu.memory_space<semaphore_mem>>) src(%arg15 : memref<400x16xf32, #tpu.memory_space<vmem>>) dst(%dma_wait3A_122 : memref<100096x16xf32, #tpu.memory_space<vmem_shared>>)
        tpu.yield
      }) : () -> ()
      %add3A_100 = arith.constant 4 : i32
      %add3A_101 = arith.addi %mul3A_32, %add3A_100 : i32
      %lt3A_102 = arith.constant 500 : i32
      %lt3A_103 = arith.cmpi slt, %add3A_101, %lt3A_102 : i32
      %convert_element_type3A_104 = arith.extui %lt3A_103 : i1 to i32
      %cond3A_105 = arith.constant 0 : i32
      %cond3A_106 = arith.cmpi ne, %convert_element_type3A_104, %cond3A_105 : i32
      scf.if %cond3A_106 {
        %add3A_117 = arith.constant 4 : i32
        %add3A_118 = arith.addi %mul3A_32, %add3A_117 : i32
        %mul3A_119 = arith.constant 400 : i32
        %mul3A_120 = arith.muli %add3A_118, %mul3A_119 : i32
        %add3A_121 = arith.addi %add3A, %mul3A_120 : i32
        %dma_wait3A_122 = tpu.memref_slice %arg2[%add3A_121] : memref<6400000xi32, #tpu.memory_space<hbm>> -> memref<400xi32, #tpu.memory_space<hbm>>
        %dma_wait3A_123 = tpu.memref_slice %arg2[%add3A_121] : memref<6400000xi32, #tpu.memory_space<hbm>> -> memref<400xi32, #tpu.memory_space<hbm>>
        tpu.wait_dma2 semaphore(%arg17 : memref<!tpu.dma_semaphore, #tpu.memory_space<semaphore_mem>>) src(%dma_wait3A_123 : memref<400xi32, #tpu.memory_space<hbm>>) dst(%arg7 : memref<400xi32, #tpu.memory_space<vmem>>)
        %dma_wait3A_124 = tpu.memref_slice %arg3[%add3A_121] : memref<6400000xi32, #tpu.memory_space<hbm>> -> memref<400xi32, #tpu.memory_space<hbm>>
        %dma_wait3A_125 = tpu.memref_slice %arg3[%add3A_121] : memref<6400000xi32, #tpu.memory_space<hbm>> -> memref<400xi32, #tpu.memory_space<hbm>>
        tpu.wait_dma2 semaphore(%arg17 : memref<!tpu.dma_semaphore, #tpu.memory_space<semaphore_mem>>) src(%dma_wait3A_125 : memref<400xi32, #tpu.memory_space<hbm>>) dst(%arg8 : memref<400xi32, #tpu.memory_space<vmem>>)
        %dma_start3A_126 = arith.constant 0 : i32
        %dma_start3A_127 = arith.constant 0 : i32
        %dma_start3A_128 = tpu.memref_slice %arg4[%dma_start3A_126, %dma_start3A_127] : memref<100096x16xf32, #tpu.memory_space<hbm>> -> memref<100096x16xf32, #tpu.memory_space<hbm>>
        tpu.enqueue_indirect_dma source(%dma_start3A_128 : memref<100096x16xf32, #tpu.memory_space<hbm>>) target(%arg15 : memref<400x16xf32, #tpu.memory_space<vmem>>) offsets(%arg7 : memref<400xi32, #tpu.memory_space<vmem>>) semaphore(%arg21 : memref<!tpu.dma_semaphore, #tpu.memory_space<semaphore_mem>>)
      } else {
      }
      %add3A_107 = arith.constant 5 : i32
      %add3A_108 = arith.addi %mul3A_32, %add3A_107 : i32
      %lt3A_109 = arith.constant 500 : i32
      %lt3A_110 = arith.cmpi slt, %add3A_108, %lt3A_109 : i32
      %convert_element_type3A_111 = arith.extui %lt3A_110 : i1 to i32
      %cond3A_112 = arith.constant 0 : i32
      %cond3A_113 = arith.cmpi ne, %convert_element_type3A_111, %cond3A_112 : i32
      scf.if %cond3A_113 {
        %add3A_117 = arith.constant 5 : i32
        %add3A_118 = arith.addi %mul3A_32, %add3A_117 : i32
        %mul3A_119 = arith.constant 400 : i32
        %mul3A_120 = arith.muli %add3A_118, %mul3A_119 : i32
        %add3A_121 = arith.addi %add3A, %mul3A_120 : i32
        %dma_start3A_122 = tpu.memref_slice %arg2[%add3A_121] : memref<6400000xi32, #tpu.memory_space<hbm>> -> memref<400xi32, #tpu.memory_space<hbm>>
        %dma_start3A_123 = tpu.memref_slice %arg2[%add3A_121] : memref<6400000xi32, #tpu.memory_space<hbm>> -> memref<400xi32, #tpu.memory_space<hbm>>
        tpu.enqueue_dma source(%dma_start3A_123 : memref<400xi32, #tpu.memory_space<hbm>>) target(%arg9 : memref<400xi32, #tpu.memory_space<vmem>>) target_semaphore(%arg18 : memref<!tpu.dma_semaphore, #tpu.memory_space<semaphore_mem>>)
        %dma_start3A_124 = tpu.memref_slice %arg3[%add3A_121] : memref<6400000xi32, #tpu.memory_space<hbm>> -> memref<400xi32, #tpu.memory_space<hbm>>
        %dma_start3A_125 = tpu.memref_slice %arg3[%add3A_121] : memref<6400000xi32, #tpu.memory_space<hbm>> -> memref<400xi32, #tpu.memory_space<hbm>>
        tpu.enqueue_dma source(%dma_start3A_125 : memref<400xi32, #tpu.memory_space<hbm>>) target(%arg10 : memref<400xi32, #tpu.memory_space<vmem>>) target_semaphore(%arg18 : memref<!tpu.dma_semaphore, #tpu.memory_space<semaphore_mem>>)
      } else {
      }
      %dma_wait3A_114 = arith.constant 0 : i32
      %dma_wait3A_115 = arith.constant 0 : i32
      %dma_wait3A_116 = tpu.memref_slice %arg4[%dma_wait3A_114, %dma_wait3A_115] : memref<100096x16xf32, #tpu.memory_space<hbm>> -> memref<100096x16xf32, #tpu.memory_space<hbm>>
      tpu.wait_indirect_dma semaphore(%arg22 : memref<!tpu.dma_semaphore, #tpu.memory_space<semaphore_mem>>) src(%dma_wait3A_116 : memref<100096x16xf32, #tpu.memory_space<hbm>>) dst(%arg16 : memref<400x16xf32, #tpu.memory_space<vmem>>)
      "tpu.region"() ({
        %run_scoped3A = tpu.sem_alloc : memref<!tpu.dma_semaphore, #tpu.memory_space<semaphore_mem>>
        %dma_start3A_117 = arith.constant 0 : i32
        %dma_start3A_118 = arith.constant 0 : i32
        %dma_start3A_119 = tpu.memref_slice %arg23[%dma_start3A_117, %dma_start3A_118] : memref<100096x16xf32, #tpu.memory_space<vmem_shared>> -> memref<100096x16xf32, #tpu.memory_space<vmem_shared>>
        tpu.enqueue_indirect_dma source(%arg16 : memref<400x16xf32, #tpu.memory_space<vmem>>) target(%dma_start3A_119 : memref<100096x16xf32, #tpu.memory_space<vmem_shared>>) offsets(%arg14 : memref<400xi32, #tpu.memory_space<vmem>>) semaphore(%run_scoped3A : memref<!tpu.dma_semaphore, #tpu.memory_space<semaphore_mem>>) {add = true}
        %dma_wait3A_120 = arith.constant 0 : i32
        %dma_wait3A_121 = arith.constant 0 : i32
        %dma_wait3A_122 = tpu.memref_slice %arg23[%dma_wait3A_120, %dma_wait3A_121] : memref<100096x16xf32, #tpu.memory_space<vmem_shared>> -> memref<100096x16xf32, #tpu.memory_space<vmem_shared>>
        tpu.wait_indirect_dma semaphore(%run_scoped3A : memref<!tpu.dma_semaphore, #tpu.memory_space<semaphore_mem>>) src(%arg16 : memref<400x16xf32, #tpu.memory_space<vmem>>) dst(%dma_wait3A_122 : memref<100096x16xf32, #tpu.memory_space<vmem_shared>>)
        tpu.yield
      }) : () -> ()
    }
    %scan3A_28 = arith.constant 125 : i32
    %barrier3A_29 = arith.constant 0 : index
    tpu.barrier barrier_id(%barrier3A_29)
    "tpu.region"() ({
      %run_scoped3A = tpu.sem_alloc : memref<!tpu.dma_semaphore, #tpu.memory_space<semaphore_mem>>
      %dma_start3A_30 = arith.constant 0 : i32
      %dma_start3A_31 = tpu.memref_slice %arg6[%arg0, %mul3A_0, %dma_start3A_30] : memref<2x100096x16xf32, #tpu.memory_space<hbm>> -> memref<1x6256x16xf32, #tpu.memory_space<hbm>>
      %dma_start3A_32 = tpu.memref_squeeze %dma_start3A_31 : memref<1x6256x16xf32, #tpu.memory_space<hbm>> -> memref<6256x16xf32, #tpu.memory_space<hbm>>
      %dma_start3A_33 = arith.constant 0 : i32
      %dma_start3A_34 = tpu.memref_slice %arg23[%mul3A_0, %dma_start3A_33] : memref<100096x16xf32, #tpu.memory_space<vmem_shared>> -> memref<6256x16xf32, #tpu.memory_space<vmem_shared>>
      tpu.enqueue_dma source(%dma_start3A_34 : memref<6256x16xf32, #tpu.memory_space<vmem_shared>>) target(%dma_start3A_32 : memref<6256x16xf32, #tpu.memory_space<hbm>>) target_semaphore(%run_scoped3A : memref<!tpu.dma_semaphore, #tpu.memory_space<semaphore_mem>>)
      %dma_wait3A_35 = arith.constant 0 : i32
      %dma_wait3A_36 = tpu.memref_slice %arg6[%arg0, %mul3A_0, %dma_wait3A_35] : memref<2x100096x16xf32, #tpu.memory_space<hbm>> -> memref<1x6256x16xf32, #tpu.memory_space<hbm>>
      %dma_wait3A_37 = tpu.memref_squeeze %dma_wait3A_36 : memref<1x6256x16xf32, #tpu.memory_space<hbm>> -> memref<6256x16xf32, #tpu.memory_space<hbm>>
      %dma_wait3A_38 = arith.constant 0 : i32
      %dma_wait3A_39 = tpu.memref_slice %arg23[%mul3A_0, %dma_wait3A_38] : memref<100096x16xf32, #tpu.memory_space<vmem_shared>> -> memref<6256x16xf32, #tpu.memory_space<vmem_shared>>
      tpu.wait_dma2 semaphore(%run_scoped3A : memref<!tpu.dma_semaphore, #tpu.memory_space<semaphore_mem>>) src(%dma_wait3A_39 : memref<6256x16xf32, #tpu.memory_space<vmem_shared>>) dst(%dma_wait3A_37 : memref<6256x16xf32, #tpu.memory_space<hbm>>)
      tpu.yield
    }) : () -> ()
    return
  }
}

#map = affine_map<(d0, d1) -> (0)>
#map1 = affine_map<(d0, d1) -> (0, 0)>
#map2 = affine_map<(d0, d1) -> (0, 0, 0)>
module attributes {stable_mosaic.version = 14 : i64} {
  func.func @_sc_deg(%arg0: i32, %arg1: i32, %arg2: memref<6400000xi32, #tpu.memory_space<hbm>>, %arg3: memref<2000x8xf32, #tpu.memory_space<hbm>>, %arg4: memref<100096x8xf32, #tpu.memory_space<hbm>>, %arg5: memref<2x100096x8xf32, #tpu.memory_space<hbm>>, %arg6: memref<2000xi32, #tpu.memory_space<vmem>>, %arg7: memref<2000xi32, #tpu.memory_space<vmem>>, %arg8: memref<2000x8xf32, #tpu.memory_space<vmem>>, %arg9: memref<!tpu.dma_semaphore, #tpu.memory_space<semaphore_mem>>, %arg10: memref<!tpu.dma_semaphore, #tpu.memory_space<semaphore_mem>>, %arg11: memref<100096x8xf32, #tpu.memory_space<vmem_shared>>) attributes {dimension_semantics = [#tpu.dimension_semantics<core_parallel>, #tpu.dimension_semantics<subcore_parallel>], iteration_bounds = array<i64: 2, 16>, scalar_prefetch = 0 : i64, scratch_operands = 6 : i64, tpu.core_type = #tpu.core_type<sc_vector_subcore>, window_params = [{transform_indices = #map}, {transform_indices = #map1}, {transform_indices = #map1}, {transform_indices = #map2}]} {
    %mul3A = arith.constant 6256 : i32
    %mul3A_0 = arith.muli %arg1, %mul3A : i32
    "tpu.region"() ({
      %run_scoped3A = tpu.sem_alloc : memref<!tpu.dma_semaphore, #tpu.memory_space<semaphore_mem>>
      %dma_start3A_14 = arith.constant 0 : i32
      %dma_start3A_15 = tpu.memref_slice %arg11[%mul3A_0, %dma_start3A_14] : memref<100096x8xf32, #tpu.memory_space<vmem_shared>> -> memref<6256x8xf32, #tpu.memory_space<vmem_shared>>
      %dma_start3A_16 = arith.constant 0 : i32
      %dma_start3A_17 = tpu.memref_slice %arg4[%mul3A_0, %dma_start3A_16] : memref<100096x8xf32, #tpu.memory_space<hbm>> -> memref<6256x8xf32, #tpu.memory_space<hbm>>
      tpu.enqueue_dma source(%dma_start3A_17 : memref<6256x8xf32, #tpu.memory_space<hbm>>) target(%dma_start3A_15 : memref<6256x8xf32, #tpu.memory_space<vmem_shared>>) target_semaphore(%run_scoped3A : memref<!tpu.dma_semaphore, #tpu.memory_space<semaphore_mem>>)
      %dma_wait3A = arith.constant 0 : i32
      %dma_wait3A_18 = tpu.memref_slice %arg11[%mul3A_0, %dma_wait3A] : memref<100096x8xf32, #tpu.memory_space<vmem_shared>> -> memref<6256x8xf32, #tpu.memory_space<vmem_shared>>
      %dma_wait3A_19 = arith.constant 0 : i32
      %dma_wait3A_20 = tpu.memref_slice %arg4[%mul3A_0, %dma_wait3A_19] : memref<100096x8xf32, #tpu.memory_space<hbm>> -> memref<6256x8xf32, #tpu.memory_space<hbm>>
      tpu.wait_dma2 semaphore(%run_scoped3A : memref<!tpu.dma_semaphore, #tpu.memory_space<semaphore_mem>>) src(%dma_wait3A_20 : memref<6256x8xf32, #tpu.memory_space<hbm>>) dst(%dma_wait3A_18 : memref<6256x8xf32, #tpu.memory_space<vmem_shared>>)
      tpu.yield
    }) : () -> ()
    "tpu.region"() ({
      %run_scoped3A = tpu.sem_alloc : memref<!tpu.dma_semaphore, #tpu.memory_space<semaphore_mem>>
      tpu.enqueue_dma source(%arg3 : memref<2000x8xf32, #tpu.memory_space<hbm>>) target(%arg8 : memref<2000x8xf32, #tpu.memory_space<vmem>>) target_semaphore(%run_scoped3A : memref<!tpu.dma_semaphore, #tpu.memory_space<semaphore_mem>>)
      tpu.wait_dma2 semaphore(%run_scoped3A : memref<!tpu.dma_semaphore, #tpu.memory_space<semaphore_mem>>) src(%arg3 : memref<2000x8xf32, #tpu.memory_space<hbm>>) dst(%arg8 : memref<2000x8xf32, #tpu.memory_space<vmem>>)
      tpu.yield
    }) : () -> ()
    %barrier3A = arith.constant 0 : index
    tpu.barrier barrier_id(%barrier3A)
    %mul3A_1 = arith.constant 3200000 : i32
    %mul3A_2 = arith.muli %arg0, %mul3A_1 : i32
    %mul3A_3 = arith.constant 200000 : i32
    %mul3A_4 = arith.muli %arg1, %mul3A_3 : i32
    %add3A = arith.addi %mul3A_2, %mul3A_4 : i32
    %add3A_5 = arith.constant 0 : i32
    %add3A_6 = arith.addi %add3A, %add3A_5 : i32
    %dma_start3A = tpu.memref_slice %arg2[%add3A_6] : memref<6400000xi32, #tpu.memory_space<hbm>> -> memref<2000xi32, #tpu.memory_space<hbm>>
    %dma_start3A_7 = tpu.memref_slice %arg2[%add3A_6] : memref<6400000xi32, #tpu.memory_space<hbm>> -> memref<2000xi32, #tpu.memory_space<hbm>>
    tpu.enqueue_dma source(%dma_start3A_7 : memref<2000xi32, #tpu.memory_space<hbm>>) target(%arg6 : memref<2000xi32, #tpu.memory_space<vmem>>) target_semaphore(%arg9 : memref<!tpu.dma_semaphore, #tpu.memory_space<semaphore_mem>>)
    %scan3A = arith.constant 0 : i32
    %scan3A_8 = arith.constant 0 : i32
    %scan3A_9 = arith.constant 50 : i32
    %scan3A_10 = arith.addi %scan3A_8, %scan3A_9 : i32
    %scan3A_11 = arith.constant 1 : i32
    scf.for %scan3A_14 = %scan3A_8 to %scan3A_10 step %scan3A_11  : i32 {
      %mul3A_15 = arith.constant 2 : i32
      %mul3A_16 = arith.muli %mul3A_15, %scan3A_14 : i32
      %add3A_17 = arith.constant 1 : i32
      %add3A_18 = arith.addi %mul3A_16, %add3A_17 : i32
      %mul3A_19 = arith.constant 2000 : i32
      %mul3A_20 = arith.muli %add3A_18, %mul3A_19 : i32
      %add3A_21 = arith.addi %add3A, %mul3A_20 : i32
      %dma_start3A_22 = tpu.memref_slice %arg2[%add3A_21] : memref<6400000xi32, #tpu.memory_space<hbm>> -> memref<2000xi32, #tpu.memory_space<hbm>>
      %dma_start3A_23 = tpu.memref_slice %arg2[%add3A_21] : memref<6400000xi32, #tpu.memory_space<hbm>> -> memref<2000xi32, #tpu.memory_space<hbm>>
      tpu.enqueue_dma source(%dma_start3A_23 : memref<2000xi32, #tpu.memory_space<hbm>>) target(%arg7 : memref<2000xi32, #tpu.memory_space<vmem>>) target_semaphore(%arg10 : memref<!tpu.dma_semaphore, #tpu.memory_space<semaphore_mem>>)
      %mul3A_24 = arith.constant 2000 : i32
      %mul3A_25 = arith.muli %mul3A_16, %mul3A_24 : i32
      %add3A_26 = arith.addi %add3A, %mul3A_25 : i32
      %dma_wait3A = tpu.memref_slice %arg2[%add3A_26] : memref<6400000xi32, #tpu.memory_space<hbm>> -> memref<2000xi32, #tpu.memory_space<hbm>>
      %dma_wait3A_27 = tpu.memref_slice %arg2[%add3A_26] : memref<6400000xi32, #tpu.memory_space<hbm>> -> memref<2000xi32, #tpu.memory_space<hbm>>
      tpu.wait_dma2 semaphore(%arg9 : memref<!tpu.dma_semaphore, #tpu.memory_space<semaphore_mem>>) src(%dma_wait3A_27 : memref<2000xi32, #tpu.memory_space<hbm>>) dst(%arg6 : memref<2000xi32, #tpu.memory_space<vmem>>)
      "tpu.region"() ({
        %run_scoped3A = tpu.sem_alloc : memref<!tpu.dma_semaphore, #tpu.memory_space<semaphore_mem>>
        %dma_start3A_39 = arith.constant 0 : i32
        %dma_start3A_40 = arith.constant 0 : i32
        %dma_start3A_41 = tpu.memref_slice %arg11[%dma_start3A_39, %dma_start3A_40] : memref<100096x8xf32, #tpu.memory_space<vmem_shared>> -> memref<100096x8xf32, #tpu.memory_space<vmem_shared>>
        tpu.enqueue_indirect_dma source(%arg8 : memref<2000x8xf32, #tpu.memory_space<vmem>>) target(%dma_start3A_41 : memref<100096x8xf32, #tpu.memory_space<vmem_shared>>) offsets(%arg6 : memref<2000xi32, #tpu.memory_space<vmem>>) semaphore(%run_scoped3A : memref<!tpu.dma_semaphore, #tpu.memory_space<semaphore_mem>>) {add = true}
        %dma_wait3A_42 = arith.constant 0 : i32
        %dma_wait3A_43 = arith.constant 0 : i32
        %dma_wait3A_44 = tpu.memref_slice %arg11[%dma_wait3A_42, %dma_wait3A_43] : memref<100096x8xf32, #tpu.memory_space<vmem_shared>> -> memref<100096x8xf32, #tpu.memory_space<vmem_shared>>
        tpu.wait_indirect_dma semaphore(%run_scoped3A : memref<!tpu.dma_semaphore, #tpu.memory_space<semaphore_mem>>) src(%arg8 : memref<2000x8xf32, #tpu.memory_space<vmem>>) dst(%dma_wait3A_44 : memref<100096x8xf32, #tpu.memory_space<vmem_shared>>)
        tpu.yield
      }) : () -> ()
      %add3A_28 = arith.constant 2 : i32
      %add3A_29 = arith.addi %mul3A_16, %add3A_28 : i32
      %lt3A = arith.constant 100 : i32
      %lt3A_30 = arith.cmpi slt, %add3A_29, %lt3A : i32
      %convert_element_type3A = arith.extui %lt3A_30 : i1 to i32
      %cond3A = arith.constant 0 : i32
      %cond3A_31 = arith.cmpi ne, %convert_element_type3A, %cond3A : i32
      scf.if %cond3A_31 {
        %add3A_39 = arith.constant 2 : i32
        %add3A_40 = arith.addi %mul3A_16, %add3A_39 : i32
        %mul3A_41 = arith.constant 2000 : i32
        %mul3A_42 = arith.muli %add3A_40, %mul3A_41 : i32
        %add3A_43 = arith.addi %add3A, %mul3A_42 : i32
        %dma_start3A_44 = tpu.memref_slice %arg2[%add3A_43] : memref<6400000xi32, #tpu.memory_space<hbm>> -> memref<2000xi32, #tpu.memory_space<hbm>>
        %dma_start3A_45 = tpu.memref_slice %arg2[%add3A_43] : memref<6400000xi32, #tpu.memory_space<hbm>> -> memref<2000xi32, #tpu.memory_space<hbm>>
        tpu.enqueue_dma source(%dma_start3A_45 : memref<2000xi32, #tpu.memory_space<hbm>>) target(%arg6 : memref<2000xi32, #tpu.memory_space<vmem>>) target_semaphore(%arg9 : memref<!tpu.dma_semaphore, #tpu.memory_space<semaphore_mem>>)
      } else {
      }
      %add3A_32 = arith.constant 1 : i32
      %add3A_33 = arith.addi %mul3A_16, %add3A_32 : i32
      %mul3A_34 = arith.constant 2000 : i32
      %mul3A_35 = arith.muli %add3A_33, %mul3A_34 : i32
      %add3A_36 = arith.addi %add3A, %mul3A_35 : i32
      %dma_wait3A_37 = tpu.memref_slice %arg2[%add3A_36] : memref<6400000xi32, #tpu.memory_space<hbm>> -> memref<2000xi32, #tpu.memory_space<hbm>>
      %dma_wait3A_38 = tpu.memref_slice %arg2[%add3A_36] : memref<6400000xi32, #tpu.memory_space<hbm>> -> memref<2000xi32, #tpu.memory_space<hbm>>
      tpu.wait_dma2 semaphore(%arg10 : memref<!tpu.dma_semaphore, #tpu.memory_space<semaphore_mem>>) src(%dma_wait3A_38 : memref<2000xi32, #tpu.memory_space<hbm>>) dst(%arg7 : memref<2000xi32, #tpu.memory_space<vmem>>)
      "tpu.region"() ({
        %run_scoped3A = tpu.sem_alloc : memref<!tpu.dma_semaphore, #tpu.memory_space<semaphore_mem>>
        %dma_start3A_39 = arith.constant 0 : i32
        %dma_start3A_40 = arith.constant 0 : i32
        %dma_start3A_41 = tpu.memref_slice %arg11[%dma_start3A_39, %dma_start3A_40] : memref<100096x8xf32, #tpu.memory_space<vmem_shared>> -> memref<100096x8xf32, #tpu.memory_space<vmem_shared>>
        tpu.enqueue_indirect_dma source(%arg8 : memref<2000x8xf32, #tpu.memory_space<vmem>>) target(%dma_start3A_41 : memref<100096x8xf32, #tpu.memory_space<vmem_shared>>) offsets(%arg7 : memref<2000xi32, #tpu.memory_space<vmem>>) semaphore(%run_scoped3A : memref<!tpu.dma_semaphore, #tpu.memory_space<semaphore_mem>>) {add = true}
        %dma_wait3A_42 = arith.constant 0 : i32
        %dma_wait3A_43 = arith.constant 0 : i32
        %dma_wait3A_44 = tpu.memref_slice %arg11[%dma_wait3A_42, %dma_wait3A_43] : memref<100096x8xf32, #tpu.memory_space<vmem_shared>> -> memref<100096x8xf32, #tpu.memory_space<vmem_shared>>
        tpu.wait_indirect_dma semaphore(%run_scoped3A : memref<!tpu.dma_semaphore, #tpu.memory_space<semaphore_mem>>) src(%arg8 : memref<2000x8xf32, #tpu.memory_space<vmem>>) dst(%dma_wait3A_44 : memref<100096x8xf32, #tpu.memory_space<vmem_shared>>)
        tpu.yield
      }) : () -> ()
    }
    %scan3A_12 = arith.constant 50 : i32
    %barrier3A_13 = arith.constant 0 : index
    tpu.barrier barrier_id(%barrier3A_13)
    "tpu.region"() ({
      %run_scoped3A = tpu.sem_alloc : memref<!tpu.dma_semaphore, #tpu.memory_space<semaphore_mem>>
      %dma_start3A_14 = arith.constant 0 : i32
      %dma_start3A_15 = tpu.memref_slice %arg5[%arg0, %mul3A_0, %dma_start3A_14] : memref<2x100096x8xf32, #tpu.memory_space<hbm>> -> memref<1x6256x8xf32, #tpu.memory_space<hbm>>
      %dma_start3A_16 = tpu.memref_squeeze %dma_start3A_15 : memref<1x6256x8xf32, #tpu.memory_space<hbm>> -> memref<6256x8xf32, #tpu.memory_space<hbm>>
      %dma_start3A_17 = arith.constant 0 : i32
      %dma_start3A_18 = tpu.memref_slice %arg11[%mul3A_0, %dma_start3A_17] : memref<100096x8xf32, #tpu.memory_space<vmem_shared>> -> memref<6256x8xf32, #tpu.memory_space<vmem_shared>>
      tpu.enqueue_dma source(%dma_start3A_18 : memref<6256x8xf32, #tpu.memory_space<vmem_shared>>) target(%dma_start3A_16 : memref<6256x8xf32, #tpu.memory_space<hbm>>) target_semaphore(%run_scoped3A : memref<!tpu.dma_semaphore, #tpu.memory_space<semaphore_mem>>)
      %dma_wait3A = arith.constant 0 : i32
      %dma_wait3A_19 = tpu.memref_slice %arg5[%arg0, %mul3A_0, %dma_wait3A] : memref<2x100096x8xf32, #tpu.memory_space<hbm>> -> memref<1x6256x8xf32, #tpu.memory_space<hbm>>
      %dma_wait3A_20 = tpu.memref_squeeze %dma_wait3A_19 : memref<1x6256x8xf32, #tpu.memory_space<hbm>> -> memref<6256x8xf32, #tpu.memory_space<hbm>>
      %dma_wait3A_21 = arith.constant 0 : i32
      %dma_wait3A_22 = tpu.memref_slice %arg11[%mul3A_0, %dma_wait3A_21] : memref<100096x8xf32, #tpu.memory_space<vmem_shared>> -> memref<6256x8xf32, #tpu.memory_space<vmem_shared>>
      tpu.wait_dma2 semaphore(%run_scoped3A : memref<!tpu.dma_semaphore, #tpu.memory_space<semaphore_mem>>) src(%dma_wait3A_22 : memref<6256x8xf32, #tpu.memory_space<vmem_shared>>) dst(%dma_wait3A_20 : memref<6256x8xf32, #tpu.memory_space<hbm>>)
      tpu.yield
    }) : () -> ()
    return
  }
}

#map = affine_map<(d0, d1) -> (0)>
#map1 = affine_map<(d0, d1) -> (0, 0)>
#map2 = affine_map<(d0, d1) -> (0, 0, 0)>
module attributes {stable_mosaic.version = 14 : i64} {
  func.func @_prop(%arg0: i32, %arg1: i32, %arg2: memref<6400000xi32, #tpu.memory_space<hbm>>, %arg3: memref<6400000xi32, #tpu.memory_space<hbm>>, %arg4: memref<100096x8xf32, #tpu.memory_space<hbm>>, %arg5: memref<100096x8xf32, #tpu.memory_space<hbm>>, %arg6: memref<2x100096x8xf32, #tpu.memory_space<hbm>>, %arg7: memref<2000xi32, #tpu.memory_space<vmem>>, %arg8: memref<2000xi32, #tpu.memory_space<vmem>>, %arg9: memref<2000xi32, #tpu.memory_space<vmem>>, %arg10: memref<2000xi32, #tpu.memory_space<vmem>>, %arg11: memref<2000xi32, #tpu.memory_space<vmem>>, %arg12: memref<2000xi32, #tpu.memory_space<vmem>>, %arg13: memref<2000xi32, #tpu.memory_space<vmem>>, %arg14: memref<2000xi32, #tpu.memory_space<vmem>>, %arg15: memref<2000x8xf32, #tpu.memory_space<vmem>>, %arg16: memref<2000x8xf32, #tpu.memory_space<vmem>>, %arg17: memref<!tpu.dma_semaphore, #tpu.memory_space<semaphore_mem>>, %arg18: memref<!tpu.dma_semaphore, #tpu.memory_space<semaphore_mem>>, %arg19: memref<!tpu.dma_semaphore, #tpu.memory_space<semaphore_mem>>, %arg20: memref<!tpu.dma_semaphore, #tpu.memory_space<semaphore_mem>>, %arg21: memref<!tpu.dma_semaphore, #tpu.memory_space<semaphore_mem>>, %arg22: memref<!tpu.dma_semaphore, #tpu.memory_space<semaphore_mem>>, %arg23: memref<100096x8xf32, #tpu.memory_space<vmem_shared>>) attributes {dimension_semantics = [#tpu.dimension_semantics<core_parallel>, #tpu.dimension_semantics<subcore_parallel>], iteration_bounds = array<i64: 2, 16>, scalar_prefetch = 0 : i64, scratch_operands = 17 : i64, tpu.core_type = #tpu.core_type<sc_vector_subcore>, window_params = [{transform_indices = #map}, {transform_indices = #map}, {transform_indices = #map1}, {transform_indices = #map1}, {transform_indices = #map2}]} {
    %mul3A = arith.constant 6256 : i32
    %mul3A_0 = arith.muli %arg1, %mul3A : i32
    "tpu.region"() ({
      %run_scoped3A = tpu.sem_alloc : memref<!tpu.dma_semaphore, #tpu.memory_space<semaphore_mem>>
      %dma_start3A_30 = arith.constant 0 : i32
      %dma_start3A_31 = tpu.memref_slice %arg23[%mul3A_0, %dma_start3A_30] : memref<100096x8xf32, #tpu.memory_space<vmem_shared>> -> memref<6256x8xf32, #tpu.memory_space<vmem_shared>>
      %dma_start3A_32 = arith.constant 0 : i32
      %dma_start3A_33 = tpu.memref_slice %arg5[%mul3A_0, %dma_start3A_32] : memref<100096x8xf32, #tpu.memory_space<hbm>> -> memref<6256x8xf32, #tpu.memory_space<hbm>>
      tpu.enqueue_dma source(%dma_start3A_33 : memref<6256x8xf32, #tpu.memory_space<hbm>>) target(%dma_start3A_31 : memref<6256x8xf32, #tpu.memory_space<vmem_shared>>) target_semaphore(%run_scoped3A : memref<!tpu.dma_semaphore, #tpu.memory_space<semaphore_mem>>)
      %dma_wait3A_34 = arith.constant 0 : i32
      %dma_wait3A_35 = tpu.memref_slice %arg23[%mul3A_0, %dma_wait3A_34] : memref<100096x8xf32, #tpu.memory_space<vmem_shared>> -> memref<6256x8xf32, #tpu.memory_space<vmem_shared>>
      %dma_wait3A_36 = arith.constant 0 : i32
      %dma_wait3A_37 = tpu.memref_slice %arg5[%mul3A_0, %dma_wait3A_36] : memref<100096x8xf32, #tpu.memory_space<hbm>> -> memref<6256x8xf32, #tpu.memory_space<hbm>>
      tpu.wait_dma2 semaphore(%run_scoped3A : memref<!tpu.dma_semaphore, #tpu.memory_space<semaphore_mem>>) src(%dma_wait3A_37 : memref<6256x8xf32, #tpu.memory_space<hbm>>) dst(%dma_wait3A_35 : memref<6256x8xf32, #tpu.memory_space<vmem_shared>>)
      tpu.yield
    }) : () -> ()
    %barrier3A = arith.constant 0 : index
    tpu.barrier barrier_id(%barrier3A)
    %mul3A_1 = arith.constant 3200000 : i32
    %mul3A_2 = arith.muli %arg0, %mul3A_1 : i32
    %mul3A_3 = arith.constant 200000 : i32
    %mul3A_4 = arith.muli %arg1, %mul3A_3 : i32
    %add3A = arith.addi %mul3A_2, %mul3A_4 : i32
    %add3A_5 = arith.constant 0 : i32
    %add3A_6 = arith.addi %add3A, %add3A_5 : i32
    %dma_start3A = tpu.memref_slice %arg2[%add3A_6] : memref<6400000xi32, #tpu.memory_space<hbm>> -> memref<2000xi32, #tpu.memory_space<hbm>>
    %dma_start3A_7 = tpu.memref_slice %arg2[%add3A_6] : memref<6400000xi32, #tpu.memory_space<hbm>> -> memref<2000xi32, #tpu.memory_space<hbm>>
    tpu.enqueue_dma source(%dma_start3A_7 : memref<2000xi32, #tpu.memory_space<hbm>>) target(%arg7 : memref<2000xi32, #tpu.memory_space<vmem>>) target_semaphore(%arg17 : memref<!tpu.dma_semaphore, #tpu.memory_space<semaphore_mem>>)
    %dma_start3A_8 = tpu.memref_slice %arg3[%add3A_6] : memref<6400000xi32, #tpu.memory_space<hbm>> -> memref<2000xi32, #tpu.memory_space<hbm>>
    %dma_start3A_9 = tpu.memref_slice %arg3[%add3A_6] : memref<6400000xi32, #tpu.memory_space<hbm>> -> memref<2000xi32, #tpu.memory_space<hbm>>
    tpu.enqueue_dma source(%dma_start3A_9 : memref<2000xi32, #tpu.memory_space<hbm>>) target(%arg8 : memref<2000xi32, #tpu.memory_space<vmem>>) target_semaphore(%arg17 : memref<!tpu.dma_semaphore, #tpu.memory_space<semaphore_mem>>)
    %add3A_10 = arith.constant 0 : i32
    %add3A_11 = arith.addi %add3A, %add3A_10 : i32
    %dma_wait3A = tpu.memref_slice %arg2[%add3A_11] : memref<6400000xi32, #tpu.memory_space<hbm>> -> memref<2000xi32, #tpu.memory_space<hbm>>
    %dma_wait3A_12 = tpu.memref_slice %arg2[%add3A_11] : memref<6400000xi32, #tpu.memory_space<hbm>> -> memref<2000xi32, #tpu.memory_space<hbm>>
    tpu.wait_dma2 semaphore(%arg17 : memref<!tpu.dma_semaphore, #tpu.memory_space<semaphore_mem>>) src(%dma_wait3A_12 : memref<2000xi32, #tpu.memory_space<hbm>>) dst(%arg7 : memref<2000xi32, #tpu.memory_space<vmem>>)
    %dma_wait3A_13 = tpu.memref_slice %arg3[%add3A_11] : memref<6400000xi32, #tpu.memory_space<hbm>> -> memref<2000xi32, #tpu.memory_space<hbm>>
    %dma_wait3A_14 = tpu.memref_slice %arg3[%add3A_11] : memref<6400000xi32, #tpu.memory_space<hbm>> -> memref<2000xi32, #tpu.memory_space<hbm>>
    tpu.wait_dma2 semaphore(%arg17 : memref<!tpu.dma_semaphore, #tpu.memory_space<semaphore_mem>>) src(%dma_wait3A_14 : memref<2000xi32, #tpu.memory_space<hbm>>) dst(%arg8 : memref<2000xi32, #tpu.memory_space<vmem>>)
    %dma_start3A_15 = arith.constant 0 : i32
    %dma_start3A_16 = arith.constant 0 : i32
    %dma_start3A_17 = tpu.memref_slice %arg4[%dma_start3A_15, %dma_start3A_16] : memref<100096x8xf32, #tpu.memory_space<hbm>> -> memref<100096x8xf32, #tpu.memory_space<hbm>>
    tpu.enqueue_indirect_dma source(%dma_start3A_17 : memref<100096x8xf32, #tpu.memory_space<hbm>>) target(%arg15 : memref<2000x8xf32, #tpu.memory_space<vmem>>) offsets(%arg7 : memref<2000xi32, #tpu.memory_space<vmem>>) semaphore(%arg21 : memref<!tpu.dma_semaphore, #tpu.memory_space<semaphore_mem>>)
    %add3A_18 = arith.constant 2000 : i32
    %add3A_19 = arith.addi %add3A, %add3A_18 : i32
    %dma_start3A_20 = tpu.memref_slice %arg2[%add3A_19] : memref<6400000xi32, #tpu.memory_space<hbm>> -> memref<2000xi32, #tpu.memory_space<hbm>>
    %dma_start3A_21 = tpu.memref_slice %arg2[%add3A_19] : memref<6400000xi32, #tpu.memory_space<hbm>> -> memref<2000xi32, #tpu.memory_space<hbm>>
    tpu.enqueue_dma source(%dma_start3A_21 : memref<2000xi32, #tpu.memory_space<hbm>>) target(%arg9 : memref<2000xi32, #tpu.memory_space<vmem>>) target_semaphore(%arg18 : memref<!tpu.dma_semaphore, #tpu.memory_space<semaphore_mem>>)
    %dma_start3A_22 = tpu.memref_slice %arg3[%add3A_19] : memref<6400000xi32, #tpu.memory_space<hbm>> -> memref<2000xi32, #tpu.memory_space<hbm>>
    %dma_start3A_23 = tpu.memref_slice %arg3[%add3A_19] : memref<6400000xi32, #tpu.memory_space<hbm>> -> memref<2000xi32, #tpu.memory_space<hbm>>
    tpu.enqueue_dma source(%dma_start3A_23 : memref<2000xi32, #tpu.memory_space<hbm>>) target(%arg10 : memref<2000xi32, #tpu.memory_space<vmem>>) target_semaphore(%arg18 : memref<!tpu.dma_semaphore, #tpu.memory_space<semaphore_mem>>)
    %scan3A = arith.constant 0 : i32
    %scan3A_24 = arith.constant 0 : i32
    %scan3A_25 = arith.constant 25 : i32
    %scan3A_26 = arith.addi %scan3A_24, %scan3A_25 : i32
    %scan3A_27 = arith.constant 1 : i32
    scf.for %scan3A_30 = %scan3A_24 to %scan3A_26 step %scan3A_27  : i32 {
      %mul3A_31 = arith.constant 4 : i32
      %mul3A_32 = arith.muli %mul3A_31, %scan3A_30 : i32
      %add3A_33 = arith.constant 1 : i32
      %add3A_34 = arith.addi %mul3A_32, %add3A_33 : i32
      %mul3A_35 = arith.constant 2000 : i32
      %mul3A_36 = arith.muli %add3A_34, %mul3A_35 : i32
      %add3A_37 = arith.addi %add3A, %mul3A_36 : i32
      %dma_wait3A_38 = tpu.memref_slice %arg2[%add3A_37] : memref<6400000xi32, #tpu.memory_space<hbm>> -> memref<2000xi32, #tpu.memory_space<hbm>>
      %dma_wait3A_39 = tpu.memref_slice %arg2[%add3A_37] : memref<6400000xi32, #tpu.memory_space<hbm>> -> memref<2000xi32, #tpu.memory_space<hbm>>
      tpu.wait_dma2 semaphore(%arg18 : memref<!tpu.dma_semaphore, #tpu.memory_space<semaphore_mem>>) src(%dma_wait3A_39 : memref<2000xi32, #tpu.memory_space<hbm>>) dst(%arg9 : memref<2000xi32, #tpu.memory_space<vmem>>)
      %dma_wait3A_40 = tpu.memref_slice %arg3[%add3A_37] : memref<6400000xi32, #tpu.memory_space<hbm>> -> memref<2000xi32, #tpu.memory_space<hbm>>
      %dma_wait3A_41 = tpu.memref_slice %arg3[%add3A_37] : memref<6400000xi32, #tpu.memory_space<hbm>> -> memref<2000xi32, #tpu.memory_space<hbm>>
      tpu.wait_dma2 semaphore(%arg18 : memref<!tpu.dma_semaphore, #tpu.memory_space<semaphore_mem>>) src(%dma_wait3A_41 : memref<2000xi32, #tpu.memory_space<hbm>>) dst(%arg10 : memref<2000xi32, #tpu.memory_space<vmem>>)
      %dma_start3A_42 = arith.constant 0 : i32
      %dma_start3A_43 = arith.constant 0 : i32
      %dma_start3A_44 = tpu.memref_slice %arg4[%dma_start3A_42, %dma_start3A_43] : memref<100096x8xf32, #tpu.memory_space<hbm>> -> memref<100096x8xf32, #tpu.memory_space<hbm>>
      tpu.enqueue_indirect_dma source(%dma_start3A_44 : memref<100096x8xf32, #tpu.memory_space<hbm>>) target(%arg16 : memref<2000x8xf32, #tpu.memory_space<vmem>>) offsets(%arg9 : memref<2000xi32, #tpu.memory_space<vmem>>) semaphore(%arg22 : memref<!tpu.dma_semaphore, #tpu.memory_space<semaphore_mem>>)
      %add3A_45 = arith.constant 2 : i32
      %add3A_46 = arith.addi %mul3A_32, %add3A_45 : i32
      %mul3A_47 = arith.constant 2000 : i32
      %mul3A_48 = arith.muli %add3A_46, %mul3A_47 : i32
      %add3A_49 = arith.addi %add3A, %mul3A_48 : i32
      %dma_start3A_50 = tpu.memref_slice %arg2[%add3A_49] : memref<6400000xi32, #tpu.memory_space<hbm>> -> memref<2000xi32, #tpu.memory_space<hbm>>
      %dma_start3A_51 = tpu.memref_slice %arg2[%add3A_49] : memref<6400000xi32, #tpu.memory_space<hbm>> -> memref<2000xi32, #tpu.memory_space<hbm>>
      tpu.enqueue_dma source(%dma_start3A_51 : memref<2000xi32, #tpu.memory_space<hbm>>) target(%arg11 : memref<2000xi32, #tpu.memory_space<vmem>>) target_semaphore(%arg19 : memref<!tpu.dma_semaphore, #tpu.memory_space<semaphore_mem>>)
      %dma_start3A_52 = tpu.memref_slice %arg3[%add3A_49] : memref<6400000xi32, #tpu.memory_space<hbm>> -> memref<2000xi32, #tpu.memory_space<hbm>>
      %dma_start3A_53 = tpu.memref_slice %arg3[%add3A_49] : memref<6400000xi32, #tpu.memory_space<hbm>> -> memref<2000xi32, #tpu.memory_space<hbm>>
      tpu.enqueue_dma source(%dma_start3A_53 : memref<2000xi32, #tpu.memory_space<hbm>>) target(%arg12 : memref<2000xi32, #tpu.memory_space<vmem>>) target_semaphore(%arg19 : memref<!tpu.dma_semaphore, #tpu.memory_space<semaphore_mem>>)
      %dma_wait3A_54 = arith.constant 0 : i32
      %dma_wait3A_55 = arith.constant 0 : i32
      %dma_wait3A_56 = tpu.memref_slice %arg4[%dma_wait3A_54, %dma_wait3A_55] : memref<100096x8xf32, #tpu.memory_space<hbm>> -> memref<100096x8xf32, #tpu.memory_space<hbm>>
      tpu.wait_indirect_dma semaphore(%arg21 : memref<!tpu.dma_semaphore, #tpu.memory_space<semaphore_mem>>) src(%dma_wait3A_56 : memref<100096x8xf32, #tpu.memory_space<hbm>>) dst(%arg15 : memref<2000x8xf32, #tpu.memory_space<vmem>>)
      "tpu.region"() ({
        %run_scoped3A = tpu.sem_alloc : memref<!tpu.dma_semaphore, #tpu.memory_space<semaphore_mem>>
        %dma_start3A_117 = arith.constant 0 : i32
        %dma_start3A_118 = arith.constant 0 : i32
        %dma_start3A_119 = tpu.memref_slice %arg23[%dma_start3A_117, %dma_start3A_118] : memref<100096x8xf32, #tpu.memory_space<vmem_shared>> -> memref<100096x8xf32, #tpu.memory_space<vmem_shared>>
        tpu.enqueue_indirect_dma source(%arg15 : memref<2000x8xf32, #tpu.memory_space<vmem>>) target(%dma_start3A_119 : memref<100096x8xf32, #tpu.memory_space<vmem_shared>>) offsets(%arg8 : memref<2000xi32, #tpu.memory_space<vmem>>) semaphore(%run_scoped3A : memref<!tpu.dma_semaphore, #tpu.memory_space<semaphore_mem>>) {add = true}
        %dma_wait3A_120 = arith.constant 0 : i32
        %dma_wait3A_121 = arith.constant 0 : i32
        %dma_wait3A_122 = tpu.memref_slice %arg23[%dma_wait3A_120, %dma_wait3A_121] : memref<100096x8xf32, #tpu.memory_space<vmem_shared>> -> memref<100096x8xf32, #tpu.memory_space<vmem_shared>>
        tpu.wait_indirect_dma semaphore(%run_scoped3A : memref<!tpu.dma_semaphore, #tpu.memory_space<semaphore_mem>>) src(%arg15 : memref<2000x8xf32, #tpu.memory_space<vmem>>) dst(%dma_wait3A_122 : memref<100096x8xf32, #tpu.memory_space<vmem_shared>>)
        tpu.yield
      }) : () -> ()
      %add3A_57 = arith.constant 2 : i32
      %add3A_58 = arith.addi %mul3A_32, %add3A_57 : i32
      %mul3A_59 = arith.constant 2000 : i32
      %mul3A_60 = arith.muli %add3A_58, %mul3A_59 : i32
      %add3A_61 = arith.addi %add3A, %mul3A_60 : i32
      %dma_wait3A_62 = tpu.memref_slice %arg2[%add3A_61] : memref<6400000xi32, #tpu.memory_space<hbm>> -> memref<2000xi32, #tpu.memory_space<hbm>>
      %dma_wait3A_63 = tpu.memref_slice %arg2[%add3A_61] : memref<6400000xi32, #tpu.memory_space<hbm>> -> memref<2000xi32, #tpu.memory_space<hbm>>
      tpu.wait_dma2 semaphore(%arg19 : memref<!tpu.dma_semaphore, #tpu.memory_space<semaphore_mem>>) src(%dma_wait3A_63 : memref<2000xi32, #tpu.memory_space<hbm>>) dst(%arg11 : memref<2000xi32, #tpu.memory_space<vmem>>)
      %dma_wait3A_64 = tpu.memref_slice %arg3[%add3A_61] : memref<6400000xi32, #tpu.memory_space<hbm>> -> memref<2000xi32, #tpu.memory_space<hbm>>
      %dma_wait3A_65 = tpu.memref_slice %arg3[%add3A_61] : memref<6400000xi32, #tpu.memory_space<hbm>> -> memref<2000xi32, #tpu.memory_space<hbm>>
      tpu.wait_dma2 semaphore(%arg19 : memref<!tpu.dma_semaphore, #tpu.memory_space<semaphore_mem>>) src(%dma_wait3A_65 : memref<2000xi32, #tpu.memory_space<hbm>>) dst(%arg12 : memref<2000xi32, #tpu.memory_space<vmem>>)
      %dma_start3A_66 = arith.constant 0 : i32
      %dma_start3A_67 = arith.constant 0 : i32
      %dma_start3A_68 = tpu.memref_slice %arg4[%dma_start3A_66, %dma_start3A_67] : memref<100096x8xf32, #tpu.memory_space<hbm>> -> memref<100096x8xf32, #tpu.memory_space<hbm>>
      tpu.enqueue_indirect_dma source(%dma_start3A_68 : memref<100096x8xf32, #tpu.memory_space<hbm>>) target(%arg15 : memref<2000x8xf32, #tpu.memory_space<vmem>>) offsets(%arg11 : memref<2000xi32, #tpu.memory_space<vmem>>) semaphore(%arg21 : memref<!tpu.dma_semaphore, #tpu.memory_space<semaphore_mem>>)
      %add3A_69 = arith.constant 3 : i32
      %add3A_70 = arith.addi %mul3A_32, %add3A_69 : i32
      %mul3A_71 = arith.constant 2000 : i32
      %mul3A_72 = arith.muli %add3A_70, %mul3A_71 : i32
      %add3A_73 = arith.addi %add3A, %mul3A_72 : i32
      %dma_start3A_74 = tpu.memref_slice %arg2[%add3A_73] : memref<6400000xi32, #tpu.memory_space<hbm>> -> memref<2000xi32, #tpu.memory_space<hbm>>
      %dma_start3A_75 = tpu.memref_slice %arg2[%add3A_73] : memref<6400000xi32, #tpu.memory_space<hbm>> -> memref<2000xi32, #tpu.memory_space<hbm>>
      tpu.enqueue_dma source(%dma_start3A_75 : memref<2000xi32, #tpu.memory_space<hbm>>) target(%arg13 : memref<2000xi32, #tpu.memory_space<vmem>>) target_semaphore(%arg20 : memref<!tpu.dma_semaphore, #tpu.memory_space<semaphore_mem>>)
      %dma_start3A_76 = tpu.memref_slice %arg3[%add3A_73] : memref<6400000xi32, #tpu.memory_space<hbm>> -> memref<2000xi32, #tpu.memory_space<hbm>>
      %dma_start3A_77 = tpu.memref_slice %arg3[%add3A_73] : memref<6400000xi32, #tpu.memory_space<hbm>> -> memref<2000xi32, #tpu.memory_space<hbm>>
      tpu.enqueue_dma source(%dma_start3A_77 : memref<2000xi32, #tpu.memory_space<hbm>>) target(%arg14 : memref<2000xi32, #tpu.memory_space<vmem>>) target_semaphore(%arg20 : memref<!tpu.dma_semaphore, #tpu.memory_space<semaphore_mem>>)
      %dma_wait3A_78 = arith.constant 0 : i32
      %dma_wait3A_79 = arith.constant 0 : i32
      %dma_wait3A_80 = tpu.memref_slice %arg4[%dma_wait3A_78, %dma_wait3A_79] : memref<100096x8xf32, #tpu.memory_space<hbm>> -> memref<100096x8xf32, #tpu.memory_space<hbm>>
      tpu.wait_indirect_dma semaphore(%arg22 : memref<!tpu.dma_semaphore, #tpu.memory_space<semaphore_mem>>) src(%dma_wait3A_80 : memref<100096x8xf32, #tpu.memory_space<hbm>>) dst(%arg16 : memref<2000x8xf32, #tpu.memory_space<vmem>>)
      "tpu.region"() ({
        %run_scoped3A = tpu.sem_alloc : memref<!tpu.dma_semaphore, #tpu.memory_space<semaphore_mem>>
        %dma_start3A_117 = arith.constant 0 : i32
        %dma_start3A_118 = arith.constant 0 : i32
        %dma_start3A_119 = tpu.memref_slice %arg23[%dma_start3A_117, %dma_start3A_118] : memref<100096x8xf32, #tpu.memory_space<vmem_shared>> -> memref<100096x8xf32, #tpu.memory_space<vmem_shared>>
        tpu.enqueue_indirect_dma source(%arg16 : memref<2000x8xf32, #tpu.memory_space<vmem>>) target(%dma_start3A_119 : memref<100096x8xf32, #tpu.memory_space<vmem_shared>>) offsets(%arg10 : memref<2000xi32, #tpu.memory_space<vmem>>) semaphore(%run_scoped3A : memref<!tpu.dma_semaphore, #tpu.memory_space<semaphore_mem>>) {add = true}
        %dma_wait3A_120 = arith.constant 0 : i32
        %dma_wait3A_121 = arith.constant 0 : i32
        %dma_wait3A_122 = tpu.memref_slice %arg23[%dma_wait3A_120, %dma_wait3A_121] : memref<100096x8xf32, #tpu.memory_space<vmem_shared>> -> memref<100096x8xf32, #tpu.memory_space<vmem_shared>>
        tpu.wait_indirect_dma semaphore(%run_scoped3A : memref<!tpu.dma_semaphore, #tpu.memory_space<semaphore_mem>>) src(%arg16 : memref<2000x8xf32, #tpu.memory_space<vmem>>) dst(%dma_wait3A_122 : memref<100096x8xf32, #tpu.memory_space<vmem_shared>>)
        tpu.yield
      }) : () -> ()
      %add3A_81 = arith.constant 3 : i32
      %add3A_82 = arith.addi %mul3A_32, %add3A_81 : i32
      %mul3A_83 = arith.constant 2000 : i32
      %mul3A_84 = arith.muli %add3A_82, %mul3A_83 : i32
      %add3A_85 = arith.addi %add3A, %mul3A_84 : i32
      %dma_wait3A_86 = tpu.memref_slice %arg2[%add3A_85] : memref<6400000xi32, #tpu.memory_space<hbm>> -> memref<2000xi32, #tpu.memory_space<hbm>>
      %dma_wait3A_87 = tpu.memref_slice %arg2[%add3A_85] : memref<6400000xi32, #tpu.memory_space<hbm>> -> memref<2000xi32, #tpu.memory_space<hbm>>
      tpu.wait_dma2 semaphore(%arg20 : memref<!tpu.dma_semaphore, #tpu.memory_space<semaphore_mem>>) src(%dma_wait3A_87 : memref<2000xi32, #tpu.memory_space<hbm>>) dst(%arg13 : memref<2000xi32, #tpu.memory_space<vmem>>)
      %dma_wait3A_88 = tpu.memref_slice %arg3[%add3A_85] : memref<6400000xi32, #tpu.memory_space<hbm>> -> memref<2000xi32, #tpu.memory_space<hbm>>
      %dma_wait3A_89 = tpu.memref_slice %arg3[%add3A_85] : memref<6400000xi32, #tpu.memory_space<hbm>> -> memref<2000xi32, #tpu.memory_space<hbm>>
      tpu.wait_dma2 semaphore(%arg20 : memref<!tpu.dma_semaphore, #tpu.memory_space<semaphore_mem>>) src(%dma_wait3A_89 : memref<2000xi32, #tpu.memory_space<hbm>>) dst(%arg14 : memref<2000xi32, #tpu.memory_space<vmem>>)
      %dma_start3A_90 = arith.constant 0 : i32
      %dma_start3A_91 = arith.constant 0 : i32
      %dma_start3A_92 = tpu.memref_slice %arg4[%dma_start3A_90, %dma_start3A_91] : memref<100096x8xf32, #tpu.memory_space<hbm>> -> memref<100096x8xf32, #tpu.memory_space<hbm>>
      tpu.enqueue_indirect_dma source(%dma_start3A_92 : memref<100096x8xf32, #tpu.memory_space<hbm>>) target(%arg16 : memref<2000x8xf32, #tpu.memory_space<vmem>>) offsets(%arg13 : memref<2000xi32, #tpu.memory_space<vmem>>) semaphore(%arg22 : memref<!tpu.dma_semaphore, #tpu.memory_space<semaphore_mem>>)
      %add3A_93 = arith.constant 4 : i32
      %add3A_94 = arith.addi %mul3A_32, %add3A_93 : i32
      %lt3A = arith.constant 100 : i32
      %lt3A_95 = arith.cmpi slt, %add3A_94, %lt3A : i32
      %convert_element_type3A = arith.extui %lt3A_95 : i1 to i32
      %cond3A = arith.constant 0 : i32
      %cond3A_96 = arith.cmpi ne, %convert_element_type3A, %cond3A : i32
      scf.if %cond3A_96 {
        %add3A_117 = arith.constant 4 : i32
        %add3A_118 = arith.addi %mul3A_32, %add3A_117 : i32
        %mul3A_119 = arith.constant 2000 : i32
        %mul3A_120 = arith.muli %add3A_118, %mul3A_119 : i32
        %add3A_121 = arith.addi %add3A, %mul3A_120 : i32
        %dma_start3A_122 = tpu.memref_slice %arg2[%add3A_121] : memref<6400000xi32, #tpu.memory_space<hbm>> -> memref<2000xi32, #tpu.memory_space<hbm>>
        %dma_start3A_123 = tpu.memref_slice %arg2[%add3A_121] : memref<6400000xi32, #tpu.memory_space<hbm>> -> memref<2000xi32, #tpu.memory_space<hbm>>
        tpu.enqueue_dma source(%dma_start3A_123 : memref<2000xi32, #tpu.memory_space<hbm>>) target(%arg7 : memref<2000xi32, #tpu.memory_space<vmem>>) target_semaphore(%arg17 : memref<!tpu.dma_semaphore, #tpu.memory_space<semaphore_mem>>)
        %dma_start3A_124 = tpu.memref_slice %arg3[%add3A_121] : memref<6400000xi32, #tpu.memory_space<hbm>> -> memref<2000xi32, #tpu.memory_space<hbm>>
        %dma_start3A_125 = tpu.memref_slice %arg3[%add3A_121] : memref<6400000xi32, #tpu.memory_space<hbm>> -> memref<2000xi32, #tpu.memory_space<hbm>>
        tpu.enqueue_dma source(%dma_start3A_125 : memref<2000xi32, #tpu.memory_space<hbm>>) target(%arg8 : memref<2000xi32, #tpu.memory_space<vmem>>) target_semaphore(%arg17 : memref<!tpu.dma_semaphore, #tpu.memory_space<semaphore_mem>>)
      } else {
      }
      %dma_wait3A_97 = arith.constant 0 : i32
      %dma_wait3A_98 = arith.constant 0 : i32
      %dma_wait3A_99 = tpu.memref_slice %arg4[%dma_wait3A_97, %dma_wait3A_98] : memref<100096x8xf32, #tpu.memory_space<hbm>> -> memref<100096x8xf32, #tpu.memory_space<hbm>>
      tpu.wait_indirect_dma semaphore(%arg21 : memref<!tpu.dma_semaphore, #tpu.memory_space<semaphore_mem>>) src(%dma_wait3A_99 : memref<100096x8xf32, #tpu.memory_space<hbm>>) dst(%arg15 : memref<2000x8xf32, #tpu.memory_space<vmem>>)
      "tpu.region"() ({
        %run_scoped3A = tpu.sem_alloc : memref<!tpu.dma_semaphore, #tpu.memory_space<semaphore_mem>>
        %dma_start3A_117 = arith.constant 0 : i32
        %dma_start3A_118 = arith.constant 0 : i32
        %dma_start3A_119 = tpu.memref_slice %arg23[%dma_start3A_117, %dma_start3A_118] : memref<100096x8xf32, #tpu.memory_space<vmem_shared>> -> memref<100096x8xf32, #tpu.memory_space<vmem_shared>>
        tpu.enqueue_indirect_dma source(%arg15 : memref<2000x8xf32, #tpu.memory_space<vmem>>) target(%dma_start3A_119 : memref<100096x8xf32, #tpu.memory_space<vmem_shared>>) offsets(%arg12 : memref<2000xi32, #tpu.memory_space<vmem>>) semaphore(%run_scoped3A : memref<!tpu.dma_semaphore, #tpu.memory_space<semaphore_mem>>) {add = true}
        %dma_wait3A_120 = arith.constant 0 : i32
        %dma_wait3A_121 = arith.constant 0 : i32
        %dma_wait3A_122 = tpu.memref_slice %arg23[%dma_wait3A_120, %dma_wait3A_121] : memref<100096x8xf32, #tpu.memory_space<vmem_shared>> -> memref<100096x8xf32, #tpu.memory_space<vmem_shared>>
        tpu.wait_indirect_dma semaphore(%run_scoped3A : memref<!tpu.dma_semaphore, #tpu.memory_space<semaphore_mem>>) src(%arg15 : memref<2000x8xf32, #tpu.memory_space<vmem>>) dst(%dma_wait3A_122 : memref<100096x8xf32, #tpu.memory_space<vmem_shared>>)
        tpu.yield
      }) : () -> ()
      %add3A_100 = arith.constant 4 : i32
      %add3A_101 = arith.addi %mul3A_32, %add3A_100 : i32
      %lt3A_102 = arith.constant 100 : i32
      %lt3A_103 = arith.cmpi slt, %add3A_101, %lt3A_102 : i32
      %convert_element_type3A_104 = arith.extui %lt3A_103 : i1 to i32
      %cond3A_105 = arith.constant 0 : i32
      %cond3A_106 = arith.cmpi ne, %convert_element_type3A_104, %cond3A_105 : i32
      scf.if %cond3A_106 {
        %add3A_117 = arith.constant 4 : i32
        %add3A_118 = arith.addi %mul3A_32, %add3A_117 : i32
        %mul3A_119 = arith.constant 2000 : i32
        %mul3A_120 = arith.muli %add3A_118, %mul3A_119 : i32
        %add3A_121 = arith.addi %add3A, %mul3A_120 : i32
        %dma_wait3A_122 = tpu.memref_slice %arg2[%add3A_121] : memref<6400000xi32, #tpu.memory_space<hbm>> -> memref<2000xi32, #tpu.memory_space<hbm>>
        %dma_wait3A_123 = tpu.memref_slice %arg2[%add3A_121] : memref<6400000xi32, #tpu.memory_space<hbm>> -> memref<2000xi32, #tpu.memory_space<hbm>>
        tpu.wait_dma2 semaphore(%arg17 : memref<!tpu.dma_semaphore, #tpu.memory_space<semaphore_mem>>) src(%dma_wait3A_123 : memref<2000xi32, #tpu.memory_space<hbm>>) dst(%arg7 : memref<2000xi32, #tpu.memory_space<vmem>>)
        %dma_wait3A_124 = tpu.memref_slice %arg3[%add3A_121] : memref<6400000xi32, #tpu.memory_space<hbm>> -> memref<2000xi32, #tpu.memory_space<hbm>>
        %dma_wait3A_125 = tpu.memref_slice %arg3[%add3A_121] : memref<6400000xi32, #tpu.memory_space<hbm>> -> memref<2000xi32, #tpu.memory_space<hbm>>
        tpu.wait_dma2 semaphore(%arg17 : memref<!tpu.dma_semaphore, #tpu.memory_space<semaphore_mem>>) src(%dma_wait3A_125 : memref<2000xi32, #tpu.memory_space<hbm>>) dst(%arg8 : memref<2000xi32, #tpu.memory_space<vmem>>)
        %dma_start3A_126 = arith.constant 0 : i32
        %dma_start3A_127 = arith.constant 0 : i32
        %dma_start3A_128 = tpu.memref_slice %arg4[%dma_start3A_126, %dma_start3A_127] : memref<100096x8xf32, #tpu.memory_space<hbm>> -> memref<100096x8xf32, #tpu.memory_space<hbm>>
        tpu.enqueue_indirect_dma source(%dma_start3A_128 : memref<100096x8xf32, #tpu.memory_space<hbm>>) target(%arg15 : memref<2000x8xf32, #tpu.memory_space<vmem>>) offsets(%arg7 : memref<2000xi32, #tpu.memory_space<vmem>>) semaphore(%arg21 : memref<!tpu.dma_semaphore, #tpu.memory_space<semaphore_mem>>)
      } else {
      }
      %add3A_107 = arith.constant 5 : i32
      %add3A_108 = arith.addi %mul3A_32, %add3A_107 : i32
      %lt3A_109 = arith.constant 100 : i32
      %lt3A_110 = arith.cmpi slt, %add3A_108, %lt3A_109 : i32
      %convert_element_type3A_111 = arith.extui %lt3A_110 : i1 to i32
      %cond3A_112 = arith.constant 0 : i32
      %cond3A_113 = arith.cmpi ne, %convert_element_type3A_111, %cond3A_112 : i32
      scf.if %cond3A_113 {
        %add3A_117 = arith.constant 5 : i32
        %add3A_118 = arith.addi %mul3A_32, %add3A_117 : i32
        %mul3A_119 = arith.constant 2000 : i32
        %mul3A_120 = arith.muli %add3A_118, %mul3A_119 : i32
        %add3A_121 = arith.addi %add3A, %mul3A_120 : i32
        %dma_start3A_122 = tpu.memref_slice %arg2[%add3A_121] : memref<6400000xi32, #tpu.memory_space<hbm>> -> memref<2000xi32, #tpu.memory_space<hbm>>
        %dma_start3A_123 = tpu.memref_slice %arg2[%add3A_121] : memref<6400000xi32, #tpu.memory_space<hbm>> -> memref<2000xi32, #tpu.memory_space<hbm>>
        tpu.enqueue_dma source(%dma_start3A_123 : memref<2000xi32, #tpu.memory_space<hbm>>) target(%arg9 : memref<2000xi32, #tpu.memory_space<vmem>>) target_semaphore(%arg18 : memref<!tpu.dma_semaphore, #tpu.memory_space<semaphore_mem>>)
        %dma_start3A_124 = tpu.memref_slice %arg3[%add3A_121] : memref<6400000xi32, #tpu.memory_space<hbm>> -> memref<2000xi32, #tpu.memory_space<hbm>>
        %dma_start3A_125 = tpu.memref_slice %arg3[%add3A_121] : memref<6400000xi32, #tpu.memory_space<hbm>> -> memref<2000xi32, #tpu.memory_space<hbm>>
        tpu.enqueue_dma source(%dma_start3A_125 : memref<2000xi32, #tpu.memory_space<hbm>>) target(%arg10 : memref<2000xi32, #tpu.memory_space<vmem>>) target_semaphore(%arg18 : memref<!tpu.dma_semaphore, #tpu.memory_space<semaphore_mem>>)
      } else {
      }
      %dma_wait3A_114 = arith.constant 0 : i32
      %dma_wait3A_115 = arith.constant 0 : i32
      %dma_wait3A_116 = tpu.memref_slice %arg4[%dma_wait3A_114, %dma_wait3A_115] : memref<100096x8xf32, #tpu.memory_space<hbm>> -> memref<100096x8xf32, #tpu.memory_space<hbm>>
      tpu.wait_indirect_dma semaphore(%arg22 : memref<!tpu.dma_semaphore, #tpu.memory_space<semaphore_mem>>) src(%dma_wait3A_116 : memref<100096x8xf32, #tpu.memory_space<hbm>>) dst(%arg16 : memref<2000x8xf32, #tpu.memory_space<vmem>>)
      "tpu.region"() ({
        %run_scoped3A = tpu.sem_alloc : memref<!tpu.dma_semaphore, #tpu.memory_space<semaphore_mem>>
        %dma_start3A_117 = arith.constant 0 : i32
        %dma_start3A_118 = arith.constant 0 : i32
        %dma_start3A_119 = tpu.memref_slice %arg23[%dma_start3A_117, %dma_start3A_118] : memref<100096x8xf32, #tpu.memory_space<vmem_shared>> -> memref<100096x8xf32, #tpu.memory_space<vmem_shared>>
        tpu.enqueue_indirect_dma source(%arg16 : memref<2000x8xf32, #tpu.memory_space<vmem>>) target(%dma_start3A_119 : memref<100096x8xf32, #tpu.memory_space<vmem_shared>>) offsets(%arg14 : memref<2000xi32, #tpu.memory_space<vmem>>) semaphore(%run_scoped3A : memref<!tpu.dma_semaphore, #tpu.memory_space<semaphore_mem>>) {add = true}
        %dma_wait3A_120 = arith.constant 0 : i32
        %dma_wait3A_121 = arith.constant 0 : i32
        %dma_wait3A_122 = tpu.memref_slice %arg23[%dma_wait3A_120, %dma_wait3A_121] : memref<100096x8xf32, #tpu.memory_space<vmem_shared>> -> memref<100096x8xf32, #tpu.memory_space<vmem_shared>>
        tpu.wait_indirect_dma semaphore(%run_scoped3A : memref<!tpu.dma_semaphore, #tpu.memory_space<semaphore_mem>>) src(%arg16 : memref<2000x8xf32, #tpu.memory_space<vmem>>) dst(%dma_wait3A_122 : memref<100096x8xf32, #tpu.memory_space<vmem_shared>>)
        tpu.yield
      }) : () -> ()
    }
    %scan3A_28 = arith.constant 25 : i32
    %barrier3A_29 = arith.constant 0 : index
    tpu.barrier barrier_id(%barrier3A_29)
    "tpu.region"() ({
      %run_scoped3A = tpu.sem_alloc : memref<!tpu.dma_semaphore, #tpu.memory_space<semaphore_mem>>
      %dma_start3A_30 = arith.constant 0 : i32
      %dma_start3A_31 = tpu.memref_slice %arg6[%arg0, %mul3A_0, %dma_start3A_30] : memref<2x100096x8xf32, #tpu.memory_space<hbm>> -> memref<1x6256x8xf32, #tpu.memory_space<hbm>>
      %dma_start3A_32 = tpu.memref_squeeze %dma_start3A_31 : memref<1x6256x8xf32, #tpu.memory_space<hbm>> -> memref<6256x8xf32, #tpu.memory_space<hbm>>
      %dma_start3A_33 = arith.constant 0 : i32
      %dma_start3A_34 = tpu.memref_slice %arg23[%mul3A_0, %dma_start3A_33] : memref<100096x8xf32, #tpu.memory_space<vmem_shared>> -> memref<6256x8xf32, #tpu.memory_space<vmem_shared>>
      tpu.enqueue_dma source(%dma_start3A_34 : memref<6256x8xf32, #tpu.memory_space<vmem_shared>>) target(%dma_start3A_32 : memref<6256x8xf32, #tpu.memory_space<hbm>>) target_semaphore(%run_scoped3A : memref<!tpu.dma_semaphore, #tpu.memory_space<semaphore_mem>>)
      %dma_wait3A_35 = arith.constant 0 : i32
      %dma_wait3A_36 = tpu.memref_slice %arg6[%arg0, %mul3A_0, %dma_wait3A_35] : memref<2x100096x8xf32, #tpu.memory_space<hbm>> -> memref<1x6256x8xf32, #tpu.memory_space<hbm>>
      %dma_wait3A_37 = tpu.memref_squeeze %dma_wait3A_36 : memref<1x6256x8xf32, #tpu.memory_space<hbm>> -> memref<6256x8xf32, #tpu.memory_space<hbm>>
      %dma_wait3A_38 = arith.constant 0 : i32
      %dma_wait3A_39 = tpu.memref_slice %arg23[%mul3A_0, %dma_wait3A_38] : memref<100096x8xf32, #tpu.memory_space<vmem_shared>> -> memref<6256x8xf32, #tpu.memory_space<vmem_shared>>
      tpu.wait_dma2 semaphore(%run_scoped3A : memref<!tpu.dma_semaphore, #tpu.memory_space<semaphore_mem>>) src(%dma_wait3A_39 : memref<6256x8xf32, #tpu.memory_space<vmem_shared>>) dst(%dma_wait3A_37 : memref<6256x8xf32, #tpu.memory_space<hbm>>)
      tpu.yield
    }) : () -> ()
    return
  }
}

#map = affine_map<(d0, d1) -> (0)>
#map1 = affine_map<(d0, d1) -> (0, 0)>
#map2 = affine_map<(d0, d1) -> (0, 0, 0)>
module attributes {stable_mosaic.version = 14 : i64} {
  func.func @_prop(%arg0: i32, %arg1: i32, %arg2: memref<6400000xi32, #tpu.memory_space<hbm>>, %arg3: memref<6400000xi32, #tpu.memory_space<hbm>>, %arg4: memref<100096x8xf32, #tpu.memory_space<hbm>>, %arg5: memref<100096x8xf32, #tpu.memory_space<hbm>>, %arg6: memref<2x100096x8xf32, #tpu.memory_space<hbm>>, %arg7: memref<2000xi32, #tpu.memory_space<vmem>>, %arg8: memref<2000xi32, #tpu.memory_space<vmem>>, %arg9: memref<2000xi32, #tpu.memory_space<vmem>>, %arg10: memref<2000xi32, #tpu.memory_space<vmem>>, %arg11: memref<2000xi32, #tpu.memory_space<vmem>>, %arg12: memref<2000xi32, #tpu.memory_space<vmem>>, %arg13: memref<2000xi32, #tpu.memory_space<vmem>>, %arg14: memref<2000xi32, #tpu.memory_space<vmem>>, %arg15: memref<2000x8xf32, #tpu.memory_space<vmem>>, %arg16: memref<2000x8xf32, #tpu.memory_space<vmem>>, %arg17: memref<!tpu.dma_semaphore, #tpu.memory_space<semaphore_mem>>, %arg18: memref<!tpu.dma_semaphore, #tpu.memory_space<semaphore_mem>>, %arg19: memref<!tpu.dma_semaphore, #tpu.memory_space<semaphore_mem>>, %arg20: memref<!tpu.dma_semaphore, #tpu.memory_space<semaphore_mem>>, %arg21: memref<!tpu.dma_semaphore, #tpu.memory_space<semaphore_mem>>, %arg22: memref<!tpu.dma_semaphore, #tpu.memory_space<semaphore_mem>>, %arg23: memref<100096x8xf32, #tpu.memory_space<vmem_shared>>) attributes {dimension_semantics = [#tpu.dimension_semantics<core_parallel>, #tpu.dimension_semantics<subcore_parallel>], iteration_bounds = array<i64: 2, 16>, scalar_prefetch = 0 : i64, scratch_operands = 17 : i64, tpu.core_type = #tpu.core_type<sc_vector_subcore>, window_params = [{transform_indices = #map}, {transform_indices = #map}, {transform_indices = #map1}, {transform_indices = #map1}, {transform_indices = #map2}]} {
    %mul3A = arith.constant 6256 : i32
    %mul3A_0 = arith.muli %arg1, %mul3A : i32
    "tpu.region"() ({
      %run_scoped3A = tpu.sem_alloc : memref<!tpu.dma_semaphore, #tpu.memory_space<semaphore_mem>>
      %dma_start3A_30 = arith.constant 0 : i32
      %dma_start3A_31 = tpu.memref_slice %arg23[%mul3A_0, %dma_start3A_30] : memref<100096x8xf32, #tpu.memory_space<vmem_shared>> -> memref<6256x8xf32, #tpu.memory_space<vmem_shared>>
      %dma_start3A_32 = arith.constant 0 : i32
      %dma_start3A_33 = tpu.memref_slice %arg5[%mul3A_0, %dma_start3A_32] : memref<100096x8xf32, #tpu.memory_space<hbm>> -> memref<6256x8xf32, #tpu.memory_space<hbm>>
      tpu.enqueue_dma source(%dma_start3A_33 : memref<6256x8xf32, #tpu.memory_space<hbm>>) target(%dma_start3A_31 : memref<6256x8xf32, #tpu.memory_space<vmem_shared>>) target_semaphore(%run_scoped3A : memref<!tpu.dma_semaphore, #tpu.memory_space<semaphore_mem>>)
      %dma_wait3A_34 = arith.constant 0 : i32
      %dma_wait3A_35 = tpu.memref_slice %arg23[%mul3A_0, %dma_wait3A_34] : memref<100096x8xf32, #tpu.memory_space<vmem_shared>> -> memref<6256x8xf32, #tpu.memory_space<vmem_shared>>
      %dma_wait3A_36 = arith.constant 0 : i32
      %dma_wait3A_37 = tpu.memref_slice %arg5[%mul3A_0, %dma_wait3A_36] : memref<100096x8xf32, #tpu.memory_space<hbm>> -> memref<6256x8xf32, #tpu.memory_space<hbm>>
      tpu.wait_dma2 semaphore(%run_scoped3A : memref<!tpu.dma_semaphore, #tpu.memory_space<semaphore_mem>>) src(%dma_wait3A_37 : memref<6256x8xf32, #tpu.memory_space<hbm>>) dst(%dma_wait3A_35 : memref<6256x8xf32, #tpu.memory_space<vmem_shared>>)
      tpu.yield
    }) : () -> ()
    %barrier3A = arith.constant 0 : index
    tpu.barrier barrier_id(%barrier3A)
    %mul3A_1 = arith.constant 3200000 : i32
    %mul3A_2 = arith.muli %arg0, %mul3A_1 : i32
    %mul3A_3 = arith.constant 200000 : i32
    %mul3A_4 = arith.muli %arg1, %mul3A_3 : i32
    %add3A = arith.addi %mul3A_2, %mul3A_4 : i32
    %add3A_5 = arith.constant 0 : i32
    %add3A_6 = arith.addi %add3A, %add3A_5 : i32
    %dma_start3A = tpu.memref_slice %arg2[%add3A_6] : memref<6400000xi32, #tpu.memory_space<hbm>> -> memref<2000xi32, #tpu.memory_space<hbm>>
    %dma_start3A_7 = tpu.memref_slice %arg2[%add3A_6] : memref<6400000xi32, #tpu.memory_space<hbm>> -> memref<2000xi32, #tpu.memory_space<hbm>>
    tpu.enqueue_dma source(%dma_start3A_7 : memref<2000xi32, #tpu.memory_space<hbm>>) target(%arg7 : memref<2000xi32, #tpu.memory_space<vmem>>) target_semaphore(%arg17 : memref<!tpu.dma_semaphore, #tpu.memory_space<semaphore_mem>>)
    %dma_start3A_8 = tpu.memref_slice %arg3[%add3A_6] : memref<6400000xi32, #tpu.memory_space<hbm>> -> memref<2000xi32, #tpu.memory_space<hbm>>
    %dma_start3A_9 = tpu.memref_slice %arg3[%add3A_6] : memref<6400000xi32, #tpu.memory_space<hbm>> -> memref<2000xi32, #tpu.memory_space<hbm>>
    tpu.enqueue_dma source(%dma_start3A_9 : memref<2000xi32, #tpu.memory_space<hbm>>) target(%arg8 : memref<2000xi32, #tpu.memory_space<vmem>>) target_semaphore(%arg17 : memref<!tpu.dma_semaphore, #tpu.memory_space<semaphore_mem>>)
    %add3A_10 = arith.constant 0 : i32
    %add3A_11 = arith.addi %add3A, %add3A_10 : i32
    %dma_wait3A = tpu.memref_slice %arg2[%add3A_11] : memref<6400000xi32, #tpu.memory_space<hbm>> -> memref<2000xi32, #tpu.memory_space<hbm>>
    %dma_wait3A_12 = tpu.memref_slice %arg2[%add3A_11] : memref<6400000xi32, #tpu.memory_space<hbm>> -> memref<2000xi32, #tpu.memory_space<hbm>>
    tpu.wait_dma2 semaphore(%arg17 : memref<!tpu.dma_semaphore, #tpu.memory_space<semaphore_mem>>) src(%dma_wait3A_12 : memref<2000xi32, #tpu.memory_space<hbm>>) dst(%arg7 : memref<2000xi32, #tpu.memory_space<vmem>>)
    %dma_wait3A_13 = tpu.memref_slice %arg3[%add3A_11] : memref<6400000xi32, #tpu.memory_space<hbm>> -> memref<2000xi32, #tpu.memory_space<hbm>>
    %dma_wait3A_14 = tpu.memref_slice %arg3[%add3A_11] : memref<6400000xi32, #tpu.memory_space<hbm>> -> memref<2000xi32, #tpu.memory_space<hbm>>
    tpu.wait_dma2 semaphore(%arg17 : memref<!tpu.dma_semaphore, #tpu.memory_space<semaphore_mem>>) src(%dma_wait3A_14 : memref<2000xi32, #tpu.memory_space<hbm>>) dst(%arg8 : memref<2000xi32, #tpu.memory_space<vmem>>)
    %dma_start3A_15 = arith.constant 0 : i32
    %dma_start3A_16 = arith.constant 0 : i32
    %dma_start3A_17 = tpu.memref_slice %arg4[%dma_start3A_15, %dma_start3A_16] : memref<100096x8xf32, #tpu.memory_space<hbm>> -> memref<100096x8xf32, #tpu.memory_space<hbm>>
    tpu.enqueue_indirect_dma source(%dma_start3A_17 : memref<100096x8xf32, #tpu.memory_space<hbm>>) target(%arg15 : memref<2000x8xf32, #tpu.memory_space<vmem>>) offsets(%arg7 : memref<2000xi32, #tpu.memory_space<vmem>>) semaphore(%arg21 : memref<!tpu.dma_semaphore, #tpu.memory_space<semaphore_mem>>)
    %add3A_18 = arith.constant 2000 : i32
    %add3A_19 = arith.addi %add3A, %add3A_18 : i32
    %dma_start3A_20 = tpu.memref_slice %arg2[%add3A_19] : memref<6400000xi32, #tpu.memory_space<hbm>> -> memref<2000xi32, #tpu.memory_space<hbm>>
    %dma_start3A_21 = tpu.memref_slice %arg2[%add3A_19] : memref<6400000xi32, #tpu.memory_space<hbm>> -> memref<2000xi32, #tpu.memory_space<hbm>>
    tpu.enqueue_dma source(%dma_start3A_21 : memref<2000xi32, #tpu.memory_space<hbm>>) target(%arg9 : memref<2000xi32, #tpu.memory_space<vmem>>) target_semaphore(%arg18 : memref<!tpu.dma_semaphore, #tpu.memory_space<semaphore_mem>>)
    %dma_start3A_22 = tpu.memref_slice %arg3[%add3A_19] : memref<6400000xi32, #tpu.memory_space<hbm>> -> memref<2000xi32, #tpu.memory_space<hbm>>
    %dma_start3A_23 = tpu.memref_slice %arg3[%add3A_19] : memref<6400000xi32, #tpu.memory_space<hbm>> -> memref<2000xi32, #tpu.memory_space<hbm>>
    tpu.enqueue_dma source(%dma_start3A_23 : memref<2000xi32, #tpu.memory_space<hbm>>) target(%arg10 : memref<2000xi32, #tpu.memory_space<vmem>>) target_semaphore(%arg18 : memref<!tpu.dma_semaphore, #tpu.memory_space<semaphore_mem>>)
    %scan3A = arith.constant 0 : i32
    %scan3A_24 = arith.constant 0 : i32
    %scan3A_25 = arith.constant 25 : i32
    %scan3A_26 = arith.addi %scan3A_24, %scan3A_25 : i32
    %scan3A_27 = arith.constant 1 : i32
    scf.for %scan3A_30 = %scan3A_24 to %scan3A_26 step %scan3A_27  : i32 {
      %mul3A_31 = arith.constant 4 : i32
      %mul3A_32 = arith.muli %mul3A_31, %scan3A_30 : i32
      %add3A_33 = arith.constant 1 : i32
      %add3A_34 = arith.addi %mul3A_32, %add3A_33 : i32
      %mul3A_35 = arith.constant 2000 : i32
      %mul3A_36 = arith.muli %add3A_34, %mul3A_35 : i32
      %add3A_37 = arith.addi %add3A, %mul3A_36 : i32
      %dma_wait3A_38 = tpu.memref_slice %arg2[%add3A_37] : memref<6400000xi32, #tpu.memory_space<hbm>> -> memref<2000xi32, #tpu.memory_space<hbm>>
      %dma_wait3A_39 = tpu.memref_slice %arg2[%add3A_37] : memref<6400000xi32, #tpu.memory_space<hbm>> -> memref<2000xi32, #tpu.memory_space<hbm>>
      tpu.wait_dma2 semaphore(%arg18 : memref<!tpu.dma_semaphore, #tpu.memory_space<semaphore_mem>>) src(%dma_wait3A_39 : memref<2000xi32, #tpu.memory_space<hbm>>) dst(%arg9 : memref<2000xi32, #tpu.memory_space<vmem>>)
      %dma_wait3A_40 = tpu.memref_slice %arg3[%add3A_37] : memref<6400000xi32, #tpu.memory_space<hbm>> -> memref<2000xi32, #tpu.memory_space<hbm>>
      %dma_wait3A_41 = tpu.memref_slice %arg3[%add3A_37] : memref<6400000xi32, #tpu.memory_space<hbm>> -> memref<2000xi32, #tpu.memory_space<hbm>>
      tpu.wait_dma2 semaphore(%arg18 : memref<!tpu.dma_semaphore, #tpu.memory_space<semaphore_mem>>) src(%dma_wait3A_41 : memref<2000xi32, #tpu.memory_space<hbm>>) dst(%arg10 : memref<2000xi32, #tpu.memory_space<vmem>>)
      %dma_start3A_42 = arith.constant 0 : i32
      %dma_start3A_43 = arith.constant 0 : i32
      %dma_start3A_44 = tpu.memref_slice %arg4[%dma_start3A_42, %dma_start3A_43] : memref<100096x8xf32, #tpu.memory_space<hbm>> -> memref<100096x8xf32, #tpu.memory_space<hbm>>
      tpu.enqueue_indirect_dma source(%dma_start3A_44 : memref<100096x8xf32, #tpu.memory_space<hbm>>) target(%arg16 : memref<2000x8xf32, #tpu.memory_space<vmem>>) offsets(%arg9 : memref<2000xi32, #tpu.memory_space<vmem>>) semaphore(%arg22 : memref<!tpu.dma_semaphore, #tpu.memory_space<semaphore_mem>>)
      %add3A_45 = arith.constant 2 : i32
      %add3A_46 = arith.addi %mul3A_32, %add3A_45 : i32
      %mul3A_47 = arith.constant 2000 : i32
      %mul3A_48 = arith.muli %add3A_46, %mul3A_47 : i32
      %add3A_49 = arith.addi %add3A, %mul3A_48 : i32
      %dma_start3A_50 = tpu.memref_slice %arg2[%add3A_49] : memref<6400000xi32, #tpu.memory_space<hbm>> -> memref<2000xi32, #tpu.memory_space<hbm>>
      %dma_start3A_51 = tpu.memref_slice %arg2[%add3A_49] : memref<6400000xi32, #tpu.memory_space<hbm>> -> memref<2000xi32, #tpu.memory_space<hbm>>
      tpu.enqueue_dma source(%dma_start3A_51 : memref<2000xi32, #tpu.memory_space<hbm>>) target(%arg11 : memref<2000xi32, #tpu.memory_space<vmem>>) target_semaphore(%arg19 : memref<!tpu.dma_semaphore, #tpu.memory_space<semaphore_mem>>)
      %dma_start3A_52 = tpu.memref_slice %arg3[%add3A_49] : memref<6400000xi32, #tpu.memory_space<hbm>> -> memref<2000xi32, #tpu.memory_space<hbm>>
      %dma_start3A_53 = tpu.memref_slice %arg3[%add3A_49] : memref<6400000xi32, #tpu.memory_space<hbm>> -> memref<2000xi32, #tpu.memory_space<hbm>>
      tpu.enqueue_dma source(%dma_start3A_53 : memref<2000xi32, #tpu.memory_space<hbm>>) target(%arg12 : memref<2000xi32, #tpu.memory_space<vmem>>) target_semaphore(%arg19 : memref<!tpu.dma_semaphore, #tpu.memory_space<semaphore_mem>>)
      %dma_wait3A_54 = arith.constant 0 : i32
      %dma_wait3A_55 = arith.constant 0 : i32
      %dma_wait3A_56 = tpu.memref_slice %arg4[%dma_wait3A_54, %dma_wait3A_55] : memref<100096x8xf32, #tpu.memory_space<hbm>> -> memref<100096x8xf32, #tpu.memory_space<hbm>>
      tpu.wait_indirect_dma semaphore(%arg21 : memref<!tpu.dma_semaphore, #tpu.memory_space<semaphore_mem>>) src(%dma_wait3A_56 : memref<100096x8xf32, #tpu.memory_space<hbm>>) dst(%arg15 : memref<2000x8xf32, #tpu.memory_space<vmem>>)
      "tpu.region"() ({
        %run_scoped3A = tpu.sem_alloc : memref<!tpu.dma_semaphore, #tpu.memory_space<semaphore_mem>>
        %dma_start3A_117 = arith.constant 0 : i32
        %dma_start3A_118 = arith.constant 0 : i32
        %dma_start3A_119 = tpu.memref_slice %arg23[%dma_start3A_117, %dma_start3A_118] : memref<100096x8xf32, #tpu.memory_space<vmem_shared>> -> memref<100096x8xf32, #tpu.memory_space<vmem_shared>>
        tpu.enqueue_indirect_dma source(%arg15 : memref<2000x8xf32, #tpu.memory_space<vmem>>) target(%dma_start3A_119 : memref<100096x8xf32, #tpu.memory_space<vmem_shared>>) offsets(%arg8 : memref<2000xi32, #tpu.memory_space<vmem>>) semaphore(%run_scoped3A : memref<!tpu.dma_semaphore, #tpu.memory_space<semaphore_mem>>) {add = true}
        %dma_wait3A_120 = arith.constant 0 : i32
        %dma_wait3A_121 = arith.constant 0 : i32
        %dma_wait3A_122 = tpu.memref_slice %arg23[%dma_wait3A_120, %dma_wait3A_121] : memref<100096x8xf32, #tpu.memory_space<vmem_shared>> -> memref<100096x8xf32, #tpu.memory_space<vmem_shared>>
        tpu.wait_indirect_dma semaphore(%run_scoped3A : memref<!tpu.dma_semaphore, #tpu.memory_space<semaphore_mem>>) src(%arg15 : memref<2000x8xf32, #tpu.memory_space<vmem>>) dst(%dma_wait3A_122 : memref<100096x8xf32, #tpu.memory_space<vmem_shared>>)
        tpu.yield
      }) : () -> ()
      %add3A_57 = arith.constant 2 : i32
      %add3A_58 = arith.addi %mul3A_32, %add3A_57 : i32
      %mul3A_59 = arith.constant 2000 : i32
      %mul3A_60 = arith.muli %add3A_58, %mul3A_59 : i32
      %add3A_61 = arith.addi %add3A, %mul3A_60 : i32
      %dma_wait3A_62 = tpu.memref_slice %arg2[%add3A_61] : memref<6400000xi32, #tpu.memory_space<hbm>> -> memref<2000xi32, #tpu.memory_space<hbm>>
      %dma_wait3A_63 = tpu.memref_slice %arg2[%add3A_61] : memref<6400000xi32, #tpu.memory_space<hbm>> -> memref<2000xi32, #tpu.memory_space<hbm>>
      tpu.wait_dma2 semaphore(%arg19 : memref<!tpu.dma_semaphore, #tpu.memory_space<semaphore_mem>>) src(%dma_wait3A_63 : memref<2000xi32, #tpu.memory_space<hbm>>) dst(%arg11 : memref<2000xi32, #tpu.memory_space<vmem>>)
      %dma_wait3A_64 = tpu.memref_slice %arg3[%add3A_61] : memref<6400000xi32, #tpu.memory_space<hbm>> -> memref<2000xi32, #tpu.memory_space<hbm>>
      %dma_wait3A_65 = tpu.memref_slice %arg3[%add3A_61] : memref<6400000xi32, #tpu.memory_space<hbm>> -> memref<2000xi32, #tpu.memory_space<hbm>>
      tpu.wait_dma2 semaphore(%arg19 : memref<!tpu.dma_semaphore, #tpu.memory_space<semaphore_mem>>) src(%dma_wait3A_65 : memref<2000xi32, #tpu.memory_space<hbm>>) dst(%arg12 : memref<2000xi32, #tpu.memory_space<vmem>>)
      %dma_start3A_66 = arith.constant 0 : i32
      %dma_start3A_67 = arith.constant 0 : i32
      %dma_start3A_68 = tpu.memref_slice %arg4[%dma_start3A_66, %dma_start3A_67] : memref<100096x8xf32, #tpu.memory_space<hbm>> -> memref<100096x8xf32, #tpu.memory_space<hbm>>
      tpu.enqueue_indirect_dma source(%dma_start3A_68 : memref<100096x8xf32, #tpu.memory_space<hbm>>) target(%arg15 : memref<2000x8xf32, #tpu.memory_space<vmem>>) offsets(%arg11 : memref<2000xi32, #tpu.memory_space<vmem>>) semaphore(%arg21 : memref<!tpu.dma_semaphore, #tpu.memory_space<semaphore_mem>>)
      %add3A_69 = arith.constant 3 : i32
      %add3A_70 = arith.addi %mul3A_32, %add3A_69 : i32
      %mul3A_71 = arith.constant 2000 : i32
      %mul3A_72 = arith.muli %add3A_70, %mul3A_71 : i32
      %add3A_73 = arith.addi %add3A, %mul3A_72 : i32
      %dma_start3A_74 = tpu.memref_slice %arg2[%add3A_73] : memref<6400000xi32, #tpu.memory_space<hbm>> -> memref<2000xi32, #tpu.memory_space<hbm>>
      %dma_start3A_75 = tpu.memref_slice %arg2[%add3A_73] : memref<6400000xi32, #tpu.memory_space<hbm>> -> memref<2000xi32, #tpu.memory_space<hbm>>
      tpu.enqueue_dma source(%dma_start3A_75 : memref<2000xi32, #tpu.memory_space<hbm>>) target(%arg13 : memref<2000xi32, #tpu.memory_space<vmem>>) target_semaphore(%arg20 : memref<!tpu.dma_semaphore, #tpu.memory_space<semaphore_mem>>)
      %dma_start3A_76 = tpu.memref_slice %arg3[%add3A_73] : memref<6400000xi32, #tpu.memory_space<hbm>> -> memref<2000xi32, #tpu.memory_space<hbm>>
      %dma_start3A_77 = tpu.memref_slice %arg3[%add3A_73] : memref<6400000xi32, #tpu.memory_space<hbm>> -> memref<2000xi32, #tpu.memory_space<hbm>>
      tpu.enqueue_dma source(%dma_start3A_77 : memref<2000xi32, #tpu.memory_space<hbm>>) target(%arg14 : memref<2000xi32, #tpu.memory_space<vmem>>) target_semaphore(%arg20 : memref<!tpu.dma_semaphore, #tpu.memory_space<semaphore_mem>>)
      %dma_wait3A_78 = arith.constant 0 : i32
      %dma_wait3A_79 = arith.constant 0 : i32
      %dma_wait3A_80 = tpu.memref_slice %arg4[%dma_wait3A_78, %dma_wait3A_79] : memref<100096x8xf32, #tpu.memory_space<hbm>> -> memref<100096x8xf32, #tpu.memory_space<hbm>>
      tpu.wait_indirect_dma semaphore(%arg22 : memref<!tpu.dma_semaphore, #tpu.memory_space<semaphore_mem>>) src(%dma_wait3A_80 : memref<100096x8xf32, #tpu.memory_space<hbm>>) dst(%arg16 : memref<2000x8xf32, #tpu.memory_space<vmem>>)
      "tpu.region"() ({
        %run_scoped3A = tpu.sem_alloc : memref<!tpu.dma_semaphore, #tpu.memory_space<semaphore_mem>>
        %dma_start3A_117 = arith.constant 0 : i32
        %dma_start3A_118 = arith.constant 0 : i32
        %dma_start3A_119 = tpu.memref_slice %arg23[%dma_start3A_117, %dma_start3A_118] : memref<100096x8xf32, #tpu.memory_space<vmem_shared>> -> memref<100096x8xf32, #tpu.memory_space<vmem_shared>>
        tpu.enqueue_indirect_dma source(%arg16 : memref<2000x8xf32, #tpu.memory_space<vmem>>) target(%dma_start3A_119 : memref<100096x8xf32, #tpu.memory_space<vmem_shared>>) offsets(%arg10 : memref<2000xi32, #tpu.memory_space<vmem>>) semaphore(%run_scoped3A : memref<!tpu.dma_semaphore, #tpu.memory_space<semaphore_mem>>) {add = true}
        %dma_wait3A_120 = arith.constant 0 : i32
        %dma_wait3A_121 = arith.constant 0 : i32
        %dma_wait3A_122 = tpu.memref_slice %arg23[%dma_wait3A_120, %dma_wait3A_121] : memref<100096x8xf32, #tpu.memory_space<vmem_shared>> -> memref<100096x8xf32, #tpu.memory_space<vmem_shared>>
        tpu.wait_indirect_dma semaphore(%run_scoped3A : memref<!tpu.dma_semaphore, #tpu.memory_space<semaphore_mem>>) src(%arg16 : memref<2000x8xf32, #tpu.memory_space<vmem>>) dst(%dma_wait3A_122 : memref<100096x8xf32, #tpu.memory_space<vmem_shared>>)
        tpu.yield
      }) : () -> ()
      %add3A_81 = arith.constant 3 : i32
      %add3A_82 = arith.addi %mul3A_32, %add3A_81 : i32
      %mul3A_83 = arith.constant 2000 : i32
      %mul3A_84 = arith.muli %add3A_82, %mul3A_83 : i32
      %add3A_85 = arith.addi %add3A, %mul3A_84 : i32
      %dma_wait3A_86 = tpu.memref_slice %arg2[%add3A_85] : memref<6400000xi32, #tpu.memory_space<hbm>> -> memref<2000xi32, #tpu.memory_space<hbm>>
      %dma_wait3A_87 = tpu.memref_slice %arg2[%add3A_85] : memref<6400000xi32, #tpu.memory_space<hbm>> -> memref<2000xi32, #tpu.memory_space<hbm>>
      tpu.wait_dma2 semaphore(%arg20 : memref<!tpu.dma_semaphore, #tpu.memory_space<semaphore_mem>>) src(%dma_wait3A_87 : memref<2000xi32, #tpu.memory_space<hbm>>) dst(%arg13 : memref<2000xi32, #tpu.memory_space<vmem>>)
      %dma_wait3A_88 = tpu.memref_slice %arg3[%add3A_85] : memref<6400000xi32, #tpu.memory_space<hbm>> -> memref<2000xi32, #tpu.memory_space<hbm>>
      %dma_wait3A_89 = tpu.memref_slice %arg3[%add3A_85] : memref<6400000xi32, #tpu.memory_space<hbm>> -> memref<2000xi32, #tpu.memory_space<hbm>>
      tpu.wait_dma2 semaphore(%arg20 : memref<!tpu.dma_semaphore, #tpu.memory_space<semaphore_mem>>) src(%dma_wait3A_89 : memref<2000xi32, #tpu.memory_space<hbm>>) dst(%arg14 : memref<2000xi32, #tpu.memory_space<vmem>>)
      %dma_start3A_90 = arith.constant 0 : i32
      %dma_start3A_91 = arith.constant 0 : i32
      %dma_start3A_92 = tpu.memref_slice %arg4[%dma_start3A_90, %dma_start3A_91] : memref<100096x8xf32, #tpu.memory_space<hbm>> -> memref<100096x8xf32, #tpu.memory_space<hbm>>
      tpu.enqueue_indirect_dma source(%dma_start3A_92 : memref<100096x8xf32, #tpu.memory_space<hbm>>) target(%arg16 : memref<2000x8xf32, #tpu.memory_space<vmem>>) offsets(%arg13 : memref<2000xi32, #tpu.memory_space<vmem>>) semaphore(%arg22 : memref<!tpu.dma_semaphore, #tpu.memory_space<semaphore_mem>>)
      %add3A_93 = arith.constant 4 : i32
      %add3A_94 = arith.addi %mul3A_32, %add3A_93 : i32
      %lt3A = arith.constant 100 : i32
      %lt3A_95 = arith.cmpi slt, %add3A_94, %lt3A : i32
      %convert_element_type3A = arith.extui %lt3A_95 : i1 to i32
      %cond3A = arith.constant 0 : i32
      %cond3A_96 = arith.cmpi ne, %convert_element_type3A, %cond3A : i32
      scf.if %cond3A_96 {
        %add3A_117 = arith.constant 4 : i32
        %add3A_118 = arith.addi %mul3A_32, %add3A_117 : i32
        %mul3A_119 = arith.constant 2000 : i32
        %mul3A_120 = arith.muli %add3A_118, %mul3A_119 : i32
        %add3A_121 = arith.addi %add3A, %mul3A_120 : i32
        %dma_start3A_122 = tpu.memref_slice %arg2[%add3A_121] : memref<6400000xi32, #tpu.memory_space<hbm>> -> memref<2000xi32, #tpu.memory_space<hbm>>
        %dma_start3A_123 = tpu.memref_slice %arg2[%add3A_121] : memref<6400000xi32, #tpu.memory_space<hbm>> -> memref<2000xi32, #tpu.memory_space<hbm>>
        tpu.enqueue_dma source(%dma_start3A_123 : memref<2000xi32, #tpu.memory_space<hbm>>) target(%arg7 : memref<2000xi32, #tpu.memory_space<vmem>>) target_semaphore(%arg17 : memref<!tpu.dma_semaphore, #tpu.memory_space<semaphore_mem>>)
        %dma_start3A_124 = tpu.memref_slice %arg3[%add3A_121] : memref<6400000xi32, #tpu.memory_space<hbm>> -> memref<2000xi32, #tpu.memory_space<hbm>>
        %dma_start3A_125 = tpu.memref_slice %arg3[%add3A_121] : memref<6400000xi32, #tpu.memory_space<hbm>> -> memref<2000xi32, #tpu.memory_space<hbm>>
        tpu.enqueue_dma source(%dma_start3A_125 : memref<2000xi32, #tpu.memory_space<hbm>>) target(%arg8 : memref<2000xi32, #tpu.memory_space<vmem>>) target_semaphore(%arg17 : memref<!tpu.dma_semaphore, #tpu.memory_space<semaphore_mem>>)
      } else {
      }
      %dma_wait3A_97 = arith.constant 0 : i32
      %dma_wait3A_98 = arith.constant 0 : i32
      %dma_wait3A_99 = tpu.memref_slice %arg4[%dma_wait3A_97, %dma_wait3A_98] : memref<100096x8xf32, #tpu.memory_space<hbm>> -> memref<100096x8xf32, #tpu.memory_space<hbm>>
      tpu.wait_indirect_dma semaphore(%arg21 : memref<!tpu.dma_semaphore, #tpu.memory_space<semaphore_mem>>) src(%dma_wait3A_99 : memref<100096x8xf32, #tpu.memory_space<hbm>>) dst(%arg15 : memref<2000x8xf32, #tpu.memory_space<vmem>>)
      "tpu.region"() ({
        %run_scoped3A = tpu.sem_alloc : memref<!tpu.dma_semaphore, #tpu.memory_space<semaphore_mem>>
        %dma_start3A_117 = arith.constant 0 : i32
        %dma_start3A_118 = arith.constant 0 : i32
        %dma_start3A_119 = tpu.memref_slice %arg23[%dma_start3A_117, %dma_start3A_118] : memref<100096x8xf32, #tpu.memory_space<vmem_shared>> -> memref<100096x8xf32, #tpu.memory_space<vmem_shared>>
        tpu.enqueue_indirect_dma source(%arg15 : memref<2000x8xf32, #tpu.memory_space<vmem>>) target(%dma_start3A_119 : memref<100096x8xf32, #tpu.memory_space<vmem_shared>>) offsets(%arg12 : memref<2000xi32, #tpu.memory_space<vmem>>) semaphore(%run_scoped3A : memref<!tpu.dma_semaphore, #tpu.memory_space<semaphore_mem>>) {add = true}
        %dma_wait3A_120 = arith.constant 0 : i32
        %dma_wait3A_121 = arith.constant 0 : i32
        %dma_wait3A_122 = tpu.memref_slice %arg23[%dma_wait3A_120, %dma_wait3A_121] : memref<100096x8xf32, #tpu.memory_space<vmem_shared>> -> memref<100096x8xf32, #tpu.memory_space<vmem_shared>>
        tpu.wait_indirect_dma semaphore(%run_scoped3A : memref<!tpu.dma_semaphore, #tpu.memory_space<semaphore_mem>>) src(%arg15 : memref<2000x8xf32, #tpu.memory_space<vmem>>) dst(%dma_wait3A_122 : memref<100096x8xf32, #tpu.memory_space<vmem_shared>>)
        tpu.yield
      }) : () -> ()
      %add3A_100 = arith.constant 4 : i32
      %add3A_101 = arith.addi %mul3A_32, %add3A_100 : i32
      %lt3A_102 = arith.constant 100 : i32
      %lt3A_103 = arith.cmpi slt, %add3A_101, %lt3A_102 : i32
      %convert_element_type3A_104 = arith.extui %lt3A_103 : i1 to i32
      %cond3A_105 = arith.constant 0 : i32
      %cond3A_106 = arith.cmpi ne, %convert_element_type3A_104, %cond3A_105 : i32
      scf.if %cond3A_106 {
        %add3A_117 = arith.constant 4 : i32
        %add3A_118 = arith.addi %mul3A_32, %add3A_117 : i32
        %mul3A_119 = arith.constant 2000 : i32
        %mul3A_120 = arith.muli %add3A_118, %mul3A_119 : i32
        %add3A_121 = arith.addi %add3A, %mul3A_120 : i32
        %dma_wait3A_122 = tpu.memref_slice %arg2[%add3A_121] : memref<6400000xi32, #tpu.memory_space<hbm>> -> memref<2000xi32, #tpu.memory_space<hbm>>
        %dma_wait3A_123 = tpu.memref_slice %arg2[%add3A_121] : memref<6400000xi32, #tpu.memory_space<hbm>> -> memref<2000xi32, #tpu.memory_space<hbm>>
        tpu.wait_dma2 semaphore(%arg17 : memref<!tpu.dma_semaphore, #tpu.memory_space<semaphore_mem>>) src(%dma_wait3A_123 : memref<2000xi32, #tpu.memory_space<hbm>>) dst(%arg7 : memref<2000xi32, #tpu.memory_space<vmem>>)
        %dma_wait3A_124 = tpu.memref_slice %arg3[%add3A_121] : memref<6400000xi32, #tpu.memory_space<hbm>> -> memref<2000xi32, #tpu.memory_space<hbm>>
        %dma_wait3A_125 = tpu.memref_slice %arg3[%add3A_121] : memref<6400000xi32, #tpu.memory_space<hbm>> -> memref<2000xi32, #tpu.memory_space<hbm>>
        tpu.wait_dma2 semaphore(%arg17 : memref<!tpu.dma_semaphore, #tpu.memory_space<semaphore_mem>>) src(%dma_wait3A_125 : memref<2000xi32, #tpu.memory_space<hbm>>) dst(%arg8 : memref<2000xi32, #tpu.memory_space<vmem>>)
        %dma_start3A_126 = arith.constant 0 : i32
        %dma_start3A_127 = arith.constant 0 : i32
        %dma_start3A_128 = tpu.memref_slice %arg4[%dma_start3A_126, %dma_start3A_127] : memref<100096x8xf32, #tpu.memory_space<hbm>> -> memref<100096x8xf32, #tpu.memory_space<hbm>>
        tpu.enqueue_indirect_dma source(%dma_start3A_128 : memref<100096x8xf32, #tpu.memory_space<hbm>>) target(%arg15 : memref<2000x8xf32, #tpu.memory_space<vmem>>) offsets(%arg7 : memref<2000xi32, #tpu.memory_space<vmem>>) semaphore(%arg21 : memref<!tpu.dma_semaphore, #tpu.memory_space<semaphore_mem>>)
      } else {
      }
      %add3A_107 = arith.constant 5 : i32
      %add3A_108 = arith.addi %mul3A_32, %add3A_107 : i32
      %lt3A_109 = arith.constant 100 : i32
      %lt3A_110 = arith.cmpi slt, %add3A_108, %lt3A_109 : i32
      %convert_element_type3A_111 = arith.extui %lt3A_110 : i1 to i32
      %cond3A_112 = arith.constant 0 : i32
      %cond3A_113 = arith.cmpi ne, %convert_element_type3A_111, %cond3A_112 : i32
      scf.if %cond3A_113 {
        %add3A_117 = arith.constant 5 : i32
        %add3A_118 = arith.addi %mul3A_32, %add3A_117 : i32
        %mul3A_119 = arith.constant 2000 : i32
        %mul3A_120 = arith.muli %add3A_118, %mul3A_119 : i32
        %add3A_121 = arith.addi %add3A, %mul3A_120 : i32
        %dma_start3A_122 = tpu.memref_slice %arg2[%add3A_121] : memref<6400000xi32, #tpu.memory_space<hbm>> -> memref<2000xi32, #tpu.memory_space<hbm>>
        %dma_start3A_123 = tpu.memref_slice %arg2[%add3A_121] : memref<6400000xi32, #tpu.memory_space<hbm>> -> memref<2000xi32, #tpu.memory_space<hbm>>
        tpu.enqueue_dma source(%dma_start3A_123 : memref<2000xi32, #tpu.memory_space<hbm>>) target(%arg9 : memref<2000xi32, #tpu.memory_space<vmem>>) target_semaphore(%arg18 : memref<!tpu.dma_semaphore, #tpu.memory_space<semaphore_mem>>)
        %dma_start3A_124 = tpu.memref_slice %arg3[%add3A_121] : memref<6400000xi32, #tpu.memory_space<hbm>> -> memref<2000xi32, #tpu.memory_space<hbm>>
        %dma_start3A_125 = tpu.memref_slice %arg3[%add3A_121] : memref<6400000xi32, #tpu.memory_space<hbm>> -> memref<2000xi32, #tpu.memory_space<hbm>>
        tpu.enqueue_dma source(%dma_start3A_125 : memref<2000xi32, #tpu.memory_space<hbm>>) target(%arg10 : memref<2000xi32, #tpu.memory_space<vmem>>) target_semaphore(%arg18 : memref<!tpu.dma_semaphore, #tpu.memory_space<semaphore_mem>>)
      } else {
      }
      %dma_wait3A_114 = arith.constant 0 : i32
      %dma_wait3A_115 = arith.constant 0 : i32
      %dma_wait3A_116 = tpu.memref_slice %arg4[%dma_wait3A_114, %dma_wait3A_115] : memref<100096x8xf32, #tpu.memory_space<hbm>> -> memref<100096x8xf32, #tpu.memory_space<hbm>>
      tpu.wait_indirect_dma semaphore(%arg22 : memref<!tpu.dma_semaphore, #tpu.memory_space<semaphore_mem>>) src(%dma_wait3A_116 : memref<100096x8xf32, #tpu.memory_space<hbm>>) dst(%arg16 : memref<2000x8xf32, #tpu.memory_space<vmem>>)
      "tpu.region"() ({
        %run_scoped3A = tpu.sem_alloc : memref<!tpu.dma_semaphore, #tpu.memory_space<semaphore_mem>>
        %dma_start3A_117 = arith.constant 0 : i32
        %dma_start3A_118 = arith.constant 0 : i32
        %dma_start3A_119 = tpu.memref_slice %arg23[%dma_start3A_117, %dma_start3A_118] : memref<100096x8xf32, #tpu.memory_space<vmem_shared>> -> memref<100096x8xf32, #tpu.memory_space<vmem_shared>>
        tpu.enqueue_indirect_dma source(%arg16 : memref<2000x8xf32, #tpu.memory_space<vmem>>) target(%dma_start3A_119 : memref<100096x8xf32, #tpu.memory_space<vmem_shared>>) offsets(%arg14 : memref<2000xi32, #tpu.memory_space<vmem>>) semaphore(%run_scoped3A : memref<!tpu.dma_semaphore, #tpu.memory_space<semaphore_mem>>) {add = true}
        %dma_wait3A_120 = arith.constant 0 : i32
        %dma_wait3A_121 = arith.constant 0 : i32
        %dma_wait3A_122 = tpu.memref_slice %arg23[%dma_wait3A_120, %dma_wait3A_121] : memref<100096x8xf32, #tpu.memory_space<vmem_shared>> -> memref<100096x8xf32, #tpu.memory_space<vmem_shared>>
        tpu.wait_indirect_dma semaphore(%run_scoped3A : memref<!tpu.dma_semaphore, #tpu.memory_space<semaphore_mem>>) src(%arg16 : memref<2000x8xf32, #tpu.memory_space<vmem>>) dst(%dma_wait3A_122 : memref<100096x8xf32, #tpu.memory_space<vmem_shared>>)
        tpu.yield
      }) : () -> ()
    }
    %scan3A_28 = arith.constant 25 : i32
    %barrier3A_29 = arith.constant 0 : index
    tpu.barrier barrier_id(%barrier3A_29)
    "tpu.region"() ({
      %run_scoped3A = tpu.sem_alloc : memref<!tpu.dma_semaphore, #tpu.memory_space<semaphore_mem>>
      %dma_start3A_30 = arith.constant 0 : i32
      %dma_start3A_31 = tpu.memref_slice %arg6[%arg0, %mul3A_0, %dma_start3A_30] : memref<2x100096x8xf32, #tpu.memory_space<hbm>> -> memref<1x6256x8xf32, #tpu.memory_space<hbm>>
      %dma_start3A_32 = tpu.memref_squeeze %dma_start3A_31 : memref<1x6256x8xf32, #tpu.memory_space<hbm>> -> memref<6256x8xf32, #tpu.memory_space<hbm>>
      %dma_start3A_33 = arith.constant 0 : i32
      %dma_start3A_34 = tpu.memref_slice %arg23[%mul3A_0, %dma_start3A_33] : memref<100096x8xf32, #tpu.memory_space<vmem_shared>> -> memref<6256x8xf32, #tpu.memory_space<vmem_shared>>
      tpu.enqueue_dma source(%dma_start3A_34 : memref<6256x8xf32, #tpu.memory_space<vmem_shared>>) target(%dma_start3A_32 : memref<6256x8xf32, #tpu.memory_space<hbm>>) target_semaphore(%run_scoped3A : memref<!tpu.dma_semaphore, #tpu.memory_space<semaphore_mem>>)
      %dma_wait3A_35 = arith.constant 0 : i32
      %dma_wait3A_36 = tpu.memref_slice %arg6[%arg0, %mul3A_0, %dma_wait3A_35] : memref<2x100096x8xf32, #tpu.memory_space<hbm>> -> memref<1x6256x8xf32, #tpu.memory_space<hbm>>
      %dma_wait3A_37 = tpu.memref_squeeze %dma_wait3A_36 : memref<1x6256x8xf32, #tpu.memory_space<hbm>> -> memref<6256x8xf32, #tpu.memory_space<hbm>>
      %dma_wait3A_38 = arith.constant 0 : i32
      %dma_wait3A_39 = tpu.memref_slice %arg23[%mul3A_0, %dma_wait3A_38] : memref<100096x8xf32, #tpu.memory_space<vmem_shared>> -> memref<6256x8xf32, #tpu.memory_space<vmem_shared>>
      tpu.wait_dma2 semaphore(%run_scoped3A : memref<!tpu.dma_semaphore, #tpu.memory_space<semaphore_mem>>) src(%dma_wait3A_39 : memref<6256x8xf32, #tpu.memory_space<vmem_shared>>) dst(%dma_wait3A_37 : memref<6256x8xf32, #tpu.memory_space<hbm>>)
      tpu.yield
    }) : () -> ()
    return
  }
}

#map = affine_map<(d0, d1) -> (0, 0)>
#map1 = affine_map<(d0, d1) -> (0)>
#map2 = affine_map<(d0, d1) -> (0, 0, 0)>
module attributes {stable_mosaic.version = 14 : i64} {
  func.func @_sc_pool(%arg0: i32, %arg1: i32, %arg2: memref<100096x16xf32, #tpu.memory_space<hbm>>, %arg3: memref<100096xi32, #tpu.memory_space<hbm>>, %arg4: memref<136x16xf32, #tpu.memory_space<hbm>>, %arg5: memref<2x136x16xf32, #tpu.memory_space<hbm>>, %arg6: memref<3128xi32, #tpu.memory_space<vmem>>, %arg7: memref<3128x16xf32, #tpu.memory_space<vmem>>, %arg8: memref<136x16xf32, #tpu.memory_space<vmem_shared>>) attributes {dimension_semantics = [#tpu.dimension_semantics<core_parallel>, #tpu.dimension_semantics<subcore_parallel>], iteration_bounds = array<i64: 2, 16>, scalar_prefetch = 0 : i64, scratch_operands = 3 : i64, tpu.core_type = #tpu.core_type<sc_vector_subcore>, window_params = [{transform_indices = #map}, {transform_indices = #map1}, {transform_indices = #map}, {transform_indices = #map2}]} {
    %eq3A = arith.constant 0 : i32
    %eq3A_0 = arith.cmpi eq, %arg1, %eq3A : i32
    %convert_element_type3A = arith.extui %eq3A_0 : i1 to i32
    %cond3A = arith.constant 0 : i32
    %cond3A_1 = arith.cmpi ne, %convert_element_type3A, %cond3A : i32
    scf.if %cond3A_1 {
      "tpu.region"() ({
        %run_scoped3A = tpu.sem_alloc : memref<!tpu.dma_semaphore, #tpu.memory_space<semaphore_mem>>
        tpu.enqueue_dma source(%arg4 : memref<136x16xf32, #tpu.memory_space<hbm>>) target(%arg8 : memref<136x16xf32, #tpu.memory_space<vmem_shared>>) target_semaphore(%run_scoped3A : memref<!tpu.dma_semaphore, #tpu.memory_space<semaphore_mem>>)
        tpu.wait_dma2 semaphore(%run_scoped3A : memref<!tpu.dma_semaphore, #tpu.memory_space<semaphore_mem>>) src(%arg4 : memref<136x16xf32, #tpu.memory_space<hbm>>) dst(%arg8 : memref<136x16xf32, #tpu.memory_space<vmem_shared>>)
        tpu.yield
      }) : () -> ()
    } else {
    }
    %barrier3A = arith.constant 0 : index
    tpu.barrier barrier_id(%barrier3A)
    %mul3A = arith.constant 16 : i32
    %mul3A_2 = arith.muli %arg0, %mul3A : i32
    %add3A = arith.addi %mul3A_2, %arg1 : i32
    %mul3A_3 = arith.constant 3128 : i32
    %mul3A_4 = arith.muli %add3A, %mul3A_3 : i32
    "tpu.region"() ({
      %run_scoped3A = tpu.sem_alloc : memref<!tpu.dma_semaphore, #tpu.memory_space<semaphore_mem>>
      %dma_start3A = arith.constant 0 : i32
      %dma_start3A_11 = tpu.memref_slice %arg2[%mul3A_4, %dma_start3A] : memref<100096x16xf32, #tpu.memory_space<hbm>> -> memref<3128x16xf32, #tpu.memory_space<hbm>>
      %dma_start3A_12 = arith.constant 0 : i32
      %dma_start3A_13 = tpu.memref_slice %arg2[%mul3A_4, %dma_start3A_12] : memref<100096x16xf32, #tpu.memory_space<hbm>> -> memref<3128x16xf32, #tpu.memory_space<hbm>>
      tpu.enqueue_dma source(%dma_start3A_13 : memref<3128x16xf32, #tpu.memory_space<hbm>>) target(%arg7 : memref<3128x16xf32, #tpu.memory_space<vmem>>) target_semaphore(%run_scoped3A : memref<!tpu.dma_semaphore, #tpu.memory_space<semaphore_mem>>)
      %dma_wait3A = arith.constant 0 : i32
      %dma_wait3A_14 = tpu.memref_slice %arg2[%mul3A_4, %dma_wait3A] : memref<100096x16xf32, #tpu.memory_space<hbm>> -> memref<3128x16xf32, #tpu.memory_space<hbm>>
      %dma_wait3A_15 = arith.constant 0 : i32
      %dma_wait3A_16 = tpu.memref_slice %arg2[%mul3A_4, %dma_wait3A_15] : memref<100096x16xf32, #tpu.memory_space<hbm>> -> memref<3128x16xf32, #tpu.memory_space<hbm>>
      tpu.wait_dma2 semaphore(%run_scoped3A : memref<!tpu.dma_semaphore, #tpu.memory_space<semaphore_mem>>) src(%dma_wait3A_16 : memref<3128x16xf32, #tpu.memory_space<hbm>>) dst(%arg7 : memref<3128x16xf32, #tpu.memory_space<vmem>>)
      tpu.yield
    }) : () -> ()
    "tpu.region"() ({
      %run_scoped3A = tpu.sem_alloc : memref<!tpu.dma_semaphore, #tpu.memory_space<semaphore_mem>>
      %dma_start3A = tpu.memref_slice %arg3[%mul3A_4] : memref<100096xi32, #tpu.memory_space<hbm>> -> memref<3128xi32, #tpu.memory_space<hbm>>
      %dma_start3A_11 = tpu.memref_slice %arg3[%mul3A_4] : memref<100096xi32, #tpu.memory_space<hbm>> -> memref<3128xi32, #tpu.memory_space<hbm>>
      tpu.enqueue_dma source(%dma_start3A_11 : memref<3128xi32, #tpu.memory_space<hbm>>) target(%arg6 : memref<3128xi32, #tpu.memory_space<vmem>>) target_semaphore(%run_scoped3A : memref<!tpu.dma_semaphore, #tpu.memory_space<semaphore_mem>>)
      %dma_wait3A = tpu.memref_slice %arg3[%mul3A_4] : memref<100096xi32, #tpu.memory_space<hbm>> -> memref<3128xi32, #tpu.memory_space<hbm>>
      %dma_wait3A_12 = tpu.memref_slice %arg3[%mul3A_4] : memref<100096xi32, #tpu.memory_space<hbm>> -> memref<3128xi32, #tpu.memory_space<hbm>>
      tpu.wait_dma2 semaphore(%run_scoped3A : memref<!tpu.dma_semaphore, #tpu.memory_space<semaphore_mem>>) src(%dma_wait3A_12 : memref<3128xi32, #tpu.memory_space<hbm>>) dst(%arg6 : memref<3128xi32, #tpu.memory_space<vmem>>)
      tpu.yield
    }) : () -> ()
    "tpu.region"() ({
      %run_scoped3A = tpu.sem_alloc : memref<!tpu.dma_semaphore, #tpu.memory_space<semaphore_mem>>
      %dma_start3A = arith.constant 0 : i32
      %dma_start3A_11 = arith.constant 0 : i32
      %dma_start3A_12 = tpu.memref_slice %arg8[%dma_start3A, %dma_start3A_11] : memref<136x16xf32, #tpu.memory_space<vmem_shared>> -> memref<136x16xf32, #tpu.memory_space<vmem_shared>>
      tpu.enqueue_indirect_dma source(%arg7 : memref<3128x16xf32, #tpu.memory_space<vmem>>) target(%dma_start3A_12 : memref<136x16xf32, #tpu.memory_space<vmem_shared>>) offsets(%arg6 : memref<3128xi32, #tpu.memory_space<vmem>>) semaphore(%run_scoped3A : memref<!tpu.dma_semaphore, #tpu.memory_space<semaphore_mem>>) {add = true}
      %dma_wait3A = arith.constant 0 : i32
      %dma_wait3A_13 = arith.constant 0 : i32
      %dma_wait3A_14 = tpu.memref_slice %arg8[%dma_wait3A, %dma_wait3A_13] : memref<136x16xf32, #tpu.memory_space<vmem_shared>> -> memref<136x16xf32, #tpu.memory_space<vmem_shared>>
      tpu.wait_indirect_dma semaphore(%run_scoped3A : memref<!tpu.dma_semaphore, #tpu.memory_space<semaphore_mem>>) src(%arg7 : memref<3128x16xf32, #tpu.memory_space<vmem>>) dst(%dma_wait3A_14 : memref<136x16xf32, #tpu.memory_space<vmem_shared>>)
      tpu.yield
    }) : () -> ()
    %barrier3A_5 = arith.constant 0 : index
    tpu.barrier barrier_id(%barrier3A_5)
    %eq3A_6 = arith.constant 0 : i32
    %eq3A_7 = arith.cmpi eq, %arg1, %eq3A_6 : i32
    %convert_element_type3A_8 = arith.extui %eq3A_7 : i1 to i32
    %cond3A_9 = arith.constant 0 : i32
    %cond3A_10 = arith.cmpi ne, %convert_element_type3A_8, %cond3A_9 : i32
    scf.if %cond3A_10 {
      "tpu.region"() ({
        %run_scoped3A = tpu.sem_alloc : memref<!tpu.dma_semaphore, #tpu.memory_space<semaphore_mem>>
        %dma_start3A = arith.constant 0 : i32
        %dma_start3A_11 = arith.constant 0 : i32
        %dma_start3A_12 = tpu.memref_slice %arg5[%arg0, %dma_start3A, %dma_start3A_11] : memref<2x136x16xf32, #tpu.memory_space<hbm>> -> memref<1x136x16xf32, #tpu.memory_space<hbm>>
        %dma_start3A_13 = tpu.memref_squeeze %dma_start3A_12 : memref<1x136x16xf32, #tpu.memory_space<hbm>> -> memref<136x16xf32, #tpu.memory_space<hbm>>
        tpu.enqueue_dma source(%arg8 : memref<136x16xf32, #tpu.memory_space<vmem_shared>>) target(%dma_start3A_13 : memref<136x16xf32, #tpu.memory_space<hbm>>) target_semaphore(%run_scoped3A : memref<!tpu.dma_semaphore, #tpu.memory_space<semaphore_mem>>)
        %dma_wait3A = arith.constant 0 : i32
        %dma_wait3A_14 = arith.constant 0 : i32
        %dma_wait3A_15 = tpu.memref_slice %arg5[%arg0, %dma_wait3A, %dma_wait3A_14] : memref<2x136x16xf32, #tpu.memory_space<hbm>> -> memref<1x136x16xf32, #tpu.memory_space<hbm>>
        %dma_wait3A_16 = tpu.memref_squeeze %dma_wait3A_15 : memref<1x136x16xf32, #tpu.memory_space<hbm>> -> memref<136x16xf32, #tpu.memory_space<hbm>>
        tpu.wait_dma2 semaphore(%run_scoped3A : memref<!tpu.dma_semaphore, #tpu.memory_space<semaphore_mem>>) src(%arg8 : memref<136x16xf32, #tpu.memory_space<vmem_shared>>) dst(%dma_wait3A_16 : memref<136x16xf32, #tpu.memory_space<hbm>>)
        tpu.yield
      }) : () -> ()
    } else {
    }
    return
  }
}

module attributes {stable_mosaic.version = 14 : i64} {
  func.func @_tc1_body(%arg0: i32, %arg1: memref<1x3128x128xf32, #tpu.memory_space<vmem>>, %arg2: memref<1x3128x128xf32, #tpu.memory_space<vmem>>, %arg3: memref<3128x128xf32, #tpu.memory_space<vmem>>, %arg4: memref<3128x128xf32, #tpu.memory_space<vmem>>, %arg5: memref<3128x128xf32, #tpu.memory_space<vmem>>) attributes {dimension_semantics = [#tpu.dimension_semantics<arbitrary>], iteration_bounds = array<i64: 2>, scalar_prefetch = 0 : i64, scratch_operands = 0 : i64, tpu.core_type = #tpu.core_type<tc>, window_params = [{transform_indices = @transform_0, window_bounds = array<i64: 1, 3128, 128>}, {transform_indices = @transform_1, window_bounds = array<i64: 1, 3128, 128>}, {transform_indices = @transform_2, window_bounds = array<i64: 3128, 128>}, {transform_indices = @transform_3, window_bounds = array<i64: 3128, 128>}, {transform_indices = @transform_4, window_bounds = array<i64: 3128, 128>}]} {
    %get3A = arith.constant 0 : index
    %get3A_0 = arith.constant 0 : index
    %get3A_1 = arith.constant 0 : index
    %get3A_2 = vector.load %arg1[%get3A, %get3A_0, %get3A_1] : memref<1x3128x128xf32, #tpu.memory_space<vmem>>, vector<1x3128x128xf32>
    %get3A_3 = vector.shape_cast %get3A_2 : vector<1x3128x128xf32> to vector<3128x128xf32>
    %get3A_4 = arith.constant 0 : index
    %get3A_5 = arith.constant 0 : index
    %get3A_6 = arith.constant 0 : index
    %get3A_7 = vector.load %arg2[%get3A_4, %get3A_5, %get3A_6] : memref<1x3128x128xf32, #tpu.memory_space<vmem>>, vector<1x3128x128xf32>
    %get3A_8 = vector.shape_cast %get3A_7 : vector<1x3128x128xf32> to vector<3128x128xf32>
    %add3A = arith.addf %get3A_3, %get3A_8 : vector<3128x128xf32>
    %add3A_9 = arith.constant 1.000000e+00 : f32
    %add3A_10 = vector.broadcast %add3A_9 : f32 to vector<3128x128xf32>
    %add3A_11 = arith.addf %add3A, %add3A_10 : vector<3128x128xf32>
    %rsqrt3A = math.rsqrt %add3A_11 : vector<3128x128xf32>
    %swap3A = arith.constant 0 : index
    %swap3A_12 = arith.constant 0 : index
    %swap3A_13 = vector.load %arg4[%swap3A, %swap3A_12] : memref<3128x128xf32, #tpu.memory_space<vmem>>, vector<3128x128xf32>
    tpu.vector_store %arg4[%swap3A, %swap3A_12], %rsqrt3A {strides = array<i32>} : memref<3128x128xf32, #tpu.memory_space<vmem>>, vector<3128x128xf32>,
    %get3A_14 = arith.constant 0 : index
    %get3A_15 = arith.constant 0 : index
    %get3A_16 = vector.load %arg3[%get3A_14, %get3A_15] : memref<3128x128xf32, #tpu.memory_space<vmem>>, vector<3128x128xf32>
    %mul3A = arith.mulf %get3A_16, %rsqrt3A : vector<3128x128xf32>
    %swap3A_17 = arith.constant 0 : index
    %swap3A_18 = arith.constant 0 : index
    %swap3A_19 = vector.load %arg5[%swap3A_17, %swap3A_18] : memref<3128x128xf32, #tpu.memory_space<vmem>>, vector<3128x128xf32>
    tpu.vector_store %arg5[%swap3A_17, %swap3A_18], %mul3A {strides = array<i32>} : memref<3128x128xf32, #tpu.memory_space<vmem>>, vector<3128x128xf32>,
    return
  }
  func.func @transform_0(%arg0: i32) -> (i32, i32, i32) {
    %c0_i32 = arith.constant 0 : i32
    %c0_i32_0 = arith.constant 0 : i32
    %c0_i32_1 = arith.constant 0 : i32
    return %c0_i32, %arg0, %c0_i32_0 : i32, i32, i32
  }
  func.func @transform_1(%arg0: i32) -> (i32, i32, i32) {
    %c1_i32 = arith.constant 1 : i32
    %c0_i32 = arith.constant 0 : i32
    %c0_i32_0 = arith.constant 0 : i32
    return %c1_i32, %arg0, %c0_i32 : i32, i32, i32
  }
  func.func @transform_2(%arg0: i32) -> (i32, i32) {
    %c0_i32 = arith.constant 0 : i32
    %c0_i32_0 = arith.constant 0 : i32
    return %arg0, %c0_i32 : i32, i32
  }
  func.func @transform_3(%arg0: i32) -> (i32, i32) {
    %c0_i32 = arith.constant 0 : i32
    %c0_i32_0 = arith.constant 0 : i32
    return %arg0, %c0_i32 : i32, i32
  }
  func.func @transform_4(%arg0: i32) -> (i32, i32) {
    %c0_i32 = arith.constant 0 : i32
    %c0_i32_0 = arith.constant 0 : i32
    return %arg0, %c0_i32 : i32, i32
  }
}

module attributes {stable_mosaic.version = 14 : i64} {
  func.func @_tc2_body(%arg0: i32, %arg1: memref<1x3128x128xf32, #tpu.memory_space<vmem>>, %arg2: memref<1x3128x128xf32, #tpu.memory_space<vmem>>, %arg3: memref<3128x128xf32, #tpu.memory_space<vmem>>, %arg4: memref<3128x128xf32, #tpu.memory_space<vmem>>, %arg5: memref<128x512xf32, #tpu.memory_space<vmem>>, %arg6: memref<1x512xf32, #tpu.memory_space<vmem>>, %arg7: memref<512x256xf32, #tpu.memory_space<vmem>>, %arg8: memref<128x256xf32, #tpu.memory_space<vmem>>, %arg9: memref<3128x256xf32, #tpu.memory_space<vmem>>) attributes {dimension_semantics = [#tpu.dimension_semantics<arbitrary>], iteration_bounds = array<i64: 2>, scalar_prefetch = 0 : i64, scratch_operands = 0 : i64, tpu.core_type = #tpu.core_type<tc>, window_params = [{transform_indices = @transform_0, window_bounds = array<i64: 1, 3128, 128>}, {transform_indices = @transform_1, window_bounds = array<i64: 1, 3128, 128>}, {transform_indices = @transform_2, window_bounds = array<i64: 3128, 128>}, {transform_indices = @transform_3, window_bounds = array<i64: 3128, 128>}, {pipeline_mode = #tpu.pipeline_mode<synchronous>, transform_indices = @transform_4, window_bounds = array<i64: 128, 512>}, {pipeline_mode = #tpu.pipeline_mode<synchronous>, transform_indices = @transform_5, window_bounds = array<i64: 1, 512>}, {pipeline_mode = #tpu.pipeline_mode<synchronous>, transform_indices = @transform_6, window_bounds = array<i64: 512, 256>}, {pipeline_mode = #tpu.pipeline_mode<synchronous>, transform_indices = @transform_7, window_bounds = array<i64: 128, 256>}, {transform_indices = @transform_8, window_bounds = array<i64: 3128, 256>}]} {
    %get3A = arith.constant 0 : index
    %get3A_0 = arith.constant 0 : index
    %get3A_1 = vector.load %arg4[%get3A, %get3A_0] : memref<3128x128xf32, #tpu.memory_space<vmem>>, vector<3128x128xf32>
    %get3A_2 = arith.constant 0 : index
    %get3A_3 = arith.constant 0 : index
    %get3A_4 = arith.constant 0 : index
    %get3A_5 = vector.load %arg1[%get3A_2, %get3A_3, %get3A_4] : memref<1x3128x128xf32, #tpu.memory_space<vmem>>, vector<1x3128x128xf32>
    %get3A_6 = vector.shape_cast %get3A_5 : vector<1x3128x128xf32> to vector<3128x128xf32>
    %get3A_7 = arith.constant 0 : index
    %get3A_8 = arith.constant 0 : index
    %get3A_9 = arith.constant 0 : index
    %get3A_10 = vector.load %arg2[%get3A_7, %get3A_8, %get3A_9] : memref<1x3128x128xf32, #tpu.memory_space<vmem>>, vector<1x3128x128xf32>
    %get3A_11 = vector.shape_cast %get3A_10 : vector<1x3128x128xf32> to vector<3128x128xf32>
    %add3A = arith.addf %get3A_6, %get3A_11 : vector<3128x128xf32>
    %get3A_12 = arith.constant 0 : index
    %get3A_13 = arith.constant 0 : index
    %get3A_14 = vector.load %arg3[%get3A_12, %get3A_13] : memref<3128x128xf32, #tpu.memory_space<vmem>>, vector<3128x128xf32>
    %add3A_15 = arith.addf %add3A, %get3A_14 : vector<3128x128xf32>
    %mul3A = arith.mulf %get3A_1, %add3A_15 : vector<3128x128xf32>
    %get3A_16 = arith.constant 0 : index
    %get3A_17 = arith.constant 0 : index
    %get3A_18 = vector.load %arg5[%get3A_16, %get3A_17] : memref<128x512xf32, #tpu.memory_space<vmem>>, vector<128x512xf32>
    %dot_general3A = arith.constant dense<0.000000e+00> : vector<3128x512xf32>
    %dot_general3A_19 = tpu.matmul %mul3A, %get3A_18, %dot_general3A {dimension_numbers = #tpu.dot_dimension_numbers<[1], [0], [0], [1], [0, 0, 1, 1], [], []>, transpose_lhs_hint = false} : vector<3128x128xf32>, vector<128x512xf32>, vector<3128x512xf32> -> vector<3128x512xf32>
    %get3A_20 = arith.constant 0 : index
    %get3A_21 = arith.constant 0 : index
    %get3A_22 = vector.load %arg6[%get3A_20, %get3A_21] : memref<1x512xf32, #tpu.memory_space<vmem>>, vector<1x512xf32>
    %add3A_23 = vector.broadcast %get3A_22 : vector<1x512xf32> to vector<3128x512xf32>
    %add3A_24 = arith.addf %dot_general3A_19, %add3A_23 : vector<3128x512xf32>
    %max3A = arith.constant 0.000000e+00 : f32
    %max3A_25 = vector.broadcast %max3A : f32 to vector<3128x512xf32>
    %max3A_26 = arith.maximumf %add3A_24, %max3A_25 : vector<3128x512xf32>
    %get3A_27 = arith.constant 0 : index
    %get3A_28 = arith.constant 0 : index
    %get3A_29 = vector.load %arg4[%get3A_27, %get3A_28] : memref<3128x128xf32, #tpu.memory_space<vmem>>, vector<3128x128xf32>
    %get3A_30 = arith.constant 0 : index
    %get3A_31 = arith.constant 0 : index
    %get3A_32 = vector.load %arg8[%get3A_30, %get3A_31] : memref<128x256xf32, #tpu.memory_space<vmem>>, vector<128x256xf32>
    %dot_general3A_33 = arith.constant dense<0.000000e+00> : vector<3128x256xf32>
    %dot_general3A_34 = tpu.matmul %get3A_29, %get3A_32, %dot_general3A_33 {dimension_numbers = #tpu.dot_dimension_numbers<[1], [0], [0], [1], [0, 0, 1, 1], [], []>, transpose_lhs_hint = false} : vector<3128x128xf32>, vector<128x256xf32>, vector<3128x256xf32> -> vector<3128x256xf32>
    %get3A_35 = arith.constant 0 : index
    %get3A_36 = arith.constant 0 : index
    %get3A_37 = vector.load %arg7[%get3A_35, %get3A_36] : memref<512x256xf32, #tpu.memory_space<vmem>>, vector<512x256xf32>
    %dot_general3A_38 = arith.constant dense<0.000000e+00> : vector<3128x256xf32>
    %dot_general3A_39 = tpu.matmul %max3A_26, %get3A_37, %dot_general3A_38 {dimension_numbers = #tpu.dot_dimension_numbers<[1], [0], [0], [1], [0, 0, 1, 1], [], []>, transpose_lhs_hint = false} : vector<3128x512xf32>, vector<512x256xf32>, vector<3128x256xf32> -> vector<3128x256xf32>
    %mul3A_40 = arith.mulf %dot_general3A_34, %dot_general3A_39 : vector<3128x256xf32>
    %swap3A = arith.constant 0 : index
    %swap3A_41 = arith.constant 0 : index
    %swap3A_42 = vector.load %arg9[%swap3A, %swap3A_41] : memref<3128x256xf32, #tpu.memory_space<vmem>>, vector<3128x256xf32>
    tpu.vector_store %arg9[%swap3A, %swap3A_41], %mul3A_40 {strides = array<i32>} : memref<3128x256xf32, #tpu.memory_space<vmem>>, vector<3128x256xf32>,
    return
  }
  func.func @transform_0(%arg0: i32) -> (i32, i32, i32) {
    %c0_i32 = arith.constant 0 : i32
    %c0_i32_0 = arith.constant 0 : i32
    %c0_i32_1 = arith.constant 0 : i32
    return %c0_i32, %arg0, %c0_i32_0 : i32, i32, i32
  }
  func.func @transform_1(%arg0: i32) -> (i32, i32, i32) {
    %c1_i32 = arith.constant 1 : i32
    %c0_i32 = arith.constant 0 : i32
    %c0_i32_0 = arith.constant 0 : i32
    return %c1_i32, %arg0, %c0_i32 : i32, i32, i32
  }
  func.func @transform_2(%arg0: i32) -> (i32, i32) {
    %c0_i32 = arith.constant 0 : i32
    %c0_i32_0 = arith.constant 0 : i32
    return %arg0, %c0_i32 : i32, i32
  }
  func.func @transform_3(%arg0: i32) -> (i32, i32) {
    %c0_i32 = arith.constant 0 : i32
    %c0_i32_0 = arith.constant 0 : i32
    return %arg0, %c0_i32 : i32, i32
  }
  func.func @transform_4(%arg0: i32) -> (i32, i32) {
    %c0_i32 = arith.constant 0 : i32
    %c0_i32_0 = arith.constant 0 : i32
    %c0_i32_1 = arith.constant 0 : i32
    return %c0_i32, %c0_i32_0 : i32, i32
  }
  func.func @transform_5(%arg0: i32) -> (i32, i32) {
    %c0_i32 = arith.constant 0 : i32
    %c0_i32_0 = arith.constant 0 : i32
    %c0_i32_1 = arith.constant 0 : i32
    return %c0_i32, %c0_i32_0 : i32, i32
  }
  func.func @transform_6(%arg0: i32) -> (i32, i32) {
    %c0_i32 = arith.constant 0 : i32
    %c0_i32_0 = arith.constant 0 : i32
    %c0_i32_1 = arith.constant 0 : i32
    return %c0_i32, %c0_i32_0 : i32, i32
  }
  func.func @transform_7(%arg0: i32) -> (i32, i32) {
    %c0_i32 = arith.constant 0 : i32
    %c0_i32_0 = arith.constant 0 : i32
    %c0_i32_1 = arith.constant 0 : i32
    return %c0_i32, %c0_i32_0 : i32, i32
  }
  func.func @transform_8(%arg0: i32) -> (i32, i32) {
    %c0_i32 = arith.constant 0 : i32
    %c0_i32_0 = arith.constant 0 : i32
    return %arg0, %c0_i32 : i32, i32
  }
}

module attributes {stable_mosaic.version = 14 : i64} {
  func.func @_tc3_body(%arg0: i32, %arg1: memref<1x3128x256xf32, #tpu.memory_space<vmem>>, %arg2: memref<1x3128x256xf32, #tpu.memory_space<vmem>>, %arg3: memref<3128x256xf32, #tpu.memory_space<vmem>>, %arg4: memref<3128x128xf32, #tpu.memory_space<vmem>>, %arg5: memref<128x256xf32, #tpu.memory_space<vmem>>, %arg6: memref<1x256xf32, #tpu.memory_space<vmem>>, %arg7: memref<256x128xf32, #tpu.memory_space<vmem>>, %arg8: memref<3128x128xf32, #tpu.memory_space<vmem>>) attributes {dimension_semantics = [#tpu.dimension_semantics<arbitrary>], iteration_bounds = array<i64: 2>, scalar_prefetch = 0 : i64, scratch_operands = 0 : i64, tpu.core_type = #tpu.core_type<tc>, window_params = [{transform_indices = @transform_0, window_bounds = array<i64: 1, 3128, 256>}, {transform_indices = @transform_1, window_bounds = array<i64: 1, 3128, 256>}, {transform_indices = @transform_2, window_bounds = array<i64: 3128, 256>}, {transform_indices = @transform_3, window_bounds = array<i64: 3128, 128>}, {pipeline_mode = #tpu.pipeline_mode<synchronous>, transform_indices = @transform_4, window_bounds = array<i64: 128, 256>}, {pipeline_mode = #tpu.pipeline_mode<synchronous>, transform_indices = @transform_5, window_bounds = array<i64: 1, 256>}, {pipeline_mode = #tpu.pipeline_mode<synchronous>, transform_indices = @transform_6, window_bounds = array<i64: 256, 128>}, {transform_indices = @transform_7, window_bounds = array<i64: 3128, 128>}]} {
    %get3A = arith.constant 0 : index
    %get3A_0 = arith.constant 0 : index
    %get3A_1 = vector.load %arg4[%get3A, %get3A_0] : memref<3128x128xf32, #tpu.memory_space<vmem>>, vector<3128x128xf32>
    %get3A_2 = arith.constant 0 : index
    %get3A_3 = arith.constant 0 : index
    %get3A_4 = vector.load %arg5[%get3A_2, %get3A_3] : memref<128x256xf32, #tpu.memory_space<vmem>>, vector<128x256xf32>
    %dot_general3A = arith.constant dense<0.000000e+00> : vector<3128x256xf32>
    %dot_general3A_5 = tpu.matmul %get3A_1, %get3A_4, %dot_general3A {dimension_numbers = #tpu.dot_dimension_numbers<[1], [0], [0], [1], [0, 0, 1, 1], [], []>, transpose_lhs_hint = false} : vector<3128x128xf32>, vector<128x256xf32>, vector<3128x256xf32> -> vector<3128x256xf32>
    %get3A_6 = arith.constant 0 : index
    %get3A_7 = arith.constant 0 : index
    %get3A_8 = arith.constant 0 : index
    %get3A_9 = vector.load %arg1[%get3A_6, %get3A_7, %get3A_8] : memref<1x3128x256xf32, #tpu.memory_space<vmem>>, vector<1x3128x256xf32>
    %get3A_10 = vector.shape_cast %get3A_9 : vector<1x3128x256xf32> to vector<3128x256xf32>
    %get3A_11 = arith.constant 0 : index
    %get3A_12 = arith.constant 0 : index
    %get3A_13 = arith.constant 0 : index
    %get3A_14 = vector.load %arg2[%get3A_11, %get3A_12, %get3A_13] : memref<1x3128x256xf32, #tpu.memory_space<vmem>>, vector<1x3128x256xf32>
    %get3A_15 = vector.shape_cast %get3A_14 : vector<1x3128x256xf32> to vector<3128x256xf32>
    %add3A = arith.addf %get3A_10, %get3A_15 : vector<3128x256xf32>
    %get3A_16 = arith.constant 0 : index
    %get3A_17 = arith.constant 0 : index
    %get3A_18 = vector.load %arg3[%get3A_16, %get3A_17] : memref<3128x256xf32, #tpu.memory_space<vmem>>, vector<3128x256xf32>
    %add3A_19 = arith.addf %add3A, %get3A_18 : vector<3128x256xf32>
    %mul3A = arith.mulf %dot_general3A_5, %add3A_19 : vector<3128x256xf32>
    %get3A_20 = arith.constant 0 : index
    %get3A_21 = arith.constant 0 : index
    %get3A_22 = vector.load %arg6[%get3A_20, %get3A_21] : memref<1x256xf32, #tpu.memory_space<vmem>>, vector<1x256xf32>
    %add3A_23 = vector.broadcast %get3A_22 : vector<1x256xf32> to vector<3128x256xf32>
    %add3A_24 = arith.addf %mul3A, %add3A_23 : vector<3128x256xf32>
    %max3A = arith.constant 0.000000e+00 : f32
    %max3A_25 = vector.broadcast %max3A : f32 to vector<3128x256xf32>
    %max3A_26 = arith.maximumf %add3A_24, %max3A_25 : vector<3128x256xf32>
    %get3A_27 = arith.constant 0 : index
    %get3A_28 = arith.constant 0 : index
    %get3A_29 = vector.load %arg4[%get3A_27, %get3A_28] : memref<3128x128xf32, #tpu.memory_space<vmem>>, vector<3128x128xf32>
    %get3A_30 = arith.constant 0 : index
    %get3A_31 = arith.constant 0 : index
    %get3A_32 = vector.load %arg7[%get3A_30, %get3A_31] : memref<256x128xf32, #tpu.memory_space<vmem>>, vector<256x128xf32>
    %dot_general3A_33 = arith.constant dense<0.000000e+00> : vector<3128x128xf32>
    %dot_general3A_34 = tpu.matmul %max3A_26, %get3A_32, %dot_general3A_33 {dimension_numbers = #tpu.dot_dimension_numbers<[1], [0], [0], [1], [0, 0, 1, 1], [], []>, transpose_lhs_hint = false} : vector<3128x256xf32>, vector<256x128xf32>, vector<3128x128xf32> -> vector<3128x128xf32>
    %mul3A_35 = arith.mulf %get3A_29, %dot_general3A_34 : vector<3128x128xf32>
    %swap3A = arith.constant 0 : index
    %swap3A_36 = arith.constant 0 : index
    %swap3A_37 = vector.load %arg8[%swap3A, %swap3A_36] : memref<3128x128xf32, #tpu.memory_space<vmem>>, vector<3128x128xf32>
    tpu.vector_store %arg8[%swap3A, %swap3A_36], %mul3A_35 {strides = array<i32>} : memref<3128x128xf32, #tpu.memory_space<vmem>>, vector<3128x128xf32>,
    return
  }
  func.func @transform_0(%arg0: i32) -> (i32, i32, i32) {
    %c0_i32 = arith.constant 0 : i32
    %c0_i32_0 = arith.constant 0 : i32
    %c0_i32_1 = arith.constant 0 : i32
    return %c0_i32, %arg0, %c0_i32_0 : i32, i32, i32
  }
  func.func @transform_1(%arg0: i32) -> (i32, i32, i32) {
    %c1_i32 = arith.constant 1 : i32
    %c0_i32 = arith.constant 0 : i32
    %c0_i32_0 = arith.constant 0 : i32
    return %c1_i32, %arg0, %c0_i32 : i32, i32, i32
  }
  func.func @transform_2(%arg0: i32) -> (i32, i32) {
    %c0_i32 = arith.constant 0 : i32
    %c0_i32_0 = arith.constant 0 : i32
    return %arg0, %c0_i32 : i32, i32
  }
  func.func @transform_3(%arg0: i32) -> (i32, i32) {
    %c0_i32 = arith.constant 0 : i32
    %c0_i32_0 = arith.constant 0 : i32
    return %arg0, %c0_i32 : i32, i32
  }
  func.func @transform_4(%arg0: i32) -> (i32, i32) {
    %c0_i32 = arith.constant 0 : i32
    %c0_i32_0 = arith.constant 0 : i32
    %c0_i32_1 = arith.constant 0 : i32
    return %c0_i32, %c0_i32_0 : i32, i32
  }
  func.func @transform_5(%arg0: i32) -> (i32, i32) {
    %c0_i32 = arith.constant 0 : i32
    %c0_i32_0 = arith.constant 0 : i32
    %c0_i32_1 = arith.constant 0 : i32
    return %c0_i32, %c0_i32_0 : i32, i32
  }
  func.func @transform_6(%arg0: i32) -> (i32, i32) {
    %c0_i32 = arith.constant 0 : i32
    %c0_i32_0 = arith.constant 0 : i32
    %c0_i32_1 = arith.constant 0 : i32
    return %c0_i32, %c0_i32_0 : i32, i32
  }
  func.func @transform_7(%arg0: i32) -> (i32, i32) {
    %c0_i32 = arith.constant 0 : i32
    %c0_i32_0 = arith.constant 0 : i32
    return %arg0, %c0_i32 : i32, i32
  }
}

module attributes {stable_mosaic.version = 14 : i64} {
  func.func @_tc4_body(%arg0: i32, %arg1: memref<1x3128x128xf32, #tpu.memory_space<vmem>>, %arg2: memref<1x3128x128xf32, #tpu.memory_space<vmem>>, %arg3: memref<3128x128xf32, #tpu.memory_space<vmem>>, %arg4: memref<3128x128xf32, #tpu.memory_space<vmem>>, %arg5: memref<1x128xf32, #tpu.memory_space<vmem>>, %arg6: memref<128x256xf32, #tpu.memory_space<vmem>>, %arg7: memref<1x256xf32, #tpu.memory_space<vmem>>, %arg8: memref<3128x256xf32, #tpu.memory_space<vmem>>) attributes {dimension_semantics = [#tpu.dimension_semantics<arbitrary>], iteration_bounds = array<i64: 2>, scalar_prefetch = 0 : i64, scratch_operands = 0 : i64, tpu.core_type = #tpu.core_type<tc>, window_params = [{transform_indices = @transform_0, window_bounds = array<i64: 1, 3128, 128>}, {transform_indices = @transform_1, window_bounds = array<i64: 1, 3128, 128>}, {transform_indices = @transform_2, window_bounds = array<i64: 3128, 128>}, {transform_indices = @transform_3, window_bounds = array<i64: 3128, 128>}, {pipeline_mode = #tpu.pipeline_mode<synchronous>, transform_indices = @transform_4, window_bounds = array<i64: 1, 128>}, {pipeline_mode = #tpu.pipeline_mode<synchronous>, transform_indices = @transform_5, window_bounds = array<i64: 128, 256>}, {pipeline_mode = #tpu.pipeline_mode<synchronous>, transform_indices = @transform_6, window_bounds = array<i64: 1, 256>}, {transform_indices = @transform_7, window_bounds = array<i64: 3128, 256>}]} {
    %get3A = arith.constant 0 : index
    %get3A_0 = arith.constant 0 : index
    %get3A_1 = vector.load %arg4[%get3A, %get3A_0] : memref<3128x128xf32, #tpu.memory_space<vmem>>, vector<3128x128xf32>
    %get3A_2 = arith.constant 0 : index
    %get3A_3 = arith.constant 0 : index
    %get3A_4 = arith.constant 0 : index
    %get3A_5 = vector.load %arg1[%get3A_2, %get3A_3, %get3A_4] : memref<1x3128x128xf32, #tpu.memory_space<vmem>>, vector<1x3128x128xf32>
    %get3A_6 = vector.shape_cast %get3A_5 : vector<1x3128x128xf32> to vector<3128x128xf32>
    %get3A_7 = arith.constant 0 : index
    %get3A_8 = arith.constant 0 : index
    %get3A_9 = arith.constant 0 : index
    %get3A_10 = vector.load %arg2[%get3A_7, %get3A_8, %get3A_9] : memref<1x3128x128xf32, #tpu.memory_space<vmem>>, vector<1x3128x128xf32>
    %get3A_11 = vector.shape_cast %get3A_10 : vector<1x3128x128xf32> to vector<3128x128xf32>
    %add3A = arith.addf %get3A_6, %get3A_11 : vector<3128x128xf32>
    %get3A_12 = arith.constant 0 : index
    %get3A_13 = arith.constant 0 : index
    %get3A_14 = vector.load %arg3[%get3A_12, %get3A_13] : memref<3128x128xf32, #tpu.memory_space<vmem>>, vector<3128x128xf32>
    %add3A_15 = arith.addf %add3A, %get3A_14 : vector<3128x128xf32>
    %mul3A = arith.mulf %get3A_1, %add3A_15 : vector<3128x128xf32>
    %get3A_16 = arith.constant 0 : index
    %get3A_17 = arith.constant 0 : index
    %get3A_18 = vector.load %arg5[%get3A_16, %get3A_17] : memref<1x128xf32, #tpu.memory_space<vmem>>, vector<1x128xf32>
    %add3A_19 = vector.broadcast %get3A_18 : vector<1x128xf32> to vector<3128x128xf32>
    %add3A_20 = arith.addf %mul3A, %add3A_19 : vector<3128x128xf32>
    %max3A = arith.constant 0.000000e+00 : f32
    %max3A_21 = vector.broadcast %max3A : f32 to vector<3128x128xf32>
    %max3A_22 = arith.maximumf %add3A_20, %max3A_21 : vector<3128x128xf32>
    %get3A_23 = arith.constant 0 : index
    %get3A_24 = arith.constant 0 : index
    %get3A_25 = vector.load %arg6[%get3A_23, %get3A_24] : memref<128x256xf32, #tpu.memory_space<vmem>>, vector<128x256xf32>
    %dot_general3A = arith.constant dense<0.000000e+00> : vector<3128x256xf32>
    %dot_general3A_26 = tpu.matmul %max3A_22, %get3A_25, %dot_general3A {dimension_numbers = #tpu.dot_dimension_numbers<[1], [0], [0], [1], [0, 0, 1, 1], [], []>, transpose_lhs_hint = false} : vector<3128x128xf32>, vector<128x256xf32>, vector<3128x256xf32> -> vector<3128x256xf32>
    %get3A_27 = arith.constant 0 : index
    %get3A_28 = arith.constant 0 : index
    %get3A_29 = vector.load %arg7[%get3A_27, %get3A_28] : memref<1x256xf32, #tpu.memory_space<vmem>>, vector<1x256xf32>
    %add3A_30 = vector.broadcast %get3A_29 : vector<1x256xf32> to vector<3128x256xf32>
    %add3A_31 = arith.addf %dot_general3A_26, %add3A_30 : vector<3128x256xf32>
    %swap3A = arith.constant 0 : index
    %swap3A_32 = arith.constant 0 : index
    %swap3A_33 = vector.load %arg8[%swap3A, %swap3A_32] : memref<3128x256xf32, #tpu.memory_space<vmem>>, vector<3128x256xf32>
    tpu.vector_store %arg8[%swap3A, %swap3A_32], %add3A_31 {strides = array<i32>} : memref<3128x256xf32, #tpu.memory_space<vmem>>, vector<3128x256xf32>,
    return
  }
  func.func @transform_0(%arg0: i32) -> (i32, i32, i32) {
    %c0_i32 = arith.constant 0 : i32
    %c0_i32_0 = arith.constant 0 : i32
    %c0_i32_1 = arith.constant 0 : i32
    return %c0_i32, %arg0, %c0_i32_0 : i32, i32, i32
  }
  func.func @transform_1(%arg0: i32) -> (i32, i32, i32) {
    %c1_i32 = arith.constant 1 : i32
    %c0_i32 = arith.constant 0 : i32
    %c0_i32_0 = arith.constant 0 : i32
    return %c1_i32, %arg0, %c0_i32 : i32, i32, i32
  }
  func.func @transform_2(%arg0: i32) -> (i32, i32) {
    %c0_i32 = arith.constant 0 : i32
    %c0_i32_0 = arith.constant 0 : i32
    return %arg0, %c0_i32 : i32, i32
  }
  func.func @transform_3(%arg0: i32) -> (i32, i32) {
    %c0_i32 = arith.constant 0 : i32
    %c0_i32_0 = arith.constant 0 : i32
    return %arg0, %c0_i32 : i32, i32
  }
  func.func @transform_4(%arg0: i32) -> (i32, i32) {
    %c0_i32 = arith.constant 0 : i32
    %c0_i32_0 = arith.constant 0 : i32
    %c0_i32_1 = arith.constant 0 : i32
    return %c0_i32, %c0_i32_0 : i32, i32
  }
  func.func @transform_5(%arg0: i32) -> (i32, i32) {
    %c0_i32 = arith.constant 0 : i32
    %c0_i32_0 = arith.constant 0 : i32
    %c0_i32_1 = arith.constant 0 : i32
    return %c0_i32, %c0_i32_0 : i32, i32
  }
  func.func @transform_6(%arg0: i32) -> (i32, i32) {
    %c0_i32 = arith.constant 0 : i32
    %c0_i32_0 = arith.constant 0 : i32
    %c0_i32_1 = arith.constant 0 : i32
    return %c0_i32, %c0_i32_0 : i32, i32
  }
  func.func @transform_7(%arg0: i32) -> (i32, i32) {
    %c0_i32 = arith.constant 0 : i32
    %c0_i32_0 = arith.constant 0 : i32
    return %arg0, %c0_i32 : i32, i32
  }
}

module attributes {stable_mosaic.version = 14 : i64} {
  func.func @_tc5_body(%arg0: memref<136x16xf32, #tpu.memory_space<vmem>>, %arg1: memref<136x16xf32, #tpu.memory_space<vmem>>, %arg2: memref<8x3xf32, #tpu.memory_space<vmem>>, %arg3: memref<1x3xf32, #tpu.memory_space<vmem>>, %arg4: memref<128x3xf32, #tpu.memory_space<vmem>>) attributes {dimension_semantics = [], scalar_prefetch = 0 : i64, scratch_operands = 0 : i64, tpu.core_type = #tpu.core_type<tc>} {
    %get3A = arith.constant 0 : index
    %get3A_0 = arith.constant 0 : index
    %get3A_1 = vector.load %arg0[%get3A, %get3A_0] : memref<136x16xf32, #tpu.memory_space<vmem>>, vector<136x16xf32>
    %get3A_2 = arith.constant 0 : index
    %get3A_3 = arith.constant 0 : index
    %get3A_4 = vector.load %arg1[%get3A_2, %get3A_3] : memref<136x16xf32, #tpu.memory_space<vmem>>, vector<136x16xf32>
    %add3A = arith.addf %get3A_1, %get3A_4 : vector<136x16xf32>
    %slice3A = vector.extract_strided_slice %add3A {offsets = [0, 0], sizes = [128, 16], strides = [1, 1]} : vector<136x16xf32> to vector<128x16xf32>
    %slice3A_5 = vector.extract_strided_slice %slice3A {offsets = [0, 0], sizes = [128, 8], strides = [1, 1]} : vector<128x16xf32> to vector<128x8xf32>
    %slice3A_6 = vector.extract_strided_slice %slice3A {offsets = [0, 8], sizes = [128, 1], strides = [1, 1]} : vector<128x16xf32> to vector<128x1xf32>
    %max3A = arith.constant 1.000000e+00 : f32
    %max3A_7 = vector.broadcast %max3A : f32 to vector<128x1xf32>
    %max3A_8 = arith.maximumf %slice3A_6, %max3A_7 : vector<128x1xf32>
    %div3A = vector.broadcast %max3A_8 : vector<128x1xf32> to vector<128x8xf32>
    %div3A_9 = arith.divf %slice3A_5, %div3A : vector<128x8xf32>
    %get3A_10 = arith.constant 0 : index
    %get3A_11 = arith.constant 0 : index
    %get3A_12 = vector.load %arg2[%get3A_10, %get3A_11] : memref<8x3xf32, #tpu.memory_space<vmem>>, vector<8x3xf32>
    %dot_general3A = arith.constant dense<0.000000e+00> : vector<128x3xf32>
    %dot_general3A_13 = tpu.matmul %div3A_9, %get3A_12, %dot_general3A {dimension_numbers = #tpu.dot_dimension_numbers<[1], [0], [0], [1], [0, 0, 1, 1], [], []>, transpose_lhs_hint = false} : vector<128x8xf32>, vector<8x3xf32>, vector<128x3xf32> -> vector<128x3xf32>
    %get3A_14 = arith.constant 0 : index
    %get3A_15 = arith.constant 0 : index
    %get3A_16 = vector.load %arg3[%get3A_14, %get3A_15] : memref<1x3xf32, #tpu.memory_space<vmem>>, vector<1x3xf32>
    %add3A_17 = vector.broadcast %get3A_16 : vector<1x3xf32> to vector<128x3xf32>
    %add3A_18 = arith.addf %dot_general3A_13, %add3A_17 : vector<128x3xf32>
    %swap3A = arith.constant 0 : index
    %swap3A_19 = arith.constant 0 : index
    %swap3A_20 = vector.load %arg4[%swap3A, %swap3A_19] : memref<128x3xf32, #tpu.memory_space<vmem>>, vector<128x3xf32>
    tpu.vector_store %arg4[%swap3A, %swap3A_19], %add3A_18 {strides = array<i32>} : memref<128x3xf32, #tpu.memory_space<vmem>>, vector<128x3xf32>,
    return
  }
}

</mosaic_0001>

<sc_bundles>
// kernel: kernel.12.cloned.1.call-start
scs
__scs_entry_jumppad:
0x0: {  	(pc) =	sbr.rel $0x88, $3  }
0x1: {  	(tag) =	ssettag $0x0;
	lr =	simm.s32 $0x1  }
0x2: {  	[smem:$0x3F96] =	sst lr;
	_ =	strace $0xD0000000  }
0x3: {  	_ = 	snop  }
0x4: {  	_ = 	snop  }
0x5: {  	_ = 	snop  }
0x6: {  	_ = 	snop  }
0x7: {  	_ = 	snop  }
__scs_overlays_trampoline_lowered:
0x8: {  	[smem:$0x3FA5] =	sst s0  }
0x9: {  	[smem:$0x3FA6] =	sst s1  }
0xa: {  	[smem:$0x3FA7] =	sst s2  }
0xb: {  	[smem:$0x3FA8] =	sst s3  }
0xc: {  	[smem:$0x3FA9] =	sst s4  }
0xd: {  	[smem:$0x3FAA] =	sst s5  }
0xe: {  	[smem:$0x3FAB] =	sst s6  }
0xf: {  	[smem:$0x3FAC] =	sst s7  }
0x10: {  	[smem:$0x3FAD] =	sst s8  }
0x11: {  	[smem:$0x3FAE] =	sst s9;
	s0 =	simm.s32 @!p0 $0x0  }
0x12: {  	s1 =	sld [smem:$0x3F94];
	s0 =	simm.s32 @p0 $0x1  }
0x13: {  	[smem:$0x3FAF] =	sst s0;
	s0 =	simm.s32 @!p1 $0x0  }
0x14: {  	s2 =	sld [smem:$0x3F93];
	s0 =	simm.s32 @p1 $0x1  }
0x15: {  	[smem:$0x3FB0] =	sst s0;
	s0 =	simm.s32 @!p2 $0x0  }
0x16: {  	s3 =	sld [smem:$0x3FDB];
	s0 =	simm.s32 @p2 $0x1  }
0x17: {  	s4 =	simm.s32 $0x1BF5;
	[smem:$0x3FB2] =	sst s0  }
0x18: {  	s0 =	sld [smem:$0x3F95];
	_ =	swait.ge [sflag:s4], $0x0  }
0x19: {  	s7 =	sld [smem:$0x3F96]  }
0x1a: {  	s8 =	sadd.s32 $0xFFFFE003, lr  }
0x1b: {  	s9 =	sadd.s32 $0xFFFFFEF7, lr;
	s5 =	simm.s32 $0xFFFFFFFF;
	p2 =	slt.u32 s8, $0xFFFFF086  }
0x1c: {  	p1 =	slt.u32 s9, $0xF7A;
	s5 =	simm.s32 @!p2 $0x0  }
0x1d: {  	s5 =	simm.s32 @p1 $0x1;
	p0 =	seq.s32 s7, s2  }
0x1e: {  	s7 =	smul.u32 @!p0 $0xF7A, s2;
	p2 =	seq.s32 @!p0 s5, $0x0  }
0x1f: {  	s9 =	smul.u32 $0xF7A, s1;
	s8 =	simm.s32 @!p0 $0x1BF5;
	p2 =	por !p2, p0  }
0x20: {  	[sflag:s8] =	ssyncset.s32 @!p0 $0xFFFFF086;
	s6 =	sadd.s32 @!p0 s3, s7;
	s7 =	simm.s32 @!p0 $0x108  }
0x21: {  	s3 =	sadd.s32 s3, s9;
	s6 =	sadd.s32 @!p0 $0x88, s6;
	s7 =	simm.s32 @p2 $0x1082  }
0x22: {  	[simem:s7], [sflag:s8] =	dma.local @!p0 [hbm:s6], $0xF7A  }
0x23: {  	s9 =	sor.u32 $0xD0000000, s2;
	s6 =	simm.s32 $0x108;
	_ =	swait.ge @!p0 [sflag:s8], $0x0  }
0x24: {  	s3 =	sadd.s32 $0x88, s3;
	s6 =	simm.s32 @!p1 $0x1082;
	[sflag:s4] =	ssyncset.s32 $0xFFFFF086  }
0x25: {  	[simem:s6], [sflag:s4] =	dma.local [hbm:s3], $0xF7A  }
0x26: {  	[smem:$0x3F96] =	sst s1;
	(tag) =	ssettag s2;
	_ =	strace s9  }
0x27: {  	s1 =	sld [smem:$0x3FA6]  }
0x28: {  	s2 =	sld [smem:$0x3FA7]  }
0x29: {  	s4 =	sld [smem:$0x3FA9]  }
0x2a: {  	p0 =	seq.s32 s5, $0x0;
	s5 =	sld [smem:$0x3FAA]  }
0x2b: {  	s6 =	sld [smem:$0x3FAB]  }
0x2c: {  	s7 =	sld [smem:$0x3FAC]  }
0x2d: {  	s3 =	simm.s32 $0x108;
	s8 =	sld [smem:$0x3FAD]  }
0x2e: {  	s3 =	simm.s32 @!p0 $0x1082;
	s9 =	sld [smem:$0x3FAE]  }
0x2f: {  	lr =	sadd.s32 s0, s3;
	s0 =	sld [smem:$0x3FA5]  }
0x30: {  	s3 =	sld [smem:$0x3FA8]  }
0x31: {  	[smem:$0x3FB1] =	sst s10  }
0x32: {  	s10 =	sld [smem:$0x3FAF];
	_ =	sdelay $0x3  }
0x33: {  	p0 =	seq.s32 s10, $0x1;
	s10 =	sld [smem:$0x3FB1];
	_ =	sdelay $0x3  }
0x34: {  	[smem:$0x3FB1] =	sst s10  }
0x35: {  	s10 =	sld [smem:$0x3FB0];
	_ =	sdelay $0x3  }
0x36: {  	p1 =	seq.s32 s10, $0x1;
	s10 =	sld [smem:$0x3FB1];
	_ =	sdelay $0x3  }
0x37: {  	[smem:$0x3FB1] =	sst s10  }
0x38: {  	s10 =	sld [smem:$0x3FB2]  }
0x39: {  	_ = 	snop;
	(pc) =	sbr.ind lr, $3  }
0x3a: {  	_ = 	snop  }
0x3b: {  	_ = 	snop  }
0x3c: {  	p2 =	seq.s32 s10, $0x1;
	s10 =	sld [smem:$0x3FB1]  }
0x3d: {  	_ =	shalt  }
0x3e: {  	_ =	shalt  }
0x3f: {  	_ =	shalt  }
0x40: {  	_ =	shalt  }
0x41: {  	_ =	shalt  }
0x42: {  	_ =	shalt  }
0x43: {  	_ =	shalt  }
0x44: {  	_ =	shalt  }
0x45: {  	_ =	shalt  }
0x46: {  	_ =	shalt  }
0x47: {  	_ =	shalt  }
0x48: {  	_ =	shalt  }
0x49: {  	_ =	shalt  }
0x4a: {  	_ =	shalt  }
0x4b: {  	_ =	shalt  }
0x4c: {  	_ =	shalt  }
0x4d: {  	_ =	shalt  }
0x4e: {  	_ =	shalt  }
0x4f: {  	_ =	shalt  }
0x50: {  	_ =	shalt  }
0x51: {  	_ =	shalt  }
0x52: {  	_ =	shalt  }
0x53: {  	_ =	shalt  }
0x54: {  	_ =	shalt  }
0x55: {  	_ =	shalt  }
0x56: {  	_ =	shalt  }
0x57: {  	_ =	shalt  }
0x58: {  	_ =	shalt  }
0x59: {  	_ =	shalt  }
0x5a: {  	_ =	shalt  }
0x5b: {  	_ =	shalt  }
0x5c: {  	_ =	shalt  }
0x5d: {  	_ =	shalt  }
0x5e: {  	_ =	shalt  }
0x5f: {  	_ =	shalt  }
0x60: {  	_ =	shalt  }
0x61: {  	_ =	shalt  }
0x62: {  	_ =	shalt  }
0x63: {  	_ =	shalt  }
0x64: {  	_ =	shalt  }
0x65: {  	_ =	shalt  }
0x66: {  	_ =	shalt  }
0x67: {  	_ =	shalt  }
0x68: {  	_ =	shalt  }
0x69: {  	_ =	shalt  }
0x6a: {  	_ =	shalt  }
0x6b: {  	_ =	shalt  }
0x6c: {  	_ =	shalt  }
0x6d: {  	_ =	shalt  }
0x6e: {  	_ =	shalt  }
0x6f: {  	_ =	shalt  }
0x70: {  	_ =	shalt  }
0x71: {  	_ =	shalt  }
0x72: {  	_ =	shalt  }
0x73: {  	_ =	shalt  }
0x74: {  	_ =	shalt  }
0x75: {  	_ =	shalt  }
0x76: {  	_ =	shalt  }
0x77: {  	_ =	shalt  }
0x78: {  	_ =	shalt  }
0x79: {  	_ =	shalt  }
0x7a: {  	_ =	shalt  }
0x7b: {  	_ =	shalt  }
0x7c: {  	_ =	shalt  }
0x7d: {  	_ =	shalt  }
0x7e: {  	_ =	shalt  }
0x7f: {  	_ =	shalt  }
0x80: {  	_ =	shalt  }
0x81: {  	_ =	shalt  }
0x82: {  	_ =	shalt  }
0x83: {  	_ =	shalt  }
0x84: {  	_ =	shalt  }
0x85: {  	_ =	shalt  }
0x86: {  	_ =	shalt  }
0x87: {  	_ =	shalt  }
.Lfunc_end0:
.L_simem_size_0:
called_computation_lowered:
.L_overlay_start_0:
0x88: {  	s2 =	sld [smem:$0x3FD9]  }
0x89: {  	s3 =	sld [smem:$0x3FFE];
	_ =	sdelay $0x1  }
0x8a: {  	s1 =	srdreg.scid  }
0x8b: {  	s0 =	sand.u32 $0x1, s1  }
0x8c: {  	s16 =	sshll.u32 s0, $0xA;
	s2 =	sadd.s32 s3, s2  }
0x8d: {  	s2 =	sadd.s32 s2, s16  }
0x8e: {  	[smem:$0x3FBD] =	sst s2  }
0x8f: {  	_ = 	snop  }
0x90: {  	(tm) =	ssettm $0x1  }
0x91: {  	s17 =	sld [smem:$0x3FFB];
	_ =	sdelay $0x3  }
0x92: {  	_ =	strace s17  }
0x93: {  	s2 =	sld [smem:$0x3FFC];
	_ =	sdelay $0x3  }
0x94: {  	_ =	strace s2  }
0x95: {  	s2 =	sld [smem:$0x3FFD];
	_ =	sdelay $0x3  }
0x96: {  	_ =	strace s2  }
0x97: {  	_ =	strace $0x8FFFFFFF  }
0x98: {  	s18 =	sld [smem:$0x3FDB];
	_ =	sdelay $0x1  }
0x99: {  	s19 =	simm.s32 $_scs_section_size  }
0x9a: {  	s4 =	simm.s32 $_size__tile_overlayer_lowered;
	s5 =	simm.s32 $_tile_overlayer_lowered  }
0x9b: {  	s22 =	simm.s32 $0x1BFF;
	s21 =	sshll.u32 s5, $0x1;
	s2 =	sadd.s32 s19, s18  }
0x9c: {  	s6 =	simm.s32 $0x0;
	s20 =	sshll.u32 s4, $0x1;
	s4 =	sadd.s32 s21, s2  }
0x9d: {  	[timem:s6], [sflag:s22] =	dma.local [hbm:s4], s20  }
0x9e: {  	_ =	swait.ge [sflag:s22], s20  }
0x9f: {  	s3 =	ssub.s32 $0x0, s20;
	[sflag:s22] =	ssyncset.done $0x0  }
0xa0: {  	[sflag:s22] =	ssyncadd.s32 s3;
	_ =	sdelay $0x1  }
0xa1: {  	s23 =	simm.s32 $0x1B8B  }
0xa2: {  	_ =	swait.ge [sflag:s23], $0x1  }
0xa3: {  	[sflag:s23] =	ssyncset.done $0x0  }
0xa4: {  	s25 =	simm.s32 $0x1B8E;
	s24 =	sld [smem:$0x3FFE];
	[sflag:s23] =	ssyncadd.s32 $0xFFFFFFFF  }
0xa5: {  	s26 =	simm.s32 $execute0_lowered;
	[smem:$0x3FD2] =	sst s25  }
0xa6: {  	s4 =	sshll.u32 s26, $0x1;
	_ =	strace $0x80000046;
	[dreg:$0x1] =	wrdreg $0xFFFFFFFF  }
0xa7: {  	s28 =	simm.s32 $_size_execute0_lowered;
	s2 =	sadd.s32 s2, s4;
	[dreg:$0x0] =	wrdreg $0x0  }
0xa8: {  	s4 =	sshll.u32 s28, $0x1;
	[dreg:$0x2] =	wrdreg s2  }
0xa9: {  	[dreg:$0x3] =	wrdreg s4  }
0xaa: {  	[dreg:$0x4] =	wrdreg $0xC0  }
0xab: {  	_ =	task [dreg:s6], $0x5FFFF  }
0xac: {  	[dreg:$0x1] =	wrdreg $0xFFFFFFFF  }
0xad: {  	[dreg:$0x0] =	wrdreg $0x60  }
0xae: {  	[dreg:$0x2] =	wrdreg s24  }
0xaf: {  	[dreg:$0x3] =	wrdreg $0x4E200  }
0xb0: {  	[dreg:$0x4] =	wrdreg $0x9  }
0xb1: {  	_ =	task.clear_ibuf [dreg:s6], $0x5FFFF;
	_ =	strace $0x90000046  }
0xb2: {  	s29 =	simm.s32 $0x9;
	_ =	strace $0x80000048  }
0xb3: {  	_ =	swait.ge [sflag:s29], $0x1  }
0xb4: {  	[sflag:s29] =	ssyncadd.s32 $0xFFFFFFFF  }
0xb5: {  	_ =	strace $0x90000048  }
0xb6: {  	_ =	sfence  }
0xb7: {  	s30 =	sld [smem:$0x0];
	_ =	sdelay $0x2  }
0xb8: {  	s31 =	sshll.u32 s1, $0xD;
	s1 =	sshrl.u32 s1, $0x2  }
0xb9: {  	s3 =	sand.u32 $0x4000, s31;
	s1 =	sadd.s32 s1, s30  }
0xba: {  	s0 =	sor.u32 s3, s0;
	s1 =	sshll.u32 s1, $0x11  }
0xbb: {  	s0 =	sor.u32 s1, s0  }
0xbc: {  	s0 =	sadd.s32 $0x8F2B, s0  }
0xbd: {  	[sflag:s0] =	ssyncadd.remote.s32 $0x1  }
0xbe: {  	_ =	sfence.sel $0xFFFF  }
0xbf: {  	[dreg:$0x0] =	wrdreg $0xFFFFFFFF;
	(pc) =	sbr.abs _section_cstart, $3  }
0xc0: {  	[dreg:$0x1] =	wrdreg $0xFFFFFFFF  }
0xc1: {  	_ =	task.clear_ibuf [dreg:s6], $0x2FFFF;
	_ =	strace $0x9FFFFFFF  }
0xc2: {  	(tm) =	ssettm $0x7FFFFFFF  }
0xc3: {  	_ =	shalt  }
tec
execute0_lowered:
.L_overlay_start_1:
0x0: {  	(tag) =	ssettag $0x1  }
0x1: {  	s6 =	rddreg [dreg:$0x0]  }
0x2: {  	s2 =	rddreg [dreg:$0x1]  }
0x3: {  	s0 =	rddreg [dreg:$0x2];
	s3 =	simm.s32 $0x0;
	s1 =	stileid.u32  }
0x4: {  	s4 =	srdreg.scid;
	s15 =	simm.s32 $0x3;
	s16 =	simm.s32 $0xFA0  }
0x5: {  	s17 =	simm.s32 $0x7D0;
	s18 =	simm.s32 $0x1;
	s19 =	simm.s32 $0x2  }
0x6: {  	s20 =	simm.s32 $0x0;
	[smem:$0x7FF] =	sst s3;
	s7 =	smul.u32 $0xC380, s1  }
0x7: {  	s8 =	sand.u32 $0x1, s4;
	s4 =	sadd.s32 $0x4400, s6;
	s13 =	smul.u32 $0x30D40, s1  }
0x8: {  	s5 =	sadd.s32 $0x18B000, s6;
	s30 =	sshll.u32 s1, $0x6;
	s9 =	smul.u32 $0xC3800, s8  }
0x9: {  	_ =	strace $0x80000047;
	s11 =	ssub.s32 $0x2, s8;
	s8 =	smul.u32 $0x30D400, s8  }
0xa: {  	s10 =	sshrl.u32 s7, $0x3;
	s12 =	sshrl.u32 s11, $0x1;
	s14 =	sadd.s32 s7, s2  }
0xb: {  	s9 =	sadd.s32 s7, s9;
	s10 =	sadd.s32 s10, s6;
	s11 =	ssub.s32 s11, s12  }
0xc: {  	s31 =	sadd.s32 s13, s8;
	s7 =	sor.u32 $0x1C03, s30;
	s14 =	sshrl.u32 s14, $0x3  }
0xd: {  	s9 =	sshrl.u32 s9, $0x3;
	s8 =	sshrl.u32 s31, $0x3;
	s13 =	sadd.s32 $0x7D0, s31  }
0xe: {  	s12 =	sadd.s32 $0xFA0, s31;
	s9 =	sadd.s32 s9, s6;
	s6 =	sadd.s32 $0x18B800, s10  }
0xf: {  	s8 =	sadd.s32 s4, s8;
	s10 =	smax.u32 s11, $0x1;
	s13 =	sshrl.u32 s13, $0x3  }
0x10: {  	s9 =	sadd.s32 $0x1A4000, s9;
	s11 =	sadd.s32 $0x60AE, s8;
	s13 =	sadd.s32 s13, s4  }
.LBB2_1:
0x11: {  	[spmem:s14], [sflag:s7] =	dma.local [hbm:s6], $0x1870  }
0x12: {  	_ =	swait.ge [sflag:s15], $0x1870  }
0x13: {  	[sflag:s15] =	ssyncset.done $0x0  }
0x14: {  	[sflag:s15] =	ssyncadd.s32 $0xFFFFE790  }
0x15: {  	[tilespmem:s16], [sflag:$0x3] =	stream.linear.gather [hbm4b:s5+s3], $0x3E80, $0x38;
	[tilespmem:$0x111A0] =	vst v63  }
0x16: {  	_ =	swait.ge [sflag:s15], $0x3E80  }
0x17: {  	[sflag:s15] =	ssyncset.done $0x0  }
0x18: {  	[sflag:s15] =	ssyncadd.s32 $0xFFFFC180  }
0x19: {  	[bflag:$0x0] =	sbarrier.arrive $0xFFFF  }
0x1a: {  	[tilespmem:s3], [sflag:$0x1] =	stream.linear.gather [hbm4b:s8+s3], $0x7D0, $0x38;
	[tilespmem:$0x111A0] =	vst v63  }
0x1b: {  	s21 =	sadd.s32 $0x0, s13  }
0x1c: {  	[tilespmem:s17], [sflag:$0x2] =	stream.linear.gather [hbm4b:s21+s3], $0x7D0, $0x38;
	[tilespmem:$0x111A0] =	vst v63  }
0x1d: {  	_ =	swait.ge [sflag:s18], $0x7D0  }
0x1e: {  	[sflag:s18] =	ssyncset.done $0x0  }
0x1f: {  	[sflag:s18] =	ssyncadd.s32 $0xFFFFF830  }
0x20: {  	[spmem:s2] =	stream.indirect.scatter.add.f32 [tilespmem:s16], [sflag:$0x3], $0x8, s3, s17, $0xb8;
	[tilespmem:$0x111A0] =	vst v63  }
0x21: {  	_ =	swait.ge [sflag:s15], $0x3E80  }
0x22: {  	s31 =	sshrl.u32 s12, $0x3;
	[sflag:s15] =	ssyncset.done $0x0  }
0x23: {  	s21 =	sadd.s32 s4, s31;
	[sflag:s15] =	ssyncadd.s32 $0xFFFFC180  }
0x24: {  	[tilespmem:s3], [sflag:$0x1] =	stream.linear.gather [hbm4b:s21+s3], $0x7D0, $0x38;
	[tilespmem:$0x111A0] =	vst v63  }
0x25: {  	_ =	swait.ge [sflag:s19], $0x7D0  }
0x26: {  	[sflag:s19] =	ssyncset.done $0x0  }
0x27: {  	[sflag:s19] =	ssyncadd.s32 $0xFFFFF830  }
0x28: {  	[spmem:s2] =	stream.indirect.scatter.add.f32 [tilespmem:s16], [sflag:$0x3], $0x8, s17, s17, $0xb8;
	[tilespmem:$0x111A0] =	vst v63  }
0x29: {  	s22 =	simm.s32 $0x1F4;
	_ =	swait.ge [sflag:s15], $0x3E80  }
0x2a: {  	s23 =	simm.s32 $0x3E8;
	s21 =	sadd.s32 $0xFA0, s12;
	[sflag:s15] =	ssyncset.done $0x0  }
.LBB2_2:
0x2b: {  	s24 =	sadd.s32 s22, s13  }
0x2c: {  	[sflag:s15] =	ssyncadd.s32 $0xFFFFC180;
	s22 =	smov.u32 s23;
	s25 =	sadd.s32 $0x1F4, s23  }
0x2d: {  	[tilespmem:s17], [sflag:$0x2] =	stream.linear.gather [hbm4b:s24+s3], $0x7D0, $0x38;
	[tilespmem:$0x111A0] =	vst v63  }
0x2e: {  	p0 =	sne.s32 s23, $0x5DC0;
	_ =	swait.ge [sflag:s18], $0x7D0  }
0x2f: {  	[sflag:s18] =	ssyncset.done $0x0  }
0x30: {  	[sflag:s18] =	ssyncadd.s32 $0xFFFFF830  }
0x31: {  	[spmem:s2] =	stream.indirect.scatter.add.f32 [tilespmem:s16], [sflag:$0x3], $0x8, s3, s17, $0xb8;
	[tilespmem:$0x111A0] =	vst v63  }
0x32: {  	_ =	swait.ge [sflag:s15], $0x3E80  }
0x33: {  	s23 =	sshrl.u32 s21, $0x3;
	[sflag:s15] =	ssyncset.done $0x0  }
0x34: {  	s23 =	sadd.s32 s4, s23;
	[sflag:s15] =	ssyncadd.s32 $0xFFFFC180  }
0x35: {  	[tilespmem:s3], [sflag:$0x1] =	stream.linear.gather [hbm4b:s23+s3], $0x7D0, $0x38;
	[tilespmem:$0x111A0] =	vst v63  }
0x36: {  	_ =	swait.ge [sflag:s19], $0x7D0  }
.Ltmp0:
0x37: {  	[sflag:s19] =	ssyncset.done $0x0;
	(pc) =	sbr.rel @p0 .LBB2_2-.Ltmp0, $4  }
0x38: {  	[sflag:s19] =	ssyncadd.s32 $0xFFFFF830  }
0x39: {  	[spmem:s2] =	stream.indirect.scatter.add.f32 [tilespmem:s16], [sflag:$0x3], $0x8, s17, s17, $0xb8;
	[tilespmem:$0x111A0] =	vst v63  }
0x3a: {  	_ =	swait.ge [sflag:s15], $0x3E80  }
0x3b: {  	s21 =	sadd.s32 $0xFA0, s21;
	s23 =	smov.u32 s25;
	[sflag:s15] =	ssyncset.done $0x0  }
0x3c: {  	s22 =	sadd.s32 s22, s13;
	[sflag:s15] =	ssyncadd.s32 $0xFFFFC180  }
0x3d: {  	[tilespmem:s17], [sflag:$0x2] =	stream.linear.gather [hbm4b:s22+s3], $0x7D0, $0x38;
	[tilespmem:$0x111A0] =	vst v63  }
0x3e: {  	_ =	swait.ge [sflag:s18], $0x7D0  }
0x3f: {  	[sflag:s18] =	ssyncset.done $0x0  }
0x40: {  	[sflag:s18] =	ssyncadd.s32 $0xFFFFF830  }
0x41: {  	[spmem:s2] =	stream.indirect.scatter.add.f32 [tilespmem:s16], [sflag:$0x3], $0x8, s3, s17, $0xb8;
	[tilespmem:$0x111A0] =	vst v63  }
0x42: {  	_ =	swait.ge [sflag:s15], $0x3E80  }
0x43: {  	s21 =	sshrl.u32 s21, $0x3;
	[sflag:s15] =	ssyncset.done $0x0  }
0x44: {  	s21 =	sadd.s32 s4, s21;
	[sflag:s15] =	ssyncadd.s32 $0xFFFFC180  }
0x45: {  	[tilespmem:s3], [sflag:$0x1] =	stream.linear.gather [hbm4b:s21+s3], $0x7D0, $0x38;
	[tilespmem:$0x111A0] =	vst v63  }
0x46: {  	_ =	swait.ge [sflag:s19], $0x7D0  }
0x47: {  	[sflag:s19] =	ssyncset.done $0x0  }
0x48: {  	[sflag:s19] =	ssyncadd.s32 $0xFFFFF830  }
0x49: {  	[spmem:s2] =	stream.indirect.scatter.add.f32 [tilespmem:s16], [sflag:$0x3], $0x8, s17, s17, $0xb8;
	[tilespmem:$0x111A0] =	vst v63  }
0x4a: {  	_ =	swait.ge [sflag:s15], $0x3E80  }
0x4b: {  	[sflag:s15] =	ssyncset.done $0x0  }
0x4c: {  	[sflag:s15] =	ssyncadd.s32 $0xFFFFC180  }
0x4d: {  	[tilespmem:s17], [sflag:$0x2] =	stream.linear.gather [hbm4b:s11+s3], $0x7D0, $0x38;
	[tilespmem:$0x111A0] =	vst v63  }
0x4e: {  	_ =	swait.ge [sflag:s18], $0x7D0  }
0x4f: {  	[sflag:s18] =	ssyncset.done $0x0  }
0x50: {  	[sflag:s18] =	ssyncadd.s32 $0xFFFFF830  }
0x51: {  	[spmem:s2] =	stream.indirect.scatter.add.f32 [tilespmem:s16], [sflag:$0x3], $0x8, s3, s17, $0xb8;
	[tilespmem:$0x111A0] =	vst v63  }
0x52: {  	_ =	swait.ge [sflag:s15], $0x3E80  }
0x53: {  	[sflag:s15] =	ssyncset.done $0x0  }
0x54: {  	[sflag:s15] =	ssyncadd.s32 $0xFFFFC180  }
0x55: {  	_ =	swait.ge [sflag:s19], $0x7D0  }
0x56: {  	[sflag:s19] =	ssyncset.done $0x0  }
0x57: {  	[sflag:s19] =	ssyncadd.s32 $0xFFFFF830  }
0x58: {  	[spmem:s2] =	stream.indirect.scatter.add.f32 [tilespmem:s16], [sflag:$0x3], $0x8, s17, s17, $0xb8;
	[tilespmem:$0x111A0] =	vst v63  }
0x59: {  	_ =	swait.ge [sflag:s15], $0x3E80  }
0x5a: {  	s20 =	sadd.s32 $0x1, s20;
	[sflag:s15] =	ssyncset.done $0x0  }
0x5b: {  	p0 =	sne.s32 s20, s10;
	[sflag:s15] =	ssyncadd.s32 $0xFFFFC180  }
.Ltmp1:
0x5c: {  	[bflag:$0x0] =	sbarrier.arrive $0xFFFF;
	(pc) =	sbr.rel @p0 .LBB2_1-.Ltmp1, $4  }
0x5d: {  	[hbm:s9], [sflag:s7] =	dma.local [spmem:s14], $0x1870  }
0x5e: {  	_ =	swait.ge [sflag:s15], $0x1870  }
0x5f: {  	[sflag:s15] =	ssyncset.done $0x0  }
0x60: {  	[sflag:s15] =	ssyncadd.s32 $0xFFFFE790  }
0x61: {  	_ =	sfence.sel $0x180000  }
0x62: {  	[bflag:$0x0] =	sbarrier.arrive $0xFFFF  }
0x63: {  	p0 =	sne.s32 s1, $0x0;
	_ =	strace $0x90000047  }
0x64: {  	s0 =	sadd.s32 @!p0 $0x100000, s0;
	[bflag:$0x2] =	sbarrier.arrive $0xFFFF  }
0x65: {  	[sflag:s0] =	ssyncadd.tile.s32 @!p0 $0x1;
	_ =	shalt  }
.Lfunc_end2:
_tile_overlayer_lowered:
.L_overlay_start_2:
0x66: {  	(tag) =	ssettag $0x2  }
0x67: {  	s0 =	rddreg [dreg:$0x0];
	s2 =	stileid.u32  }
0x68: {  	s1 =	rddreg [dreg:$0x1];
	p0 =	sne.s32 s2, $0x0  }
0x69: {  	s3 =	rddreg [dreg:$0x2];
	[bflag:$0x3] =	sbarrier.arrive $0xFFFF;
	s2 =	simm.s32 @!p0 $0x1C03  }
0x6a: {  	[timem:s3], [sflag:s2] =	dma.local @!p0 [hbm:s0], s1  }
0x6b: {  	s0 =	simm.s32 @!p0 $0x3  }
0x6c: {  	_ =	swait.ge @!p0 [sflag:s0], s1  }
0x6d: {  	s1 =	ssub.s32 @!p0 $0x0, s1;
	[sflag:s0] =	ssyncset.done @!p0 $0x0  }
0x6e: {  	[sflag:s0] =	ssyncadd.s32 @!p0 s1  }
0x6f: {  	[bflag:$0x3] =	sbarrier.arrive $0xFFFF  }
0x70: {  	_ =	shalt  }

// kernel: kernel.15.cloned.1.call-start
scs
__scs_entry_jumppad:
0x0: {  	(pc) =	sbr.rel $0x88, $3  }
0x1: {  	(tag) =	ssettag $0x0;
	lr =	simm.s32 $0x1  }
0x2: {  	[smem:$0x3F96] =	sst lr;
	_ =	strace $0xD0000000  }
0x3: {  	_ = 	snop  }
0x4: {  	_ = 	snop  }
0x5: {  	_ = 	snop  }
0x6: {  	_ = 	snop  }
0x7: {  	_ = 	snop  }
__scs_overlays_trampoline_lowered:
0x8: {  	[smem:$0x3FA5] =	sst s0  }
0x9: {  	[smem:$0x3FA6] =	sst s1  }
0xa: {  	[smem:$0x3FA7] =	sst s2  }
0xb: {  	[smem:$0x3FA8] =	sst s3  }
0xc: {  	[smem:$0x3FA9] =	sst s4  }
0xd: {  	[smem:$0x3FAA] =	sst s5  }
0xe: {  	[smem:$0x3FAB] =	sst s6  }
0xf: {  	[smem:$0x3FAC] =	sst s7  }
0x10: {  	[smem:$0x3FAD] =	sst s8  }
0x11: {  	[smem:$0x3FAE] =	sst s9;
	s0 =	simm.s32 @!p0 $0x0  }
0x12: {  	s1 =	sld [smem:$0x3F94];
	s0 =	simm.s32 @p0 $0x1  }
0x13: {  	[smem:$0x3FAF] =	sst s0;
	s0 =	simm.s32 @!p1 $0x0  }
0x14: {  	s2 =	sld [smem:$0x3F93];
	s0 =	simm.s32 @p1 $0x1  }
0x15: {  	[smem:$0x3FB0] =	sst s0;
	s0 =	simm.s32 @!p2 $0x0  }
0x16: {  	s3 =	sld [smem:$0x3FDB];
	s0 =	simm.s32 @p2 $0x1  }
0x17: {  	s4 =	simm.s32 $0x1BF5;
	[smem:$0x3FB2] =	sst s0  }
0x18: {  	s0 =	sld [smem:$0x3F95];
	_ =	swait.ge [sflag:s4], $0x0  }
0x19: {  	s7 =	sld [smem:$0x3F96]  }
0x1a: {  	s8 =	sadd.s32 $0xFFFFE003, lr  }
0x1b: {  	s9 =	sadd.s32 $0xFFFFFEF7, lr;
	s5 =	simm.s32 $0xFFFFFFFF;
	p2 =	slt.u32 s8, $0xFFFFF086  }
0x1c: {  	p1 =	slt.u32 s9, $0xF7A;
	s5 =	simm.s32 @!p2 $0x0  }
0x1d: {  	s5 =	simm.s32 @p1 $0x1;
	p0 =	seq.s32 s7, s2  }
0x1e: {  	s7 =	smul.u32 @!p0 $0xF7A, s2;
	p2 =	seq.s32 @!p0 s5, $0x0  }
0x1f: {  	s9 =	smul.u32 $0xF7A, s1;
	s8 =	simm.s32 @!p0 $0x1BF5;
	p2 =	por !p2, p0  }
0x20: {  	[sflag:s8] =	ssyncset.s32 @!p0 $0xFFFFF086;
	s6 =	sadd.s32 @!p0 s3, s7;
	s7 =	simm.s32 @!p0 $0x108  }
0x21: {  	s3 =	sadd.s32 s3, s9;
	s6 =	sadd.s32 @!p0 $0x88, s6;
	s7 =	simm.s32 @p2 $0x1082  }
0x22: {  	[simem:s7], [sflag:s8] =	dma.local @!p0 [hbm:s6], $0xF7A  }
0x23: {  	s9 =	sor.u32 $0xD0000000, s2;
	s6 =	simm.s32 $0x108;
	_ =	swait.ge @!p0 [sflag:s8], $0x0  }
0x24: {  	s3 =	sadd.s32 $0x88, s3;
	s6 =	simm.s32 @!p1 $0x1082;
	[sflag:s4] =	ssyncset.s32 $0xFFFFF086  }
0x25: {  	[simem:s6], [sflag:s4] =	dma.local [hbm:s3], $0xF7A  }
0x26: {  	[smem:$0x3F96] =	sst s1;
	(tag) =	ssettag s2;
	_ =	strace s9  }
0x27: {  	s1 =	sld [smem:$0x3FA6]  }
0x28: {  	s2 =	sld [smem:$0x3FA7]  }
0x29: {  	s4 =	sld [smem:$0x3FA9]  }
0x2a: {  	p0 =	seq.s32 s5, $0x0;
	s5 =	sld [smem:$0x3FAA]  }
0x2b: {  	s6 =	sld [smem:$0x3FAB]  }
0x2c: {  	s7 =	sld [smem:$0x3FAC]  }
0x2d: {  	s3 =	simm.s32 $0x108;
	s8 =	sld [smem:$0x3FAD]  }
0x2e: {  	s3 =	simm.s32 @!p0 $0x1082;
	s9 =	sld [smem:$0x3FAE]  }
0x2f: {  	lr =	sadd.s32 s0, s3;
	s0 =	sld [smem:$0x3FA5]  }
0x30: {  	s3 =	sld [smem:$0x3FA8]  }
0x31: {  	[smem:$0x3FB1] =	sst s10  }
0x32: {  	s10 =	sld [smem:$0x3FAF];
	_ =	sdelay $0x3  }
0x33: {  	p0 =	seq.s32 s10, $0x1;
	s10 =	sld [smem:$0x3FB1];
	_ =	sdelay $0x3  }
0x34: {  	[smem:$0x3FB1] =	sst s10  }
0x35: {  	s10 =	sld [smem:$0x3FB0];
	_ =	sdelay $0x3  }
0x36: {  	p1 =	seq.s32 s10, $0x1;
	s10 =	sld [smem:$0x3FB1];
	_ =	sdelay $0x3  }
0x37: {  	[smem:$0x3FB1] =	sst s10  }
0x38: {  	s10 =	sld [smem:$0x3FB2]  }
0x39: {  	_ = 	snop;
	(pc) =	sbr.ind lr, $3  }
0x3a: {  	_ = 	snop  }
0x3b: {  	_ = 	snop  }
0x3c: {  	p2 =	seq.s32 s10, $0x1;
	s10 =	sld [smem:$0x3FB1]  }
0x3d: {  	_ =	shalt  }
0x3e: {  	_ =	shalt  }
0x3f: {  	_ =	shalt  }
0x40: {  	_ =	shalt  }
0x41: {  	_ =	shalt  }
0x42: {  	_ =	shalt  }
0x43: {  	_ =	shalt  }
0x44: {  	_ =	shalt  }
0x45: {  	_ =	shalt  }
0x46: {  	_ =	shalt  }
0x47: {  	_ =	shalt  }
0x48: {  	_ =	shalt  }
0x49: {  	_ =	shalt  }
0x4a: {  	_ =	shalt  }
0x4b: {  	_ =	shalt  }
0x4c: {  	_ =	shalt  }
0x4d: {  	_ =	shalt  }
0x4e: {  	_ =	shalt  }
0x4f: {  	_ =	shalt  }
0x50: {  	_ =	shalt  }
0x51: {  	_ =	shalt  }
0x52: {  	_ =	shalt  }
0x53: {  	_ =	shalt  }
0x54: {  	_ =	shalt  }
0x55: {  	_ =	shalt  }
0x56: {  	_ =	shalt  }
0x57: {  	_ =	shalt  }
0x58: {  	_ =	shalt  }
0x59: {  	_ =	shalt  }
0x5a: {  	_ =	shalt  }
0x5b: {  	_ =	shalt  }
0x5c: {  	_ =	shalt  }
0x5d: {  	_ =	shalt  }
0x5e: {  	_ =	shalt  }
0x5f: {  	_ =	shalt  }
0x60: {  	_ =	shalt  }
0x61: {  	_ =	shalt  }
0x62: {  	_ =	shalt  }
0x63: {  	_ =	shalt  }
0x64: {  	_ =	shalt  }
0x65: {  	_ =	shalt  }
0x66: {  	_ =	shalt  }
0x67: {  	_ =	shalt  }
0x68: {  	_ =	shalt  }
0x69: {  	_ =	shalt  }
0x6a: {  	_ =	shalt  }
0x6b: {  	_ =	shalt  }
0x6c: {  	_ =	shalt  }
0x6d: {  	_ =	shalt  }
0x6e: {  	_ =	shalt  }
0x6f: {  	_ =	shalt  }
0x70: {  	_ =	shalt  }
0x71: {  	_ =	shalt  }
0x72: {  	_ =	shalt  }
0x73: {  	_ =	shalt  }
0x74: {  	_ =	shalt  }
0x75: {  	_ =	shalt  }
0x76: {  	_ =	shalt  }
0x77: {  	_ =	shalt  }
0x78: {  	_ =	shalt  }
0x79: {  	_ =	shalt  }
0x7a: {  	_ =	shalt  }
0x7b: {  	_ =	shalt  }
0x7c: {  	_ =	shalt  }
0x7d: {  	_ =	shalt  }
0x7e: {  	_ =	shalt  }
0x7f: {  	_ =	shalt  }
0x80: {  	_ =	shalt  }
0x81: {  	_ =	shalt  }
0x82: {  	_ =	shalt  }
0x83: {  	_ =	shalt  }
0x84: {  	_ =	shalt  }
0x85: {  	_ =	shalt  }
0x86: {  	_ =	shalt  }
0x87: {  	_ =	shalt  }
.Lfunc_end0:
.L_simem_size_0:
called_computation.1_lowered:
.L_overlay_start_0:
0x88: {  	s2 =	sld [smem:$0x3FD9]  }
0x89: {  	s3 =	sld [smem:$0x3FFE];
	_ =	sdelay $0x1  }
0x8a: {  	s1 =	srdreg.scid  }
0x8b: {  	s0 =	sand.u32 $0x1, s1  }
0x8c: {  	s16 =	sshll.u32 s0, $0xA;
	s2 =	sadd.s32 s3, s2  }
0x8d: {  	s2 =	sadd.s32 s2, s16  }
0x8e: {  	[smem:$0x3FBD] =	sst s2  }
0x8f: {  	_ = 	snop  }
0x90: {  	(tm) =	ssettm $0x1  }
0x91: {  	s17 =	sld [smem:$0x3FFB];
	_ =	sdelay $0x3  }
0x92: {  	_ =	strace s17  }
0x93: {  	s2 =	sld [smem:$0x3FFC];
	_ =	sdelay $0x3  }
0x94: {  	_ =	strace s2  }
0x95: {  	s2 =	sld [smem:$0x3FFD];
	_ =	sdelay $0x3  }
0x96: {  	_ =	strace s2  }
0x97: {  	_ =	strace $0x8FFFFFFF  }
0x98: {  	s18 =	sld [smem:$0x3FDB];
	_ =	sdelay $0x1  }
0x99: {  	s19 =	simm.s32 $_scs_section_size  }
0x9a: {  	s4 =	simm.s32 $_size__tile_overlayer_lowered;
	s5 =	simm.s32 $_tile_overlayer_lowered  }
0x9b: {  	s22 =	simm.s32 $0x1BFF;
	s21 =	sshll.u32 s5, $0x1;
	s2 =	sadd.s32 s19, s18  }
0x9c: {  	s6 =	simm.s32 $0x0;
	s20 =	sshll.u32 s4, $0x1;
	s4 =	sadd.s32 s21, s2  }
0x9d: {  	[timem:s6], [sflag:s22] =	dma.local [hbm:s4], s20  }
0x9e: {  	_ =	swait.ge [sflag:s22], s20  }
0x9f: {  	s3 =	ssub.s32 $0x0, s20;
	[sflag:s22] =	ssyncset.done $0x0  }
0xa0: {  	[sflag:s22] =	ssyncadd.s32 s3;
	_ =	sdelay $0x1  }
0xa1: {  	s23 =	simm.s32 $0x1B8B  }
0xa2: {  	_ =	swait.ge [sflag:s23], $0x1  }
0xa3: {  	[sflag:s23] =	ssyncset.done $0x0  }
0xa4: {  	s25 =	simm.s32 $0x1B8E;
	s24 =	sld [smem:$0x3FFE];
	[sflag:s23] =	ssyncadd.s32 $0xFFFFFFFF  }
0xa5: {  	s26 =	simm.s32 $execute0_lowered;
	[smem:$0x3FD2] =	sst s25  }
0xa6: {  	s4 =	sshll.u32 s26, $0x1;
	_ =	strace $0x80000049;
	[dreg:$0x1] =	wrdreg $0xFFFFFFFF  }
0xa7: {  	s28 =	simm.s32 $_size_execute0_lowered;
	s2 =	sadd.s32 s2, s4;
	[dreg:$0x0] =	wrdreg $0x0  }
0xa8: {  	s4 =	sshll.u32 s28, $0x1;
	[dreg:$0x2] =	wrdreg s2  }
0xa9: {  	[dreg:$0x3] =	wrdreg s4  }
0xaa: {  	[dreg:$0x4] =	wrdreg $0xC0  }
0xab: {  	_ =	task [dreg:s6], $0x5FFFF  }
0xac: {  	[dreg:$0x1] =	wrdreg $0xFFFFFFFF  }
0xad: {  	[dreg:$0x0] =	wrdreg $0x60  }
0xae: {  	[dreg:$0x2] =	wrdreg s24  }
0xaf: {  	[dreg:$0x3] =	wrdreg $0xBB800  }
0xb0: {  	[dreg:$0x4] =	wrdreg $0x9  }
0xb1: {  	_ =	task.clear_ibuf [dreg:s6], $0x5FFFF;
	_ =	strace $0x90000049  }
0xb2: {  	s29 =	simm.s32 $0x9;
	_ =	strace $0x8000004B  }
0xb3: {  	_ =	swait.ge [sflag:s29], $0x1  }
0xb4: {  	[sflag:s29] =	ssyncadd.s32 $0xFFFFFFFF  }
0xb5: {  	_ =	strace $0x9000004B  }
0xb6: {  	_ =	sfence  }
0xb7: {  	s30 =	sld [smem:$0x0];
	_ =	sdelay $0x2  }
0xb8: {  	s31 =	sshll.u32 s1, $0xD;
	s1 =	sshrl.u32 s1, $0x2  }
0xb9: {  	s3 =	sand.u32 $0x4000, s31;
	s1 =	sadd.s32 s1, s30  }
0xba: {  	s0 =	sor.u32 s3, s0;
	s1 =	sshll.u32 s1, $0x11  }
0xbb: {  	s0 =	sor.u32 s1, s0  }
0xbc: {  	s0 =	sadd.s32 $0x8F2B, s0  }
0xbd: {  	[sflag:s0] =	ssyncadd.remote.s32 $0x1  }
0xbe: {  	_ =	sfence.sel $0xFFFF  }
0xbf: {  	[dreg:$0x0] =	wrdreg $0xFFFFFFFF;
	(pc) =	sbr.abs _section_cstart, $3  }
0xc0: {  	[dreg:$0x1] =	wrdreg $0xFFFFFFFF  }
0xc1: {  	_ =	task.clear_ibuf [dreg:s6], $0x2FFFF;
	_ =	strace $0x9FFFFFFF  }
0xc2: {  	(tm) =	ssettm $0x7FFFFFFF  }
0xc3: {  	_ =	shalt  }
tec
execute0_lowered:
.L_overlay_start_1:
0x0: {  	(tag) =	ssettag $0x1  }
0x1: {  	s0 =	rddreg [dreg:$0x0]  }
0x2: {  	s2 =	rddreg [dreg:$0x1];
	s3 =	simm.s32 $0x0;
	s12 =	stileid.u32  }
0x3: {  	s1 =	srdreg.scid;
	s28 =	simm.s32 $0x3;
	s29 =	simm.s32 $0x2EE0  }
0x4: {  	s30 =	simm.s32 $0x36B0;
	s31 =	simm.s32 $0x6;
	[smem:$0x7FF] =	sst s3  }
0x5: {  	s7 =	smul.u32 $0xC380, s12;
	s1 =	sand.u32 $0x1, s1;
	s4 =	sadd.s32 $0xC7A00, s0  }
0x6: {  	s5 =	sadd.s32 $0x4400, s0;
	s6 =	sadd.s32 $0x1A4000, s0;
	s11 =	smul.u32 $0x30D40, s12  }
0x7: {  	s12 =	sshll.u32 s12, $0x6;
	_ =	strace $0x8000004A;
	s8 =	smul.u32 $0xC3800, s1  }
0x8: {  	s10 =	smul.u32 $0x30D400, s1;
	s1 =	ssub.s32 $0x2, s1;
	s9 =	sshrl.u32 s7, $0x3  }
0x9: {  	s25 =	sshrl.u32 s1, $0x1;
	s8 =	sadd.s32 s7, s8;
	s9 =	sadd.s32 s9, s0  }
0xa: {  	s1 =	ssub.s32 s1, s25;
	s7 =	sadd.s32 s7, s2;
	s26 =	sadd.s32 s11, s10  }
0xb: {  	s8 =	sshrl.u32 s8, $0x3;
	[dreg:$0xa] =	wrdreg s7;
	s11 =	sadd.s32 $0x18B800, s9  }
0xc: {  	s10 =	sshrl.u32 s26, $0x3;
	s9 =	sor.u32 $0x1C07, s12;
	s14 =	sadd.s32 $0x2710, s26  }
0xd: {  	s20 =	sadd.s32 $0xFA0, s26;
	s1 =	smax.u32 s1, $0x1;
	[dreg:$0xb] =	wrdreg s11  }
0xe: {  	s25 =	sadd.s32 $0x1F40, s26;
	s0 =	sadd.s32 s8, s0;
	[dreg:$0x11] =	wrdreg s1  }
0xf: {  	s13 =	sadd.s32 s4, s10;
	s15 =	sadd.s32 s5, s10;
	[dreg:$0x12] =	wrdreg s25  }
0x10: {  	s10 =	sadd.s32 $0xFA, s10;
	s8 =	sshrl.u32 s14, $0x3;
	[dreg:$0xc] =	wrdreg s13  }
0x11: {  	s22 =	sshrl.u32 s20, $0x3;
	[dreg:$0xd] =	wrdreg s15;
	s16 =	sadd.s32 s4, s10  }
0x12: {  	s20 =	simm.s32 $0x3E80;
	s17 =	sadd.s32 s8, s5;
	[dreg:$0xe] =	wrdreg s16  }
0x13: {  	s25 =	simm.s32 $0x1F40;
	s8 =	sadd.s32 s8, s4;
	[dreg:$0x3] =	wrdreg s17  }
0x14: {  	s1 =	simm.s32 $0x0;
	s10 =	sadd.s32 s5, s10;
	[dreg:$0x4] =	wrdreg s8  }
0x15: {  	s13 =	sadd.s32 $0x1770, s26;
	s0 =	sadd.s32 $0x1BC800, s0;
	[dreg:$0xf] =	wrdreg s10  }
0x16: {  	s23 =	sadd.s32 s22, s5;
	s24 =	sadd.s32 s22, s4;
	[dreg:$0x10] =	wrdreg s0  }
0x17: {  	s22 =	simm.s32 $0x1770;
	s26 =	simm.s32 $0x2710;
	[dreg:$0x7] =	wrdreg s23  }
0x18: {  	s18 =	sshrl.u32 s13, $0x3;
	[dreg:$0x8] =	wrdreg s24;
	s17 =	simm.s32 $0x7  }
0x19: {  	s23 =	simm.s32 $0x2;
	s24 =	simm.s32 $0x7D00;
	[dreg:$0x9] =	wrdreg s26  }
0x1a: {  	s26 =	simm.s32 $0x5;
	s0 =	simm.s32 $0x4;
	s19 =	sadd.s32 s18, s5  }
0x1b: {  	s21 =	sadd.s32 s18, s4;
	s18 =	simm.s32 $0x7D0;
	[dreg:$0x5] =	wrdreg s19  }
0x1c: {  	[dreg:$0x6] =	wrdreg s21;
	s19 =	simm.s32 $0x1;
	s21 =	simm.s32 $0xFA0  }
.LBB2_1:
0x1d: {  	s7 =	rddreg [dreg:$0xa]  }
0x1e: {  	s8 =	rddreg [dreg:$0xb];
	s7 =	sshrl.u32 s7, $0x3  }
0x1f: {  	[spmem:s7], [sflag:s9] =	dma.local [hbm:s8], $0x1870  }
0x20: {  	_ =	swait.ge [sflag:s17], $0x1870  }
0x21: {  	[sflag:s17] =	ssyncset.done $0x0  }
0x22: {  	[sflag:s17] =	ssyncadd.s32 $0xFFFFE790  }
0x23: {  	[bflag:$0x0] =	sbarrier.arrive $0xFFFF  }
0x24: {  	s15 =	rddreg [dreg:$0xc]  }
0x25: {  	[tilespmem:s3], [sflag:$0x1] =	stream.linear.gather [hbm4b:s15+s3], $0x7D0, $0x38;
	[tilespmem:$0x17F00] =	vst v63  }
0x26: {  	s16 =	rddreg [dreg:$0xd]  }
0x27: {  	[tilespmem:s18], [sflag:$0x1] =	stream.linear.gather [hbm4b:s16+s3], $0x7D0, $0x38;
	[tilespmem:$0x17F00] =	vst v63  }
0x28: {  	_ =	swait.ge [sflag:s19], $0x7D0  }
0x29: {  	[sflag:s19] =	ssyncset.done $0x0  }
0x2a: {  	[sflag:s19] =	ssyncadd.s32 $0xFFFFF830  }
0x2b: {  	_ =	swait.ge [sflag:s19], $0x7D0  }
0x2c: {  	[sflag:s19] =	ssyncset.done $0x0  }
0x2d: {  	[sflag:s19] =	ssyncadd.s32 $0xFFFFF830  }
0x2e: {  	[tilespmem:s20], [sflag:$0x5] =	stream.indirect.gather [hbm4b:s6+s18], $0x8, s3, s18, $0xb8;
	[tilespmem:$0x17F00] =	vst v63  }
0x2f: {  	s10 =	smov.u32 s9;
	s9 =	rddreg [dreg:$0xe]  }
0x30: {  	[tilespmem:s21], [sflag:$0x2] =	stream.linear.gather [hbm4b:s9+s3], $0x7D0, $0x38;
	[tilespmem:$0x17F00] =	vst v63  }
0x31: {  	s11 =	rddreg [dreg:$0xf]  }
0x32: {  	[tilespmem:s22], [sflag:$0x2] =	stream.linear.gather [hbm4b:s11+s3], $0x7D0, $0x38;
	[tilespmem:$0x17F00] =	vst v63  }
0x33: {  	_ =	swait.ge [sflag:s23], $0x7D0  }
0x34: {  	[sflag:s23] =	ssyncset.done $0x0  }
0x35: {  	[sflag:s23] =	ssyncadd.s32 $0xFFFFF830  }
0x36: {  	_ =	swait.ge [sflag:s23], $0x7D0  }
0x37: {  	[sflag:s23] =	ssyncset.done $0x0  }
0x38: {  	s12 =	rddreg [dreg:$0x8];
	[sflag:s23] =	ssyncadd.s32 $0xFFFFF830  }
0x39: {  	[tilespmem:s24], [sflag:$0x6] =	stream.indirect.gather [hbm4b:s6+s18], $0x8, s21, s18, $0xb8;
	[tilespmem:$0x17F00] =	vst v63  }
0x3a: {  	s11 =	rddreg [dreg:$0x7];
	s8 =	sadd.s32 $0x0, s12  }
0x3b: {  	[tilespmem:s25], [sflag:$0x3] =	stream.linear.gather [hbm4b:s8+s3], $0x7D0, $0x38;
	[tilespmem:$0x17F00] =	vst v63  }
0x3c: {  	s16 =	rddreg [dreg:$0x9];
	s13 =	sadd.s32 $0x0, s11  }
0x3d: {  	[tilespmem:s16], [sflag:$0x3] =	stream.linear.gather [hbm4b:s13+s3], $0x7D0, $0x38;
	[tilespmem:$0x17F00] =	vst v63  }
0x3e: {  	_ =	swait.ge [sflag:s26], $0x3E80  }
0x3f: {  	[sflag:s26] =	ssyncset.done $0x0  }
0x40: {  	[sflag:s26] =	ssyncadd.s32 $0xFFFFC180  }
0x41: {  	[spmem:s2] =	stream.indirect.scatter.add.f32 [tilespmem:s20], [sflag:$0x7], $0x8, s18, s18, $0xb8;
	[tilespmem:$0x17F00] =	vst v63  }
0x42: {  	_ =	swait.ge [sflag:s17], $0x3E80  }
0x43: {  	[sflag:s17] =	ssyncset.done $0x0  }
0x44: {  	[sflag:s17] =	ssyncadd.s32 $0xFFFFC180  }
0x45: {  	_ =	swait.ge [sflag:s28], $0x7D0  }
0x46: {  	[sflag:s28] =	ssyncset.done $0x0  }
0x47: {  	[sflag:s28] =	ssyncadd.s32 $0xFFFFF830  }
0x48: {  	_ =	swait.ge [sflag:s28], $0x7D0  }
0x49: {  	[sflag:s28] =	ssyncset.done $0x0  }
0x4a: {  	s14 =	rddreg [dreg:$0x6];
	[sflag:s28] =	ssyncadd.s32 $0xFFFFF830  }
0x4b: {  	[tilespmem:s20], [sflag:$0x5] =	stream.indirect.gather [hbm4b:s6+s18], $0x8, s25, s18, $0xb8;
	[tilespmem:$0x17F00] =	vst v63  }
0x4c: {  	s15 =	rddreg [dreg:$0x5];
	s8 =	sadd.s32 $0x0, s14  }
0x4d: {  	[tilespmem:s29], [sflag:$0x4] =	stream.linear.gather [hbm4b:s8+s3], $0x7D0, $0x38;
	[tilespmem:$0x17F00] =	vst v63  }
0x4e: {  	s16 =	sadd.s32 $0x0, s15  }
0x4f: {  	[tilespmem:s30], [sflag:$0x4] =	stream.linear.gather [hbm4b:s16+s3], $0x7D0, $0x38;
	[tilespmem:$0x17F00] =	vst v63  }
0x50: {  	_ =	swait.ge [sflag:s31], $0x3E80  }
0x51: {  	[sflag:s31] =	ssyncset.done $0x0  }
0x52: {  	[sflag:s31] =	ssyncadd.s32 $0xFFFFC180  }
0x53: {  	[spmem:s2] =	stream.indirect.scatter.add.f32 [tilespmem:s24], [sflag:$0x7], $0x8, s22, s18, $0xb8;
	[tilespmem:$0x17F00] =	vst v63  }
0x54: {  	_ =	swait.ge [sflag:s17], $0x3E80  }
0x55: {  	[sflag:s17] =	ssyncset.done $0x0  }
0x56: {  	[sflag:s17] =	ssyncadd.s32 $0xFFFFC180  }
0x57: {  	_ =	swait.ge [sflag:s0], $0x7D0  }
0x58: {  	[sflag:s0] =	ssyncset.done $0x0  }
0x59: {  	[sflag:s0] =	ssyncadd.s32 $0xFFFFF830  }
0x5a: {  	_ =	swait.ge [sflag:s0], $0x7D0  }
0x5b: {  	p0 =	por $0x1, $0x1;
	[sflag:s0] =	ssyncset.done $0x0;
	s9 =	rddreg [dreg:$0x12]  }
0x5c: {  	[sflag:s0] =	ssyncadd.s32 $0xFFFFF830;
	s8 =	sshrl.u32 @p0 s9, $0x3  }
0x5d: {  	[tilespmem:s24], [sflag:$0x6] =	stream.indirect.gather [hbm4b:s6+s18], $0x8, s29, s18, $0xb8;
	[tilespmem:$0x17F00] =	vst v63  }
0x5e: {  	s11 =	simm.s32 @p0 $0x0;
	s16 =	sadd.s32 @p0 s4, s8  }
0x5f: {  	[tilespmem:s11], [sflag:$0x1] =	stream.linear.gather @p0 [hbm4b:s16+s11], $0x7D0, $0x38;
	[tilespmem:$0x17F00] =	vst v63  }
0x60: {  	s12 =	simm.s32 @p0 $0x5;
	s8 =	sadd.s32 @p0 s5, s8;
	s16 =	simm.s32 @p0 $0x7D0  }
0x61: {  	[tilespmem:s16], [sflag:$0x1] =	stream.linear.gather @p0 [hbm4b:s8+s11], $0x7D0, $0x38;
	[tilespmem:$0x17F00] =	vst v63  }
0x62: {  	_ =	swait.ge @p0 [sflag:s12], $0x3E80  }
0x63: {  	[sflag:s12] =	ssyncset.done @p0 $0x0  }
0x64: {  	s8 =	simm.s32 @p0 $0x2710;
	[sflag:s12] =	ssyncadd.s32 @p0 $0xFFFFC180;
	s12 =	simm.s32 @p0 $0x3E80  }
0x65: {  	[spmem:s2] =	stream.indirect.scatter.add.f32 @p0 [tilespmem:s12], [sflag:$0x7], $0x8, s8, s16, $0xb8;
	[tilespmem:$0x17F00] =	vst v63  }
0x66: {  	s8 =	simm.s32 @p0 $0x7  }
0x67: {  	_ =	swait.ge @p0 [sflag:s8], $0x3E80  }
0x68: {  	[sflag:s8] =	ssyncset.done @p0 $0x0  }
0x69: {  	[sflag:s8] =	ssyncadd.s32 @p0 $0xFFFFC180;
	s8 =	simm.s32 @p0 $0x1  }
0x6a: {  	_ =	swait.ge @p0 [sflag:s8], $0x7D0  }
0x6b: {  	[sflag:s8] =	ssyncset.done @p0 $0x0  }
0x6c: {  	[sflag:s8] =	ssyncadd.s32 @p0 $0xFFFFF830  }
0x6d: {  	_ =	swait.ge @p0 [sflag:s8], $0x7D0  }
0x6e: {  	[sflag:s8] =	ssyncset.done @p0 $0x0  }
0x6f: {  	[sflag:s8] =	ssyncadd.s32 @p0 $0xFFFFF830;
	s8 =	rddreg [dreg:$0x4]  }
0x70: {  	[tilespmem:s12], [sflag:$0x5] =	stream.indirect.gather @p0 [hbm4b:s6+s16], $0x8, s11, s16, $0xb8;
	[tilespmem:$0x17F00] =	vst v63  }
0x71: {  	s12 =	rddreg [dreg:$0x3];
	s8 =	sadd.s32 @p0 $0x0, s8;
	s16 =	simm.s32 @p0 $0xFA0  }
0x72: {  	[tilespmem:s16], [sflag:$0x2] =	stream.linear.gather @p0 [hbm4b:s8+s11], $0x7D0, $0x38;
	[tilespmem:$0x17F00] =	vst v63  }
0x73: {  	s12 =	sadd.s32 @p0 $0x0, s12;
	s8 =	simm.s32 @p0 $0x1770  }
0x74: {  	[tilespmem:s8], [sflag:$0x2] =	stream.linear.gather @p0 [hbm4b:s12+s11], $0x7D0, $0x38;
	[tilespmem:$0x17F00] =	vst v63  }
0x75: {  	s8 =	simm.s32 @!p0 $0x5  }
0x76: {  	_ =	swait.ge @!p0 [sflag:s8], $0x3E80  }
0x77: {  	s11 =	simm.s32 @!p0 $0x3E80;
	[sflag:s8] =	ssyncset.done @!p0 $0x0  }
0x78: {  	s12 =	simm.s32 @!p0 $0x7D0;
	[sflag:s8] =	ssyncadd.s32 @!p0 $0xFFFFC180;
	s8 =	simm.s32 @!p0 $0x2710  }
0x79: {  	[spmem:s2] =	stream.indirect.scatter.add.f32 @!p0 [tilespmem:s11], [sflag:$0x7], $0x8, s8, s12, $0xb8;
	[tilespmem:$0x17F00] =	vst v63  }
0x7a: {  	s8 =	simm.s32 @!p0 $0x7  }
0x7b: {  	_ =	swait.ge @!p0 [sflag:s8], $0x3E80  }
0x7c: {  	[sflag:s8] =	ssyncset.done @!p0 $0x0  }
0x7d: {  	[sflag:s8] =	ssyncadd.s32 @!p0 $0xFFFFC180  }
0x7e: {  	_ =	swait.ge [sflag:s31], $0x3E80  }
0x7f: {  	[sflag:s31] =	ssyncset.done $0x0  }
0x80: {  	[sflag:s31] =	ssyncadd.s32 $0xFFFFC180  }
0x81: {  	[spmem:s2] =	stream.indirect.scatter.add.f32 [tilespmem:s24], [sflag:$0x7], $0x8, s30, s18, $0xb8;
	[tilespmem:$0x17F00] =	vst v63  }
0x82: {  	s16 =	smov.u32 s9;
	s8 =	simm.s32 $0x3E8;
	_ =	swait.ge [sflag:s17], $0x3E80  }
.LBB2_2:
0x83: {  	[sflag:s17] =	ssyncset.done $0x0  }
0x84: {  	[sflag:s17] =	ssyncadd.s32 $0xFFFFC180  }
0x85: {  	_ =	swait.ge [sflag:s23], $0x7D0  }
0x86: {  	[sflag:s23] =	ssyncset.done $0x0  }
0x87: {  	[sflag:s23] =	ssyncadd.s32 $0xFFFFF830  }
0x88: {  	_ =	swait.ge [sflag:s23], $0x7D0  }
0x89: {  	[sflag:s23] =	ssyncset.done $0x0  }
0x8a: {  	s11 =	smov.u32 s8;
	s12 =	rddreg [dreg:$0x8];
	[sflag:s23] =	ssyncadd.s32 $0xFFFFF830  }
0x8b: {  	[tilespmem:s24], [sflag:$0x6] =	stream.indirect.gather [hbm4b:s6+s18], $0x8, s21, s18, $0xb8;
	[tilespmem:$0x17F00] =	vst v63  }
0x8c: {  	s13 =	rddreg [dreg:$0x7];
	s12 =	sadd.s32 s11, s12  }
0x8d: {  	[tilespmem:s25], [sflag:$0x3] =	stream.linear.gather [hbm4b:s12+s3], $0x7D0, $0x38;
	[tilespmem:$0x17F00] =	vst v63  }
0x8e: {  	s14 =	rddreg [dreg:$0x9];
	s9 =	sadd.s32 s11, s13  }
0x8f: {  	[tilespmem:s14], [sflag:$0x3] =	stream.linear.gather [hbm4b:s9+s3], $0x7D0, $0x38;
	[tilespmem:$0x17F00] =	vst v63  }
0x90: {  	_ =	swait.ge [sflag:s26], $0x3E80  }
0x91: {  	[sflag:s26] =	ssyncset.done $0x0  }
0x92: {  	[sflag:s26] =	ssyncadd.s32 $0xFFFFC180  }
0x93: {  	[spmem:s2] =	stream.indirect.scatter.add.f32 [tilespmem:s20], [sflag:$0x7], $0x8, s18, s18, $0xb8;
	[tilespmem:$0x17F00] =	vst v63  }
0x94: {  	_ =	swait.ge [sflag:s17], $0x3E80  }
0x95: {  	[sflag:s17] =	ssyncset.done $0x0  }
0x96: {  	[sflag:s17] =	ssyncadd.s32 $0xFFFFC180  }
0x97: {  	_ =	swait.ge [sflag:s28], $0x7D0  }
0x98: {  	[sflag:s28] =	ssyncset.done $0x0  }
0x99: {  	[sflag:s28] =	ssyncadd.s32 $0xFFFFF830  }
0x9a: {  	_ =	swait.ge [sflag:s28], $0x7D0  }
0x9b: {  	[sflag:s28] =	ssyncset.done $0x0  }
0x9c: {  	s13 =	rddreg [dreg:$0x6];
	[sflag:s28] =	ssyncadd.s32 $0xFFFFF830  }
0x9d: {  	[tilespmem:s20], [sflag:$0x5] =	stream.indirect.gather [hbm4b:s6+s18], $0x8, s25, s18, $0xb8;
	[tilespmem:$0x17F00] =	vst v63  }
0x9e: {  	s14 =	rddreg [dreg:$0x5];
	s12 =	sadd.s32 s11, s13  }
0x9f: {  	[tilespmem:s29], [sflag:$0x4] =	stream.linear.gather [hbm4b:s12+s3], $0x7D0, $0x38;
	[tilespmem:$0x17F00] =	vst v63  }
0xa0: {  	s15 =	sadd.s32 s11, s14  }
0xa1: {  	[tilespmem:s30], [sflag:$0x4] =	stream.linear.gather [hbm4b:s15+s3], $0x7D0, $0x38;
	[tilespmem:$0x17F00] =	vst v63  }
0xa2: {  	_ =	swait.ge [sflag:s31], $0x3E80  }
0xa3: {  	[sflag:s31] =	ssyncset.done $0x0  }
0xa4: {  	[sflag:s31] =	ssyncadd.s32 $0xFFFFC180  }
0xa5: {  	[spmem:s2] =	stream.indirect.scatter.add.f32 [tilespmem:s24], [sflag:$0x7], $0x8, s22, s18, $0xb8;
	[tilespmem:$0x17F00] =	vst v63  }
0xa6: {  	_ =	swait.ge [sflag:s17], $0x3E80  }
0xa7: {  	[sflag:s17] =	ssyncset.done $0x0  }
0xa8: {  	[sflag:s17] =	ssyncadd.s32 $0xFFFFC180  }
0xa9: {  	_ =	swait.ge [sflag:s0], $0x7D0  }
0xaa: {  	[sflag:s0] =	ssyncset.done $0x0  }
0xab: {  	[sflag:s0] =	ssyncadd.s32 $0xFFFFF830  }
0xac: {  	_ =	swait.ge [sflag:s0], $0x7D0  }
0xad: {  	s16 =	sadd.s32 $0x1F40, s16;
	p1 =	sne.s32 s11, $0x5DC0;
	[sflag:s0] =	ssyncset.done $0x0  }
0xae: {  	s12 =	sshrl.u32 @p1 s16, $0x3;
	[sflag:s0] =	ssyncadd.s32 $0xFFFFF830  }
0xaf: {  	[tilespmem:s24], [sflag:$0x6] =	stream.indirect.gather [hbm4b:s6+s18], $0x8, s29, s18, $0xb8;
	[tilespmem:$0x17F00] =	vst v63  }
0xb0: {  	s13 =	simm.s32 @p1 $0x0;
	s14 =	sadd.s32 @p1 s4, s12  }
0xb1: {  	[tilespmem:s13], [sflag:$0x1] =	stream.linear.gather @p1 [hbm4b:s14+s13], $0x7D0, $0x38;
	[tilespmem:$0x17F00] =	vst v63  }
0xb2: {  	s12 =	sadd.s32 @p1 s5, s12;
	s15 =	simm.s32 @p1 $0x7D0;
	s14 =	simm.s32 @p1 $0x5  }
0xb3: {  	[tilespmem:s15], [sflag:$0x1] =	stream.linear.gather @p1 [hbm4b:s12+s13], $0x7D0, $0x38;
	[tilespmem:$0x17F00] =	vst v63  }
0xb4: {  	_ =	swait.ge @p1 [sflag:s14], $0x3E80  }
0xb5: {  	s9 =	simm.s32 @p1 $0x3E80;
	[sflag:s14] =	ssyncset.done @p1 $0x0  }
0xb6: {  	s12 =	simm.s32 @p1 $0x2710;
	[sflag:s14] =	ssyncadd.s32 @p1 $0xFFFFC180;
	s14 =	simm.s32 @p1 $0x7  }
0xb7: {  	[spmem:s2] =	stream.indirect.scatter.add.f32 @p1 [tilespmem:s9], [sflag:$0x7], $0x8, s12, s15, $0xb8;
	[tilespmem:$0x17F00] =	vst v63  }
0xb8: {  	_ =	swait.ge @p1 [sflag:s14], $0x3E80  }
0xb9: {  	[sflag:s14] =	ssyncset.done @p1 $0x0  }
0xba: {  	s12 =	simm.s32 @p1 $0x1;
	[sflag:s14] =	ssyncadd.s32 @p1 $0xFFFFC180  }
0xbb: {  	_ =	swait.ge @p1 [sflag:s12], $0x7D0  }
0xbc: {  	[sflag:s12] =	ssyncset.done @p1 $0x0  }
0xbd: {  	[sflag:s12] =	ssyncadd.s32 @p1 $0xFFFFF830  }
0xbe: {  	_ =	swait.ge @p1 [sflag:s12], $0x7D0  }
0xbf: {  	[sflag:s12] =	ssyncset.done @p1 $0x0  }
0xc0: {  	s14 =	rddreg [dreg:$0x4];
	[sflag:s12] =	ssyncadd.s32 @p1 $0xFFFFF830  }
0xc1: {  	[tilespmem:s9], [sflag:$0x5] =	stream.indirect.gather @p1 [hbm4b:s6+s15], $0x8, s13, s15, $0xb8;
	[tilespmem:$0x17F00] =	vst v63  }
0xc2: {  	s12 =	rddreg [dreg:$0x3];
	s9 =	sadd.s32 @p1 s11, s14;
	s14 =	simm.s32 @p1 $0xFA0  }
0xc3: {  	[tilespmem:s14], [sflag:$0x2] =	stream.linear.gather @p1 [hbm4b:s9+s13], $0x7D0, $0x38;
	[tilespmem:$0x17F00] =	vst v63  }
0xc4: {  	s15 =	simm.s32 @p1 $0x1770;
	s9 =	sadd.s32 @p1 s11, s12;
	s11 =	simm.s32 @!p1 $0x5  }
0xc5: {  	[tilespmem:s15], [sflag:$0x2] =	stream.linear.gather @p1 [hbm4b:s9+s13], $0x7D0, $0x38;
	[tilespmem:$0x17F00] =	vst v63  }
0xc6: {  	_ =	swait.ge @!p1 [sflag:s11], $0x3E80  }
0xc7: {  	s12 =	simm.s32 @!p1 $0x7D0;
	s9 =	simm.s32 @!p1 $0x3E80;
	[sflag:s11] =	ssyncset.done @!p1 $0x0  }
0xc8: {  	s13 =	simm.s32 @!p1 $0x2710;
	[sflag:s11] =	ssyncadd.s32 @!p1 $0xFFFFC180;
	s11 =	simm.s32 @!p1 $0x7  }
0xc9: {  	[spmem:s2] =	stream.indirect.scatter.add.f32 @!p1 [tilespmem:s9], [sflag:$0x7], $0x8, s13, s12, $0xb8;
	[tilespmem:$0x17F00] =	vst v63  }
0xca: {  	_ =	swait.ge @!p1 [sflag:s11], $0x3E80  }
0xcb: {  	s8 =	sadd.s32 $0x3E8, s8;
	[sflag:s11] =	ssyncset.done @!p1 $0x0  }
0xcc: {  	p0 =	sne.s32 s8, $0x61A8;
	[sflag:s11] =	ssyncadd.s32 @!p1 $0xFFFFC180  }
.Ltmp0:
0xcd: {  	_ =	swait.ge [sflag:s31], $0x3E80;
	(pc) =	sbr.rel @p0 .LBB2_2-.Ltmp0, $4  }
0xce: {  	[sflag:s31] =	ssyncset.done $0x0  }
0xcf: {  	[sflag:s31] =	ssyncadd.s32 $0xFFFFC180  }
0xd0: {  	[spmem:s2] =	stream.indirect.scatter.add.f32 [tilespmem:s24], [sflag:$0x7], $0x8, s30, s18, $0xb8;
	[tilespmem:$0x17F00] =	vst v63  }
0xd1: {  	_ =	swait.ge [sflag:s17], $0x3E80  }
0xd2: {  	[sflag:s17] =	ssyncset.done $0x0  }
0xd3: {  	[sflag:s17] =	ssyncadd.s32 $0xFFFFC180  }
0xd4: {  	[bflag:$0x0] =	sbarrier.arrive $0xFFFF  }
0xd5: {  	s8 =	rddreg [dreg:$0x10]  }
0xd6: {  	[hbm:s8], [sflag:s10] =	dma.local [spmem:s7], $0x1870  }
0xd7: {  	_ =	swait.ge [sflag:s17], $0x1870  }
0xd8: {  	s1 =	sadd.s32 $0x1, s1;
	s16 =	rddreg [dreg:$0x11]  }
0xd9: {  	p0 =	sne.s32 s1, s16  }
.Ltmp1:
0xda: {  	_ = 	snop;
	(pc) =	sbr.rel @p0 .LBB2_1-.Ltmp1, $3  }
0xdb: {  	_ =	sdelay $0x1  }
0xdc: {  	[sflag:s17] =	ssyncset.done $0x0  }
0xdd: {  	s9 =	smov.u32 s10;
	[sflag:s17] =	ssyncadd.s32 $0xFFFFE790  }
0xde: {  	_ =	sfence.sel $0x180000  }
0xdf: {  	[bflag:$0x0] =	sbarrier.arrive $0xFFFF  }
0xe0: {  	_ =	strace $0x9000004A  }
0xe1: {  	s0 =	stileid.u32;
	[bflag:$0x2] =	sbarrier.arrive $0xFFFF  }
0xe2: {  	p0 =	sne.s32 s0, $0x0;
	s0 =	rddreg [dreg:$0x2]  }
0xe3: {  	s0 =	sadd.s32 @!p0 $0x100000, s0  }
0xe4: {  	[sflag:s0] =	ssyncadd.tile.s32 @!p0 $0x1;
	_ =	shalt  }
.Lfunc_end2:
_tile_overlayer_lowered:
.L_overlay_start_2:
0xe5: {  	(tag) =	ssettag $0x2  }
0xe6: {  	s0 =	rddreg [dreg:$0x0];
	s2 =	stileid.u32  }
0xe7: {  	s1 =	rddreg [dreg:$0x1];
	p0 =	sne.s32 s2, $0x0  }
0xe8: {  	s3 =	rddreg [dreg:$0x2];
	[bflag:$0x3] =	sbarrier.arrive $0xFFFF;
	s2 =	simm.s32 @!p0 $0x1C07  }
0xe9: {  	[timem:s3], [sflag:s2] =	dma.local @!p0 [hbm:s0], s1  }
0xea: {  	s0 =	simm.s32 @!p0 $0x7  }
0xeb: {  	_ =	swait.ge @!p0 [sflag:s0], s1  }
0xec: {  	s1 =	ssub.s32 @!p0 $0x0, s1;
	[sflag:s0] =	ssyncset.done @!p0 $0x0  }
0xed: {  	[sflag:s0] =	ssyncadd.s32 @!p0 s1  }
0xee: {  	[bflag:$0x3] =	sbarrier.arrive $0xFFFF  }
0xef: {  	_ =	shalt  }

// kernel: kernel.18.cloned.1.call-start
scs
__scs_entry_jumppad:
0x0: {  	(pc) =	sbr.rel $0x88, $3  }
0x1: {  	(tag) =	ssettag $0x0;
	lr =	simm.s32 $0x1  }
0x2: {  	[smem:$0x3F96] =	sst lr;
	_ =	strace $0xD0000000  }
0x3: {  	_ = 	snop  }
0x4: {  	_ = 	snop  }
0x5: {  	_ = 	snop  }
0x6: {  	_ = 	snop  }
0x7: {  	_ = 	snop  }
__scs_overlays_trampoline_lowered:
0x8: {  	[smem:$0x3FA5] =	sst s0  }
0x9: {  	[smem:$0x3FA6] =	sst s1  }
0xa: {  	[smem:$0x3FA7] =	sst s2  }
0xb: {  	[smem:$0x3FA8] =	sst s3  }
0xc: {  	[smem:$0x3FA9] =	sst s4  }
0xd: {  	[smem:$0x3FAA] =	sst s5  }
0xe: {  	[smem:$0x3FAB] =	sst s6  }
0xf: {  	[smem:$0x3FAC] =	sst s7  }
0x10: {  	[smem:$0x3FAD] =	sst s8  }
0x11: {  	[smem:$0x3FAE] =	sst s9;
	s0 =	simm.s32 @!p0 $0x0  }
0x12: {  	s1 =	sld [smem:$0x3F94];
	s0 =	simm.s32 @p0 $0x1  }
0x13: {  	[smem:$0x3FAF] =	sst s0;
	s0 =	simm.s32 @!p1 $0x0  }
0x14: {  	s2 =	sld [smem:$0x3F93];
	s0 =	simm.s32 @p1 $0x1  }
0x15: {  	[smem:$0x3FB0] =	sst s0;
	s0 =	simm.s32 @!p2 $0x0  }
0x16: {  	s3 =	sld [smem:$0x3FDB];
	s0 =	simm.s32 @p2 $0x1  }
0x17: {  	s4 =	simm.s32 $0x1BF5;
	[smem:$0x3FB2] =	sst s0  }
0x18: {  	s0 =	sld [smem:$0x3F95];
	_ =	swait.ge [sflag:s4], $0x0  }
0x19: {  	s7 =	sld [smem:$0x3F96]  }
0x1a: {  	s8 =	sadd.s32 $0xFFFFE003, lr  }
0x1b: {  	s9 =	sadd.s32 $0xFFFFFEF7, lr;
	s5 =	simm.s32 $0xFFFFFFFF;
	p2 =	slt.u32 s8, $0xFFFFF086  }
0x1c: {  	p1 =	slt.u32 s9, $0xF7A;
	s5 =	simm.s32 @!p2 $0x0  }
0x1d: {  	s5 =	simm.s32 @p1 $0x1;
	p0 =	seq.s32 s7, s2  }
0x1e: {  	s7 =	smul.u32 @!p0 $0xF7A, s2;
	p2 =	seq.s32 @!p0 s5, $0x0  }
0x1f: {  	s9 =	smul.u32 $0xF7A, s1;
	s8 =	simm.s32 @!p0 $0x1BF5;
	p2 =	por !p2, p0  }
0x20: {  	[sflag:s8] =	ssyncset.s32 @!p0 $0xFFFFF086;
	s6 =	sadd.s32 @!p0 s3, s7;
	s7 =	simm.s32 @!p0 $0x108  }
0x21: {  	s3 =	sadd.s32 s3, s9;
	s6 =	sadd.s32 @!p0 $0x88, s6;
	s7 =	simm.s32 @p2 $0x1082  }
0x22: {  	[simem:s7], [sflag:s8] =	dma.local @!p0 [hbm:s6], $0xF7A  }
0x23: {  	s9 =	sor.u32 $0xD0000000, s2;
	s6 =	simm.s32 $0x108;
	_ =	swait.ge @!p0 [sflag:s8], $0x0  }
0x24: {  	s3 =	sadd.s32 $0x88, s3;
	s6 =	simm.s32 @!p1 $0x1082;
	[sflag:s4] =	ssyncset.s32 $0xFFFFF086  }
0x25: {  	[simem:s6], [sflag:s4] =	dma.local [hbm:s3], $0xF7A  }
0x26: {  	[smem:$0x3F96] =	sst s1;
	(tag) =	ssettag s2;
	_ =	strace s9  }
0x27: {  	s1 =	sld [smem:$0x3FA6]  }
0x28: {  	s2 =	sld [smem:$0x3FA7]  }
0x29: {  	s4 =	sld [smem:$0x3FA9]  }
0x2a: {  	p0 =	seq.s32 s5, $0x0;
	s5 =	sld [smem:$0x3FAA]  }
0x2b: {  	s6 =	sld [smem:$0x3FAB]  }
0x2c: {  	s7 =	sld [smem:$0x3FAC]  }
0x2d: {  	s3 =	simm.s32 $0x108;
	s8 =	sld [smem:$0x3FAD]  }
0x2e: {  	s3 =	simm.s32 @!p0 $0x1082;
	s9 =	sld [smem:$0x3FAE]  }
0x2f: {  	lr =	sadd.s32 s0, s3;
	s0 =	sld [smem:$0x3FA5]  }
0x30: {  	s3 =	sld [smem:$0x3FA8]  }
0x31: {  	[smem:$0x3FB1] =	sst s10  }
0x32: {  	s10 =	sld [smem:$0x3FAF];
	_ =	sdelay $0x3  }
0x33: {  	p0 =	seq.s32 s10, $0x1;
	s10 =	sld [smem:$0x3FB1];
	_ =	sdelay $0x3  }
0x34: {  	[smem:$0x3FB1] =	sst s10  }
0x35: {  	s10 =	sld [smem:$0x3FB0];
	_ =	sdelay $0x3  }
0x36: {  	p1 =	seq.s32 s10, $0x1;
	s10 =	sld [smem:$0x3FB1];
	_ =	sdelay $0x3  }
0x37: {  	[smem:$0x3FB1] =	sst s10  }
0x38: {  	s10 =	sld [smem:$0x3FB2]  }
0x39: {  	_ = 	snop;
	(pc) =	sbr.ind lr, $3  }
0x3a: {  	_ = 	snop  }
0x3b: {  	_ = 	snop  }
0x3c: {  	p2 =	seq.s32 s10, $0x1;
	s10 =	sld [smem:$0x3FB1]  }
0x3d: {  	_ =	shalt  }
0x3e: {  	_ =	shalt  }
0x3f: {  	_ =	shalt  }
0x40: {  	_ =	shalt  }
0x41: {  	_ =	shalt  }
0x42: {  	_ =	shalt  }
0x43: {  	_ =	shalt  }
0x44: {  	_ =	shalt  }
0x45: {  	_ =	shalt  }
0x46: {  	_ =	shalt  }
0x47: {  	_ =	shalt  }
0x48: {  	_ =	shalt  }
0x49: {  	_ =	shalt  }
0x4a: {  	_ =	shalt  }
0x4b: {  	_ =	shalt  }
0x4c: {  	_ =	shalt  }
0x4d: {  	_ =	shalt  }
0x4e: {  	_ =	shalt  }
0x4f: {  	_ =	shalt  }
0x50: {  	_ =	shalt  }
0x51: {  	_ =	shalt  }
0x52: {  	_ =	shalt  }
0x53: {  	_ =	shalt  }
0x54: {  	_ =	shalt  }
0x55: {  	_ =	shalt  }
0x56: {  	_ =	shalt  }
0x57: {  	_ =	shalt  }
0x58: {  	_ =	shalt  }
0x59: {  	_ =	shalt  }
0x5a: {  	_ =	shalt  }
0x5b: {  	_ =	shalt  }
0x5c: {  	_ =	shalt  }
0x5d: {  	_ =	shalt  }
0x5e: {  	_ =	shalt  }
0x5f: {  	_ =	shalt  }
0x60: {  	_ =	shalt  }
0x61: {  	_ =	shalt  }
0x62: {  	_ =	shalt  }
0x63: {  	_ =	shalt  }
0x64: {  	_ =	shalt  }
0x65: {  	_ =	shalt  }
0x66: {  	_ =	shalt  }
0x67: {  	_ =	shalt  }
0x68: {  	_ =	shalt  }
0x69: {  	_ =	shalt  }
0x6a: {  	_ =	shalt  }
0x6b: {  	_ =	shalt  }
0x6c: {  	_ =	shalt  }
0x6d: {  	_ =	shalt  }
0x6e: {  	_ =	shalt  }
0x6f: {  	_ =	shalt  }
0x70: {  	_ =	shalt  }
0x71: {  	_ =	shalt  }
0x72: {  	_ =	shalt  }
0x73: {  	_ =	shalt  }
0x74: {  	_ =	shalt  }
0x75: {  	_ =	shalt  }
0x76: {  	_ =	shalt  }
0x77: {  	_ =	shalt  }
0x78: {  	_ =	shalt  }
0x79: {  	_ =	shalt  }
0x7a: {  	_ =	shalt  }
0x7b: {  	_ =	shalt  }
0x7c: {  	_ =	shalt  }
0x7d: {  	_ =	shalt  }
0x7e: {  	_ =	shalt  }
0x7f: {  	_ =	shalt  }
0x80: {  	_ =	shalt  }
0x81: {  	_ =	shalt  }
0x82: {  	_ =	shalt  }
0x83: {  	_ =	shalt  }
0x84: {  	_ =	shalt  }
0x85: {  	_ =	shalt  }
0x86: {  	_ =	shalt  }
0x87: {  	_ =	shalt  }
.Lfunc_end0:
.L_simem_size_0:
called_computation.2_lowered:
.L_overlay_start_0:
0x88: {  	s2 =	sld [smem:$0x3FD9]  }
0x89: {  	s3 =	sld [smem:$0x3FFE];
	_ =	sdelay $0x1  }
0x8a: {  	s1 =	srdreg.scid  }
0x8b: {  	s0 =	sand.u32 $0x1, s1  }
0x8c: {  	s16 =	sshll.u32 s0, $0xA;
	s2 =	sadd.s32 s3, s2  }
0x8d: {  	s2 =	sadd.s32 s2, s16  }
0x8e: {  	[smem:$0x3FBD] =	sst s2  }
0x8f: {  	_ = 	snop  }
0x90: {  	(tm) =	ssettm $0x1  }
0x91: {  	s17 =	sld [smem:$0x3FFB];
	_ =	sdelay $0x3  }
0x92: {  	_ =	strace s17  }
0x93: {  	s2 =	sld [smem:$0x3FFC];
	_ =	sdelay $0x3  }
0x94: {  	_ =	strace s2  }
0x95: {  	s2 =	sld [smem:$0x3FFD];
	_ =	sdelay $0x3  }
0x96: {  	_ =	strace s2  }
0x97: {  	_ =	strace $0x8FFFFFFF  }
0x98: {  	s18 =	sld [smem:$0x3FDB];
	_ =	sdelay $0x1  }
0x99: {  	s19 =	simm.s32 $_scs_section_size  }
0x9a: {  	s4 =	simm.s32 $_size__tile_overlayer_lowered;
	s5 =	simm.s32 $_tile_overlayer_lowered  }
0x9b: {  	s22 =	simm.s32 $0x1BFF;
	s21 =	sshll.u32 s5, $0x1;
	s2 =	sadd.s32 s19, s18  }
0x9c: {  	s6 =	simm.s32 $0x0;
	s20 =	sshll.u32 s4, $0x1;
	s4 =	sadd.s32 s21, s2  }
0x9d: {  	[timem:s6], [sflag:s22] =	dma.local [hbm:s4], s20  }
0x9e: {  	_ =	swait.ge [sflag:s22], s20  }
0x9f: {  	s3 =	ssub.s32 $0x0, s20;
	[sflag:s22] =	ssyncset.done $0x0  }
0xa0: {  	[sflag:s22] =	ssyncadd.s32 s3;
	_ =	sdelay $0x1  }
0xa1: {  	s23 =	simm.s32 $0x1B8B  }
0xa2: {  	_ =	swait.ge [sflag:s23], $0x1  }
0xa3: {  	[sflag:s23] =	ssyncset.done $0x0  }
0xa4: {  	s25 =	simm.s32 $0x1B8E;
	s24 =	sld [smem:$0x3FFE];
	[sflag:s23] =	ssyncadd.s32 $0xFFFFFFFF  }
0xa5: {  	s26 =	simm.s32 $execute0_lowered;
	[smem:$0x3FD2] =	sst s25  }
0xa6: {  	s4 =	sshll.u32 s26, $0x1;
	_ =	strace $0x8000004C;
	[dreg:$0x1] =	wrdreg $0xFFFFFFFF  }
0xa7: {  	s28 =	simm.s32 $_size_execute0_lowered;
	s2 =	sadd.s32 s2, s4;
	[dreg:$0x0] =	wrdreg $0x0  }
0xa8: {  	s4 =	sshll.u32 s28, $0x1;
	[dreg:$0x2] =	wrdreg s2  }
0xa9: {  	[dreg:$0x3] =	wrdreg s4  }
0xaa: {  	[dreg:$0x4] =	wrdreg $0xC0  }
0xab: {  	_ =	task [dreg:s6], $0x5FFFF  }
0xac: {  	[dreg:$0x1] =	wrdreg $0xFFFFFFFF  }
0xad: {  	[dreg:$0x0] =	wrdreg $0x60  }
0xae: {  	[dreg:$0x2] =	wrdreg s24  }
0xaf: {  	[dreg:$0x3] =	wrdreg $0x3E800  }
0xb0: {  	[dreg:$0x4] =	wrdreg $0x9  }
0xb1: {  	_ =	task.clear_ibuf [dreg:s6], $0x5FFFF;
	_ =	strace $0x9000004C  }
0xb2: {  	s29 =	simm.s32 $0x9;
	_ =	strace $0x8000004E  }
0xb3: {  	_ =	swait.ge [sflag:s29], $0x1  }
0xb4: {  	[sflag:s29] =	ssyncadd.s32 $0xFFFFFFFF  }
0xb5: {  	_ =	strace $0x9000004E  }
0xb6: {  	_ =	sfence  }
0xb7: {  	s30 =	sld [smem:$0x0];
	_ =	sdelay $0x2  }
0xb8: {  	s31 =	sshll.u32 s1, $0xD;
	s1 =	sshrl.u32 s1, $0x2  }
0xb9: {  	s3 =	sand.u32 $0x4000, s31;
	s1 =	sadd.s32 s1, s30  }
0xba: {  	s0 =	sor.u32 s3, s0;
	s1 =	sshll.u32 s1, $0x11  }
0xbb: {  	s0 =	sor.u32 s1, s0  }
0xbc: {  	s0 =	sadd.s32 $0x8F2B, s0  }
0xbd: {  	[sflag:s0] =	ssyncadd.remote.s32 $0x1  }
0xbe: {  	_ =	sfence.sel $0xFFFF  }
0xbf: {  	[dreg:$0x0] =	wrdreg $0xFFFFFFFF;
	(pc) =	sbr.abs _section_cstart, $3  }
0xc0: {  	[dreg:$0x1] =	wrdreg $0xFFFFFFFF  }
0xc1: {  	_ =	task.clear_ibuf [dreg:s6], $0x2FFFF;
	_ =	strace $0x9FFFFFFF  }
0xc2: {  	(tm) =	ssettm $0x7FFFFFFF  }
0xc3: {  	_ =	shalt  }
tec
execute0_lowered:
.L_overlay_start_1:
0x0: {  	(tag) =	ssettag $0x1  }
0x1: {  	s0 =	rddreg [dreg:$0x0]  }
0x2: {  	s2 =	rddreg [dreg:$0x1];
	s3 =	simm.s32 $0x0;
	s12 =	stileid.u32  }
0x3: {  	s1 =	srdreg.scid;
	s28 =	simm.s32 $0x3;
	s29 =	simm.s32 $0x960  }
0x4: {  	s30 =	simm.s32 $0xAF0;
	s31 =	simm.s32 $0x6;
	[smem:$0x7FF] =	sst s3  }
0x5: {  	s7 =	smul.u32 $0x18700, s12;
	s1 =	sand.u32 $0x1, s1;
	s4 =	sadd.s32 $0xC7A00, s0  }
0x6: {  	s5 =	sadd.s32 $0x4400, s0;
	s6 =	sadd.s32 $0x1A4000, s0;
	s11 =	smul.u32 $0x30D40, s12  }
0x7: {  	s12 =	sshll.u32 s12, $0x6;
	_ =	strace $0x8000004D;
	s8 =	smul.u32 $0x187000, s1  }
0x8: {  	s10 =	smul.u32 $0x30D400, s1;
	s1 =	ssub.s32 $0x2, s1;
	s9 =	sshrl.u32 s7, $0x3  }
0x9: {  	s25 =	sshrl.u32 s1, $0x1;
	s8 =	sadd.s32 s7, s8;
	s9 =	sadd.s32 s9, s0  }
0xa: {  	s1 =	ssub.s32 s1, s25;
	s7 =	sadd.s32 s7, s2;
	s26 =	sadd.s32 s11, s10  }
0xb: {  	s8 =	sshrl.u32 s8, $0x3;
	[dreg:$0xa] =	wrdreg s7;
	s11 =	sadd.s32 $0x1F5600, s9  }
0xc: {  	s10 =	sshrl.u32 s26, $0x3;
	s9 =	sor.u32 $0x1C07, s12;
	s14 =	sadd.s32 $0x7D0, s26  }
0xd: {  	s20 =	sadd.s32 $0x320, s26;
	s1 =	smax.u32 s1, $0x1;
	[dreg:$0xb] =	wrdreg s11  }
0xe: {  	s25 =	sadd.s32 $0x640, s26;
	s0 =	sadd.s32 s8, s0;
	[dreg:$0x11] =	wrdreg s1  }
0xf: {  	s13 =	sadd.s32 s4, s10;
	s15 =	sadd.s32 s5, s10;
	[dreg:$0x12] =	wrdreg s25  }
0x10: {  	s10 =	sadd.s32 $0x32, s10;
	s8 =	sshrl.u32 s14, $0x3;
	[dreg:$0xc] =	wrdreg s13  }
0x11: {  	s22 =	sshrl.u32 s20, $0x3;
	[dreg:$0xd] =	wrdreg s15;
	s16 =	sadd.s32 s4, s10  }
0x12: {  	s20 =	simm.s32 $0xC80;
	s17 =	sadd.s32 s8, s5;
	[dreg:$0xe] =	wrdreg s16  }
0x13: {  	s25 =	simm.s32 $0x640;
	s8 =	sadd.s32 s8, s4;
	[dreg:$0x3] =	wrdreg s17  }
0x14: {  	s1 =	simm.s32 $0x0;
	s10 =	sadd.s32 s5, s10;
	[dreg:$0x4] =	wrdreg s8  }
0x15: {  	s13 =	sadd.s32 $0x4B0, s26;
	s0 =	sadd.s32 $0x226400, s0;
	[dreg:$0xf] =	wrdreg s10  }
0x16: {  	s23 =	sadd.s32 s22, s5;
	s24 =	sadd.s32 s22, s4;
	[dreg:$0x10] =	wrdreg s0  }
0x17: {  	s22 =	simm.s32 $0x4B0;
	s26 =	simm.s32 $0x7D0;
	[dreg:$0x7] =	wrdreg s23  }
0x18: {  	s18 =	sshrl.u32 s13, $0x3;
	[dreg:$0x8] =	wrdreg s24;
	s17 =	simm.s32 $0x7  }
0x19: {  	s23 =	simm.s32 $0x2;
	s24 =	simm.s32 $0x2580;
	[dreg:$0x9] =	wrdreg s26  }
0x1a: {  	s26 =	simm.s32 $0x5;
	s0 =	simm.s32 $0x4;
	s19 =	sadd.s32 s18, s5  }
0x1b: {  	s21 =	sadd.s32 s18, s4;
	s18 =	simm.s32 $0x190;
	[dreg:$0x5] =	wrdreg s19  }
0x1c: {  	[dreg:$0x6] =	wrdreg s21;
	s19 =	simm.s32 $0x1;
	s21 =	simm.s32 $0x320  }
.LBB2_1:
0x1d: {  	s7 =	rddreg [dreg:$0xa]  }
0x1e: {  	s8 =	rddreg [dreg:$0xb];
	s7 =	sshrl.u32 s7, $0x3  }
0x1f: {  	[spmem:s7], [sflag:s9] =	dma.local [hbm:s8], $0x30E0  }
0x20: {  	_ =	swait.ge [sflag:s17], $0x30E0  }
0x21: {  	[sflag:s17] =	ssyncset.done $0x0  }
0x22: {  	[sflag:s17] =	ssyncadd.s32 $0xFFFFCF20  }
0x23: {  	[bflag:$0x0] =	sbarrier.arrive $0xFFFF  }
0x24: {  	s15 =	rddreg [dreg:$0xc]  }
0x25: {  	[tilespmem:s3], [sflag:$0x1] =	stream.linear.gather [hbm4b:s15+s3], $0x190, $0x38;
	[tilespmem:$0x1C580] =	vst v63  }
0x26: {  	s16 =	rddreg [dreg:$0xd]  }
0x27: {  	[tilespmem:s18], [sflag:$0x1] =	stream.linear.gather [hbm4b:s16+s3], $0x190, $0x38;
	[tilespmem:$0x1C580] =	vst v63  }
0x28: {  	_ =	swait.ge [sflag:s19], $0x190  }
0x29: {  	[sflag:s19] =	ssyncset.done $0x0  }
0x2a: {  	[sflag:s19] =	ssyncadd.s32 $0xFFFFFE70  }
0x2b: {  	_ =	swait.ge [sflag:s19], $0x190  }
0x2c: {  	[sflag:s19] =	ssyncset.done $0x0  }
0x2d: {  	[sflag:s19] =	ssyncadd.s32 $0xFFFFFE70  }
0x2e: {  	[tilespmem:s20], [sflag:$0x5] =	stream.indirect.gather [hbm4b:s6+s18], $0x10, s3, s18, $0xb8;
	[tilespmem:$0x1C580] =	vst v63  }
0x2f: {  	s10 =	smov.u32 s9;
	s9 =	rddreg [dreg:$0xe]  }
0x30: {  	[tilespmem:s21], [sflag:$0x2] =	stream.linear.gather [hbm4b:s9+s3], $0x190, $0x38;
	[tilespmem:$0x1C580] =	vst v63  }
0x31: {  	s11 =	rddreg [dreg:$0xf]  }
0x32: {  	[tilespmem:s22], [sflag:$0x2] =	stream.linear.gather [hbm4b:s11+s3], $0x190, $0x38;
	[tilespmem:$0x1C580] =	vst v63  }
0x33: {  	_ =	swait.ge [sflag:s23], $0x190  }
0x34: {  	[sflag:s23] =	ssyncset.done $0x0  }
0x35: {  	[sflag:s23] =	ssyncadd.s32 $0xFFFFFE70  }
0x36: {  	_ =	swait.ge [sflag:s23], $0x190  }
0x37: {  	[sflag:s23] =	ssyncset.done $0x0  }
0x38: {  	s12 =	rddreg [dreg:$0x8];
	[sflag:s23] =	ssyncadd.s32 $0xFFFFFE70  }
0x39: {  	[tilespmem:s24], [sflag:$0x6] =	stream.indirect.gather [hbm4b:s6+s18], $0x10, s21, s18, $0xb8;
	[tilespmem:$0x1C580] =	vst v63  }
0x3a: {  	s11 =	rddreg [dreg:$0x7];
	s8 =	sadd.s32 $0x0, s12  }
0x3b: {  	[tilespmem:s25], [sflag:$0x3] =	stream.linear.gather [hbm4b:s8+s3], $0x190, $0x38;
	[tilespmem:$0x1C580] =	vst v63  }
0x3c: {  	s16 =	rddreg [dreg:$0x9];
	s13 =	sadd.s32 $0x0, s11  }
0x3d: {  	[tilespmem:s16], [sflag:$0x3] =	stream.linear.gather [hbm4b:s13+s3], $0x190, $0x38;
	[tilespmem:$0x1C580] =	vst v63  }
0x3e: {  	_ =	swait.ge [sflag:s26], $0x1900  }
0x3f: {  	[sflag:s26] =	ssyncset.done $0x0  }
0x40: {  	[sflag:s26] =	ssyncadd.s32 $0xFFFFE700  }
0x41: {  	[spmem:s2] =	stream.indirect.scatter.add.f32 [tilespmem:s20], [sflag:$0x7], $0x10, s18, s18, $0xb8;
	[tilespmem:$0x1C580] =	vst v63  }
0x42: {  	_ =	swait.ge [sflag:s17], $0x1900  }
0x43: {  	[sflag:s17] =	ssyncset.done $0x0  }
0x44: {  	[sflag:s17] =	ssyncadd.s32 $0xFFFFE700  }
0x45: {  	_ =	swait.ge [sflag:s28], $0x190  }
0x46: {  	[sflag:s28] =	ssyncset.done $0x0  }
0x47: {  	[sflag:s28] =	ssyncadd.s32 $0xFFFFFE70  }
0x48: {  	_ =	swait.ge [sflag:s28], $0x190  }
0x49: {  	[sflag:s28] =	ssyncset.done $0x0  }
0x4a: {  	s14 =	rddreg [dreg:$0x6];
	[sflag:s28] =	ssyncadd.s32 $0xFFFFFE70  }
0x4b: {  	[tilespmem:s20], [sflag:$0x5] =	stream.indirect.gather [hbm4b:s6+s18], $0x10, s25, s18, $0xb8;
	[tilespmem:$0x1C580] =	vst v63  }
0x4c: {  	s15 =	rddreg [dreg:$0x5];
	s8 =	sadd.s32 $0x0, s14  }
0x4d: {  	[tilespmem:s29], [sflag:$0x4] =	stream.linear.gather [hbm4b:s8+s3], $0x190, $0x38;
	[tilespmem:$0x1C580] =	vst v63  }
0x4e: {  	s16 =	sadd.s32 $0x0, s15  }
0x4f: {  	[tilespmem:s30], [sflag:$0x4] =	stream.linear.gather [hbm4b:s16+s3], $0x190, $0x38;
	[tilespmem:$0x1C580] =	vst v63  }
0x50: {  	_ =	swait.ge [sflag:s31], $0x1900  }
0x51: {  	[sflag:s31] =	ssyncset.done $0x0  }
0x52: {  	[sflag:s31] =	ssyncadd.s32 $0xFFFFE700  }
0x53: {  	[spmem:s2] =	stream.indirect.scatter.add.f32 [tilespmem:s24], [sflag:$0x7], $0x10, s22, s18, $0xb8;
	[tilespmem:$0x1C580] =	vst v63  }
0x54: {  	_ =	swait.ge [sflag:s17], $0x1900  }
0x55: {  	[sflag:s17] =	ssyncset.done $0x0  }
0x56: {  	[sflag:s17] =	ssyncadd.s32 $0xFFFFE700  }
0x57: {  	_ =	swait.ge [sflag:s0], $0x190  }
0x58: {  	[sflag:s0] =	ssyncset.done $0x0  }
0x59: {  	[sflag:s0] =	ssyncadd.s32 $0xFFFFFE70  }
0x5a: {  	_ =	swait.ge [sflag:s0], $0x190  }
0x5b: {  	p0 =	por $0x1, $0x1;
	[sflag:s0] =	ssyncset.done $0x0;
	s9 =	rddreg [dreg:$0x12]  }
0x5c: {  	[sflag:s0] =	ssyncadd.s32 $0xFFFFFE70;
	s8 =	sshrl.u32 @p0 s9, $0x3  }
0x5d: {  	[tilespmem:s24], [sflag:$0x6] =	stream.indirect.gather [hbm4b:s6+s18], $0x10, s29, s18, $0xb8;
	[tilespmem:$0x1C580] =	vst v63  }
0x5e: {  	s11 =	simm.s32 @p0 $0x0;
	s16 =	sadd.s32 @p0 s4, s8  }
0x5f: {  	[tilespmem:s11], [sflag:$0x1] =	stream.linear.gather @p0 [hbm4b:s16+s11], $0x190, $0x38;
	[tilespmem:$0x1C580] =	vst v63  }
0x60: {  	s12 =	simm.s32 @p0 $0x5;
	s8 =	sadd.s32 @p0 s5, s8;
	s16 =	simm.s32 @p0 $0x190  }
0x61: {  	[tilespmem:s16], [sflag:$0x1] =	stream.linear.gather @p0 [hbm4b:s8+s11], $0x190, $0x38;
	[tilespmem:$0x1C580] =	vst v63  }
0x62: {  	_ =	swait.ge @p0 [sflag:s12], $0x1900  }
0x63: {  	[sflag:s12] =	ssyncset.done @p0 $0x0  }
0x64: {  	s8 =	simm.s32 @p0 $0x7D0;
	[sflag:s12] =	ssyncadd.s32 @p0 $0xFFFFE700;
	s12 =	simm.s32 @p0 $0xC80  }
0x65: {  	[spmem:s2] =	stream.indirect.scatter.add.f32 @p0 [tilespmem:s12], [sflag:$0x7], $0x10, s8, s16, $0xb8;
	[tilespmem:$0x1C580] =	vst v63  }
0x66: {  	s8 =	simm.s32 @p0 $0x7  }
0x67: {  	_ =	swait.ge @p0 [sflag:s8], $0x1900  }
0x68: {  	[sflag:s8] =	ssyncset.done @p0 $0x0  }
0x69: {  	[sflag:s8] =	ssyncadd.s32 @p0 $0xFFFFE700;
	s8 =	simm.s32 @p0 $0x1  }
0x6a: {  	_ =	swait.ge @p0 [sflag:s8], $0x190  }
0x6b: {  	[sflag:s8] =	ssyncset.done @p0 $0x0  }
0x6c: {  	[sflag:s8] =	ssyncadd.s32 @p0 $0xFFFFFE70  }
0x6d: {  	_ =	swait.ge @p0 [sflag:s8], $0x190  }
0x6e: {  	[sflag:s8] =	ssyncset.done @p0 $0x0  }
0x6f: {  	[sflag:s8] =	ssyncadd.s32 @p0 $0xFFFFFE70;
	s8 =	rddreg [dreg:$0x4]  }
0x70: {  	[tilespmem:s12], [sflag:$0x5] =	stream.indirect.gather @p0 [hbm4b:s6+s16], $0x10, s11, s16, $0xb8;
	[tilespmem:$0x1C580] =	vst v63  }
0x71: {  	s12 =	rddreg [dreg:$0x3];
	s8 =	sadd.s32 @p0 $0x0, s8;
	s16 =	simm.s32 @p0 $0x320  }
0x72: {  	[tilespmem:s16], [sflag:$0x2] =	stream.linear.gather @p0 [hbm4b:s8+s11], $0x190, $0x38;
	[tilespmem:$0x1C580] =	vst v63  }
0x73: {  	s12 =	sadd.s32 @p0 $0x0, s12;
	s8 =	simm.s32 @p0 $0x4B0  }
0x74: {  	[tilespmem:s8], [sflag:$0x2] =	stream.linear.gather @p0 [hbm4b:s12+s11], $0x190, $0x38;
	[tilespmem:$0x1C580] =	vst v63  }
0x75: {  	s8 =	simm.s32 @!p0 $0x5  }
0x76: {  	_ =	swait.ge @!p0 [sflag:s8], $0x1900  }
0x77: {  	s11 =	simm.s32 @!p0 $0xC80;
	[sflag:s8] =	ssyncset.done @!p0 $0x0  }
0x78: {  	s12 =	simm.s32 @!p0 $0x190;
	[sflag:s8] =	ssyncadd.s32 @!p0 $0xFFFFE700;
	s8 =	simm.s32 @!p0 $0x7D0  }
0x79: {  	[spmem:s2] =	stream.indirect.scatter.add.f32 @!p0 [tilespmem:s11], [sflag:$0x7], $0x10, s8, s12, $0xb8;
	[tilespmem:$0x1C580] =	vst v63  }
0x7a: {  	s8 =	simm.s32 @!p0 $0x7  }
0x7b: {  	_ =	swait.ge @!p0 [sflag:s8], $0x1900  }
0x7c: {  	[sflag:s8] =	ssyncset.done @!p0 $0x0  }
0x7d: {  	[sflag:s8] =	ssyncadd.s32 @!p0 $0xFFFFE700  }
0x7e: {  	_ =	swait.ge [sflag:s31], $0x1900  }
0x7f: {  	[sflag:s31] =	ssyncset.done $0x0  }
0x80: {  	[sflag:s31] =	ssyncadd.s32 $0xFFFFE700  }
0x81: {  	[spmem:s2] =	stream.indirect.scatter.add.f32 [tilespmem:s24], [sflag:$0x7], $0x10, s30, s18, $0xb8;
	[tilespmem:$0x1C580] =	vst v63  }
0x82: {  	s16 =	smov.u32 s9;
	s8 =	simm.s32 $0xC8;
	_ =	swait.ge [sflag:s17], $0x1900  }
.LBB2_2:
0x83: {  	[sflag:s17] =	ssyncset.done $0x0  }
0x84: {  	[sflag:s17] =	ssyncadd.s32 $0xFFFFE700  }
0x85: {  	_ =	swait.ge [sflag:s23], $0x190  }
0x86: {  	[sflag:s23] =	ssyncset.done $0x0  }
0x87: {  	[sflag:s23] =	ssyncadd.s32 $0xFFFFFE70  }
0x88: {  	_ =	swait.ge [sflag:s23], $0x190  }
0x89: {  	[sflag:s23] =	ssyncset.done $0x0  }
0x8a: {  	s11 =	smov.u32 s8;
	s12 =	rddreg [dreg:$0x8];
	[sflag:s23] =	ssyncadd.s32 $0xFFFFFE70  }
0x8b: {  	[tilespmem:s24], [sflag:$0x6] =	stream.indirect.gather [hbm4b:s6+s18], $0x10, s21, s18, $0xb8;
	[tilespmem:$0x1C580] =	vst v63  }
0x8c: {  	s13 =	rddreg [dreg:$0x7];
	s12 =	sadd.s32 s11, s12  }
0x8d: {  	[tilespmem:s25], [sflag:$0x3] =	stream.linear.gather [hbm4b:s12+s3], $0x190, $0x38;
	[tilespmem:$0x1C580] =	vst v63  }
0x8e: {  	s14 =	rddreg [dreg:$0x9];
	s9 =	sadd.s32 s11, s13  }
0x8f: {  	[tilespmem:s14], [sflag:$0x3] =	stream.linear.gather [hbm4b:s9+s3], $0x190, $0x38;
	[tilespmem:$0x1C580] =	vst v63  }
0x90: {  	_ =	swait.ge [sflag:s26], $0x1900  }
0x91: {  	[sflag:s26] =	ssyncset.done $0x0  }
0x92: {  	[sflag:s26] =	ssyncadd.s32 $0xFFFFE700  }
0x93: {  	[spmem:s2] =	stream.indirect.scatter.add.f32 [tilespmem:s20], [sflag:$0x7], $0x10, s18, s18, $0xb8;
	[tilespmem:$0x1C580] =	vst v63  }
0x94: {  	_ =	swait.ge [sflag:s17], $0x1900  }
0x95: {  	[sflag:s17] =	ssyncset.done $0x0  }
0x96: {  	[sflag:s17] =	ssyncadd.s32 $0xFFFFE700  }
0x97: {  	_ =	swait.ge [sflag:s28], $0x190  }
0x98: {  	[sflag:s28] =	ssyncset.done $0x0  }
0x99: {  	[sflag:s28] =	ssyncadd.s32 $0xFFFFFE70  }
0x9a: {  	_ =	swait.ge [sflag:s28], $0x190  }
0x9b: {  	[sflag:s28] =	ssyncset.done $0x0  }
0x9c: {  	s13 =	rddreg [dreg:$0x6];
	[sflag:s28] =	ssyncadd.s32 $0xFFFFFE70  }
0x9d: {  	[tilespmem:s20], [sflag:$0x5] =	stream.indirect.gather [hbm4b:s6+s18], $0x10, s25, s18, $0xb8;
	[tilespmem:$0x1C580] =	vst v63  }
0x9e: {  	s14 =	rddreg [dreg:$0x5];
	s12 =	sadd.s32 s11, s13  }
0x9f: {  	[tilespmem:s29], [sflag:$0x4] =	stream.linear.gather [hbm4b:s12+s3], $0x190, $0x38;
	[tilespmem:$0x1C580] =	vst v63  }
0xa0: {  	s15 =	sadd.s32 s11, s14  }
0xa1: {  	[tilespmem:s30], [sflag:$0x4] =	stream.linear.gather [hbm4b:s15+s3], $0x190, $0x38;
	[tilespmem:$0x1C580] =	vst v63  }
0xa2: {  	_ =	swait.ge [sflag:s31], $0x1900  }
0xa3: {  	[sflag:s31] =	ssyncset.done $0x0  }
0xa4: {  	[sflag:s31] =	ssyncadd.s32 $0xFFFFE700  }
0xa5: {  	[spmem:s2] =	stream.indirect.scatter.add.f32 [tilespmem:s24], [sflag:$0x7], $0x10, s22, s18, $0xb8;
	[tilespmem:$0x1C580] =	vst v63  }
0xa6: {  	_ =	swait.ge [sflag:s17], $0x1900  }
0xa7: {  	[sflag:s17] =	ssyncset.done $0x0  }
0xa8: {  	[sflag:s17] =	ssyncadd.s32 $0xFFFFE700  }
0xa9: {  	_ =	swait.ge [sflag:s0], $0x190  }
0xaa: {  	[sflag:s0] =	ssyncset.done $0x0  }
0xab: {  	[sflag:s0] =	ssyncadd.s32 $0xFFFFFE70  }
0xac: {  	_ =	swait.ge [sflag:s0], $0x190  }
0xad: {  	s16 =	sadd.s32 $0x640, s16;
	p1 =	sne.s32 s11, $0x60E0;
	[sflag:s0] =	ssyncset.done $0x0  }
0xae: {  	s12 =	sshrl.u32 @p1 s16, $0x3;
	[sflag:s0] =	ssyncadd.s32 $0xFFFFFE70  }
0xaf: {  	[tilespmem:s24], [sflag:$0x6] =	stream.indirect.gather [hbm4b:s6+s18], $0x10, s29, s18, $0xb8;
	[tilespmem:$0x1C580] =	vst v63  }
0xb0: {  	s13 =	simm.s32 @p1 $0x0;
	s14 =	sadd.s32 @p1 s4, s12  }
0xb1: {  	[tilespmem:s13], [sflag:$0x1] =	stream.linear.gather @p1 [hbm4b:s14+s13], $0x190, $0x38;
	[tilespmem:$0x1C580] =	vst v63  }
0xb2: {  	s12 =	sadd.s32 @p1 s5, s12;
	s15 =	simm.s32 @p1 $0x190;
	s14 =	simm.s32 @p1 $0x5  }
0xb3: {  	[tilespmem:s15], [sflag:$0x1] =	stream.linear.gather @p1 [hbm4b:s12+s13], $0x190, $0x38;
	[tilespmem:$0x1C580] =	vst v63  }
0xb4: {  	_ =	swait.ge @p1 [sflag:s14], $0x1900  }
0xb5: {  	s9 =	simm.s32 @p1 $0xC80;
	[sflag:s14] =	ssyncset.done @p1 $0x0  }
0xb6: {  	s12 =	simm.s32 @p1 $0x7D0;
	[sflag:s14] =	ssyncadd.s32 @p1 $0xFFFFE700;
	s14 =	simm.s32 @p1 $0x7  }
0xb7: {  	[spmem:s2] =	stream.indirect.scatter.add.f32 @p1 [tilespmem:s9], [sflag:$0x7], $0x10, s12, s15, $0xb8;
	[tilespmem:$0x1C580] =	vst v63  }
0xb8: {  	_ =	swait.ge @p1 [sflag:s14], $0x1900  }
0xb9: {  	[sflag:s14] =	ssyncset.done @p1 $0x0  }
0xba: {  	s12 =	simm.s32 @p1 $0x1;
	[sflag:s14] =	ssyncadd.s32 @p1 $0xFFFFE700  }
0xbb: {  	_ =	swait.ge @p1 [sflag:s12], $0x190  }
0xbc: {  	[sflag:s12] =	ssyncset.done @p1 $0x0  }
0xbd: {  	[sflag:s12] =	ssyncadd.s32 @p1 $0xFFFFFE70  }
0xbe: {  	_ =	swait.ge @p1 [sflag:s12], $0x190  }
0xbf: {  	[sflag:s12] =	ssyncset.done @p1 $0x0  }
0xc0: {  	s14 =	rddreg [dreg:$0x4];
	[sflag:s12] =	ssyncadd.s32 @p1 $0xFFFFFE70  }
0xc1: {  	[tilespmem:s9], [sflag:$0x5] =	stream.indirect.gather @p1 [hbm4b:s6+s15], $0x10, s13, s15, $0xb8;
	[tilespmem:$0x1C580] =	vst v63  }
0xc2: {  	s12 =	rddreg [dreg:$0x3];
	s9 =	sadd.s32 @p1 s11, s14;
	s14 =	simm.s32 @p1 $0x320  }
0xc3: {  	[tilespmem:s14], [sflag:$0x2] =	stream.linear.gather @p1 [hbm4b:s9+s13], $0x190, $0x38;
	[tilespmem:$0x1C580] =	vst v63  }
0xc4: {  	s15 =	simm.s32 @p1 $0x4B0;
	s9 =	sadd.s32 @p1 s11, s12;
	s11 =	simm.s32 @!p1 $0x5  }
0xc5: {  	[tilespmem:s15], [sflag:$0x2] =	stream.linear.gather @p1 [hbm4b:s9+s13], $0x190, $0x38;
	[tilespmem:$0x1C580] =	vst v63  }
0xc6: {  	_ =	swait.ge @!p1 [sflag:s11], $0x1900  }
0xc7: {  	s12 =	simm.s32 @!p1 $0x190;
	s9 =	simm.s32 @!p1 $0xC80;
	[sflag:s11] =	ssyncset.done @!p1 $0x0  }
0xc8: {  	s13 =	simm.s32 @!p1 $0x7D0;
	[sflag:s11] =	ssyncadd.s32 @!p1 $0xFFFFE700;
	s11 =	simm.s32 @!p1 $0x7  }
0xc9: {  	[spmem:s2] =	stream.indirect.scatter.add.f32 @!p1 [tilespmem:s9], [sflag:$0x7], $0x10, s13, s12, $0xb8;
	[tilespmem:$0x1C580] =	vst v63  }
0xca: {  	_ =	swait.ge @!p1 [sflag:s11], $0x1900  }
0xcb: {  	s8 =	sadd.s32 $0xC8, s8;
	[sflag:s11] =	ssyncset.done @!p1 $0x0  }
0xcc: {  	p0 =	sne.s32 s8, $0x61A8;
	[sflag:s11] =	ssyncadd.s32 @!p1 $0xFFFFE700  }
.Ltmp0:
0xcd: {  	_ =	swait.ge [sflag:s31], $0x1900;
	(pc) =	sbr.rel @p0 .LBB2_2-.Ltmp0, $4  }
0xce: {  	[sflag:s31] =	ssyncset.done $0x0  }
0xcf: {  	[sflag:s31] =	ssyncadd.s32 $0xFFFFE700  }
0xd0: {  	[spmem:s2] =	stream.indirect.scatter.add.f32 [tilespmem:s24], [sflag:$0x7], $0x10, s30, s18, $0xb8;
	[tilespmem:$0x1C580] =	vst v63  }
0xd1: {  	_ =	swait.ge [sflag:s17], $0x1900  }
0xd2: {  	[sflag:s17] =	ssyncset.done $0x0  }
0xd3: {  	[sflag:s17] =	ssyncadd.s32 $0xFFFFE700  }
0xd4: {  	[bflag:$0x0] =	sbarrier.arrive $0xFFFF  }
0xd5: {  	s8 =	rddreg [dreg:$0x10]  }
0xd6: {  	[hbm:s8], [sflag:s10] =	dma.local [spmem:s7], $0x30E0  }
0xd7: {  	_ =	swait.ge [sflag:s17], $0x30E0  }
0xd8: {  	s1 =	sadd.s32 $0x1, s1;
	s16 =	rddreg [dreg:$0x11]  }
0xd9: {  	p0 =	sne.s32 s1, s16  }
.Ltmp1:
0xda: {  	_ = 	snop;
	(pc) =	sbr.rel @p0 .LBB2_1-.Ltmp1, $3  }
0xdb: {  	_ =	sdelay $0x1  }
0xdc: {  	[sflag:s17] =	ssyncset.done $0x0  }
0xdd: {  	s9 =	smov.u32 s10;
	[sflag:s17] =	ssyncadd.s32 $0xFFFFCF20  }
0xde: {  	_ =	sfence.sel $0x180000  }
0xdf: {  	[bflag:$0x0] =	sbarrier.arrive $0xFFFF  }
0xe0: {  	_ =	strace $0x9000004D  }
0xe1: {  	s0 =	stileid.u32;
	[bflag:$0x2] =	sbarrier.arrive $0xFFFF  }
0xe2: {  	p0 =	sne.s32 s0, $0x0;
	s0 =	rddreg [dreg:$0x2]  }
0xe3: {  	s0 =	sadd.s32 @!p0 $0x100000, s0  }
0xe4: {  	[sflag:s0] =	ssyncadd.tile.s32 @!p0 $0x1;
	_ =	shalt  }
.Lfunc_end2:
_tile_overlayer_lowered:
.L_overlay_start_2:
0xe5: {  	(tag) =	ssettag $0x2  }
0xe6: {  	s0 =	rddreg [dreg:$0x0];
	s2 =	stileid.u32  }
0xe7: {  	s1 =	rddreg [dreg:$0x1];
	p0 =	sne.s32 s2, $0x0  }
0xe8: {  	s3 =	rddreg [dreg:$0x2];
	[bflag:$0x3] =	sbarrier.arrive $0xFFFF;
	s2 =	simm.s32 @!p0 $0x1C07  }
0xe9: {  	[timem:s3], [sflag:s2] =	dma.local @!p0 [hbm:s0], s1  }
0xea: {  	s0 =	simm.s32 @!p0 $0x7  }
0xeb: {  	_ =	swait.ge @!p0 [sflag:s0], s1  }
0xec: {  	s1 =	ssub.s32 @!p0 $0x0, s1;
	[sflag:s0] =	ssyncset.done @!p0 $0x0  }
0xed: {  	[sflag:s0] =	ssyncadd.s32 @!p0 s1  }
0xee: {  	[bflag:$0x3] =	sbarrier.arrive $0xFFFF  }
0xef: {  	_ =	shalt  }

// kernel: kernel.21.cloned.1.call-start
scs
__scs_entry_jumppad:
0x0: {  	(pc) =	sbr.rel $0x88, $3  }
0x1: {  	(tag) =	ssettag $0x0;
	lr =	simm.s32 $0x1  }
0x2: {  	[smem:$0x3F96] =	sst lr;
	_ =	strace $0xD0000000  }
0x3: {  	_ = 	snop  }
0x4: {  	_ = 	snop  }
0x5: {  	_ = 	snop  }
0x6: {  	_ = 	snop  }
0x7: {  	_ = 	snop  }
__scs_overlays_trampoline_lowered:
0x8: {  	[smem:$0x3FA5] =	sst s0  }
0x9: {  	[smem:$0x3FA6] =	sst s1  }
0xa: {  	[smem:$0x3FA7] =	sst s2  }
0xb: {  	[smem:$0x3FA8] =	sst s3  }
0xc: {  	[smem:$0x3FA9] =	sst s4  }
0xd: {  	[smem:$0x3FAA] =	sst s5  }
0xe: {  	[smem:$0x3FAB] =	sst s6  }
0xf: {  	[smem:$0x3FAC] =	sst s7  }
0x10: {  	[smem:$0x3FAD] =	sst s8  }
0x11: {  	[smem:$0x3FAE] =	sst s9;
	s0 =	simm.s32 @!p0 $0x0  }
0x12: {  	s1 =	sld [smem:$0x3F94];
	s0 =	simm.s32 @p0 $0x1  }
0x13: {  	[smem:$0x3FAF] =	sst s0;
	s0 =	simm.s32 @!p1 $0x0  }
0x14: {  	s2 =	sld [smem:$0x3F93];
	s0 =	simm.s32 @p1 $0x1  }
0x15: {  	[smem:$0x3FB0] =	sst s0;
	s0 =	simm.s32 @!p2 $0x0  }
0x16: {  	s3 =	sld [smem:$0x3FDB];
	s0 =	simm.s32 @p2 $0x1  }
0x17: {  	s4 =	simm.s32 $0x1BF5;
	[smem:$0x3FB2] =	sst s0  }
0x18: {  	s0 =	sld [smem:$0x3F95];
	_ =	swait.ge [sflag:s4], $0x0  }
0x19: {  	s7 =	sld [smem:$0x3F96]  }
0x1a: {  	s8 =	sadd.s32 $0xFFFFE003, lr  }
0x1b: {  	s9 =	sadd.s32 $0xFFFFFEF7, lr;
	s5 =	simm.s32 $0xFFFFFFFF;
	p2 =	slt.u32 s8, $0xFFFFF086  }
0x1c: {  	p1 =	slt.u32 s9, $0xF7A;
	s5 =	simm.s32 @!p2 $0x0  }
0x1d: {  	s5 =	simm.s32 @p1 $0x1;
	p0 =	seq.s32 s7, s2  }
0x1e: {  	s7 =	smul.u32 @!p0 $0xF7A, s2;
	p2 =	seq.s32 @!p0 s5, $0x0  }
0x1f: {  	s9 =	smul.u32 $0xF7A, s1;
	s8 =	simm.s32 @!p0 $0x1BF5;
	p2 =	por !p2, p0  }
0x20: {  	[sflag:s8] =	ssyncset.s32 @!p0 $0xFFFFF086;
	s6 =	sadd.s32 @!p0 s3, s7;
	s7 =	simm.s32 @!p0 $0x108  }
0x21: {  	s3 =	sadd.s32 s3, s9;
	s6 =	sadd.s32 @!p0 $0x88, s6;
	s7 =	simm.s32 @p2 $0x1082  }
0x22: {  	[simem:s7], [sflag:s8] =	dma.local @!p0 [hbm:s6], $0xF7A  }
0x23: {  	s9 =	sor.u32 $0xD0000000, s2;
	s6 =	simm.s32 $0x108;
	_ =	swait.ge @!p0 [sflag:s8], $0x0  }
0x24: {  	s3 =	sadd.s32 $0x88, s3;
	s6 =	simm.s32 @!p1 $0x1082;
	[sflag:s4] =	ssyncset.s32 $0xFFFFF086  }
0x25: {  	[simem:s6], [sflag:s4] =	dma.local [hbm:s3], $0xF7A  }
0x26: {  	[smem:$0x3F96] =	sst s1;
	(tag) =	ssettag s2;
	_ =	strace s9  }
0x27: {  	s1 =	sld [smem:$0x3FA6]  }
0x28: {  	s2 =	sld [smem:$0x3FA7]  }
0x29: {  	s4 =	sld [smem:$0x3FA9]  }
0x2a: {  	p0 =	seq.s32 s5, $0x0;
	s5 =	sld [smem:$0x3FAA]  }
0x2b: {  	s6 =	sld [smem:$0x3FAB]  }
0x2c: {  	s7 =	sld [smem:$0x3FAC]  }
0x2d: {  	s3 =	simm.s32 $0x108;
	s8 =	sld [smem:$0x3FAD]  }
0x2e: {  	s3 =	simm.s32 @!p0 $0x1082;
	s9 =	sld [smem:$0x3FAE]  }
0x2f: {  	lr =	sadd.s32 s0, s3;
	s0 =	sld [smem:$0x3FA5]  }
0x30: {  	s3 =	sld [smem:$0x3FA8]  }
0x31: {  	[smem:$0x3FB1] =	sst s10  }
0x32: {  	s10 =	sld [smem:$0x3FAF];
	_ =	sdelay $0x3  }
0x33: {  	p0 =	seq.s32 s10, $0x1;
	s10 =	sld [smem:$0x3FB1];
	_ =	sdelay $0x3  }
0x34: {  	[smem:$0x3FB1] =	sst s10  }
0x35: {  	s10 =	sld [smem:$0x3FB0];
	_ =	sdelay $0x3  }
0x36: {  	p1 =	seq.s32 s10, $0x1;
	s10 =	sld [smem:$0x3FB1];
	_ =	sdelay $0x3  }
0x37: {  	[smem:$0x3FB1] =	sst s10  }
0x38: {  	s10 =	sld [smem:$0x3FB2]  }
0x39: {  	_ = 	snop;
	(pc) =	sbr.ind lr, $3  }
0x3a: {  	_ = 	snop  }
0x3b: {  	_ = 	snop  }
0x3c: {  	p2 =	seq.s32 s10, $0x1;
	s10 =	sld [smem:$0x3FB1]  }
0x3d: {  	_ =	shalt  }
0x3e: {  	_ =	shalt  }
0x3f: {  	_ =	shalt  }
0x40: {  	_ =	shalt  }
0x41: {  	_ =	shalt  }
0x42: {  	_ =	shalt  }
0x43: {  	_ =	shalt  }
0x44: {  	_ =	shalt  }
0x45: {  	_ =	shalt  }
0x46: {  	_ =	shalt  }
0x47: {  	_ =	shalt  }
0x48: {  	_ =	shalt  }
0x49: {  	_ =	shalt  }
0x4a: {  	_ =	shalt  }
0x4b: {  	_ =	shalt  }
0x4c: {  	_ =	shalt  }
0x4d: {  	_ =	shalt  }
0x4e: {  	_ =	shalt  }
0x4f: {  	_ =	shalt  }
0x50: {  	_ =	shalt  }
0x51: {  	_ =	shalt  }
0x52: {  	_ =	shalt  }
0x53: {  	_ =	shalt  }
0x54: {  	_ =	shalt  }
0x55: {  	_ =	shalt  }
0x56: {  	_ =	shalt  }
0x57: {  	_ =	shalt  }
0x58: {  	_ =	shalt  }
0x59: {  	_ =	shalt  }
0x5a: {  	_ =	shalt  }
0x5b: {  	_ =	shalt  }
0x5c: {  	_ =	shalt  }
0x5d: {  	_ =	shalt  }
0x5e: {  	_ =	shalt  }
0x5f: {  	_ =	shalt  }
0x60: {  	_ =	shalt  }
0x61: {  	_ =	shalt  }
0x62: {  	_ =	shalt  }
0x63: {  	_ =	shalt  }
0x64: {  	_ =	shalt  }
0x65: {  	_ =	shalt  }
0x66: {  	_ =	shalt  }
0x67: {  	_ =	shalt  }
0x68: {  	_ =	shalt  }
0x69: {  	_ =	shalt  }
0x6a: {  	_ =	shalt  }
0x6b: {  	_ =	shalt  }
0x6c: {  	_ =	shalt  }
0x6d: {  	_ =	shalt  }
0x6e: {  	_ =	shalt  }
0x6f: {  	_ =	shalt  }
0x70: {  	_ =	shalt  }
0x71: {  	_ =	shalt  }
0x72: {  	_ =	shalt  }
0x73: {  	_ =	shalt  }
0x74: {  	_ =	shalt  }
0x75: {  	_ =	shalt  }
0x76: {  	_ =	shalt  }
0x77: {  	_ =	shalt  }
0x78: {  	_ =	shalt  }
0x79: {  	_ =	shalt  }
0x7a: {  	_ =	shalt  }
0x7b: {  	_ =	shalt  }
0x7c: {  	_ =	shalt  }
0x7d: {  	_ =	shalt  }
0x7e: {  	_ =	shalt  }
0x7f: {  	_ =	shalt  }
0x80: {  	_ =	shalt  }
0x81: {  	_ =	shalt  }
0x82: {  	_ =	shalt  }
0x83: {  	_ =	shalt  }
0x84: {  	_ =	shalt  }
0x85: {  	_ =	shalt  }
0x86: {  	_ =	shalt  }
0x87: {  	_ =	shalt  }
.Lfunc_end0:
.L_simem_size_0:
called_computation.3_lowered:
.L_overlay_start_0:
0x88: {  	s2 =	sld [smem:$0x3FD9]  }
0x89: {  	s3 =	sld [smem:$0x3FFE];
	_ =	sdelay $0x1  }
0x8a: {  	s1 =	srdreg.scid  }
0x8b: {  	s0 =	sand.u32 $0x1, s1  }
0x8c: {  	s16 =	sshll.u32 s0, $0xA;
	s2 =	sadd.s32 s3, s2  }
0x8d: {  	s2 =	sadd.s32 s2, s16  }
0x8e: {  	[smem:$0x3FBD] =	sst s2  }
0x8f: {  	_ = 	snop  }
0x90: {  	(tm) =	ssettm $0x1  }
0x91: {  	s17 =	sld [smem:$0x3FFB];
	_ =	sdelay $0x3  }
0x92: {  	_ =	strace s17  }
0x93: {  	s2 =	sld [smem:$0x3FFC];
	_ =	sdelay $0x3  }
0x94: {  	_ =	strace s2  }
0x95: {  	s2 =	sld [smem:$0x3FFD];
	_ =	sdelay $0x3  }
0x96: {  	_ =	strace s2  }
0x97: {  	_ =	strace $0x8FFFFFFF  }
0x98: {  	s18 =	sld [smem:$0x3FDB];
	_ =	sdelay $0x1  }
0x99: {  	s19 =	simm.s32 $_scs_section_size  }
0x9a: {  	s4 =	simm.s32 $_size__tile_overlayer_lowered;
	s5 =	simm.s32 $_tile_overlayer_lowered  }
0x9b: {  	s22 =	simm.s32 $0x1BFF;
	s21 =	sshll.u32 s5, $0x1;
	s2 =	sadd.s32 s19, s18  }
0x9c: {  	s6 =	simm.s32 $0x0;
	s20 =	sshll.u32 s4, $0x1;
	s4 =	sadd.s32 s21, s2  }
0x9d: {  	[timem:s6], [sflag:s22] =	dma.local [hbm:s4], s20  }
0x9e: {  	_ =	swait.ge [sflag:s22], s20  }
0x9f: {  	s3 =	ssub.s32 $0x0, s20;
	[sflag:s22] =	ssyncset.done $0x0  }
0xa0: {  	[sflag:s22] =	ssyncadd.s32 s3;
	_ =	sdelay $0x1  }
0xa1: {  	s23 =	simm.s32 $0x1B8B  }
0xa2: {  	_ =	swait.ge [sflag:s23], $0x1  }
0xa3: {  	[sflag:s23] =	ssyncset.done $0x0  }
0xa4: {  	s25 =	simm.s32 $0x1B8E;
	s24 =	sld [smem:$0x3FFE];
	[sflag:s23] =	ssyncadd.s32 $0xFFFFFFFF  }
0xa5: {  	s26 =	simm.s32 $execute0_lowered;
	[smem:$0x3FD2] =	sst s25  }
0xa6: {  	s4 =	sshll.u32 s26, $0x1;
	_ =	strace $0x8000004F;
	[dreg:$0x1] =	wrdreg $0xFFFFFFFF  }
0xa7: {  	s28 =	simm.s32 $_size_execute0_lowered;
	s2 =	sadd.s32 s2, s4;
	[dreg:$0x0] =	wrdreg $0x0  }
0xa8: {  	s4 =	sshll.u32 s28, $0x1;
	[dreg:$0x2] =	wrdreg s2  }
0xa9: {  	[dreg:$0x3] =	wrdreg s4  }
0xaa: {  	[dreg:$0x4] =	wrdreg $0xC0  }
0xab: {  	_ =	task [dreg:s6], $0x5FFFF  }
0xac: {  	[dreg:$0x1] =	wrdreg $0xFFFFFFFF  }
0xad: {  	[dreg:$0x0] =	wrdreg $0x60  }
0xae: {  	[dreg:$0x2] =	wrdreg s24  }
0xaf: {  	[dreg:$0x3] =	wrdreg $0xBB800  }
0xb0: {  	[dreg:$0x4] =	wrdreg $0x9  }
0xb1: {  	_ =	task.clear_ibuf [dreg:s6], $0x5FFFF;
	_ =	strace $0x9000004F  }
0xb2: {  	s29 =	simm.s32 $0x9;
	_ =	strace $0x80000051  }
0xb3: {  	_ =	swait.ge [sflag:s29], $0x1  }
0xb4: {  	[sflag:s29] =	ssyncadd.s32 $0xFFFFFFFF  }
0xb5: {  	_ =	strace $0x90000051  }
0xb6: {  	_ =	sfence  }
0xb7: {  	s30 =	sld [smem:$0x0];
	_ =	sdelay $0x2  }
0xb8: {  	s31 =	sshll.u32 s1, $0xD;
	s1 =	sshrl.u32 s1, $0x2  }
0xb9: {  	s3 =	sand.u32 $0x4000, s31;
	s1 =	sadd.s32 s1, s30  }
0xba: {  	s0 =	sor.u32 s3, s0;
	s1 =	sshll.u32 s1, $0x11  }
0xbb: {  	s0 =	sor.u32 s1, s0  }
0xbc: {  	s0 =	sadd.s32 $0x8F2B, s0  }
0xbd: {  	[sflag:s0] =	ssyncadd.remote.s32 $0x1  }
0xbe: {  	_ =	sfence.sel $0xFFFF  }
0xbf: {  	[dreg:$0x0] =	wrdreg $0xFFFFFFFF;
	(pc) =	sbr.abs _section_cstart, $3  }
0xc0: {  	[dreg:$0x1] =	wrdreg $0xFFFFFFFF  }
0xc1: {  	_ =	task.clear_ibuf [dreg:s6], $0x2FFFF;
	_ =	strace $0x9FFFFFFF  }
0xc2: {  	(tm) =	ssettm $0x7FFFFFFF  }
0xc3: {  	_ =	shalt  }
tec
execute0_lowered:
.L_overlay_start_1:
0x0: {  	(tag) =	ssettag $0x1  }
0x1: {  	s0 =	rddreg [dreg:$0x0]  }
0x2: {  	s2 =	rddreg [dreg:$0x1];
	s3 =	simm.s32 $0x0;
	s12 =	stileid.u32  }
0x3: {  	s1 =	srdreg.scid;
	s28 =	simm.s32 $0x3;
	s29 =	simm.s32 $0x2EE0  }
0x4: {  	s30 =	simm.s32 $0x36B0;
	s31 =	simm.s32 $0x6;
	[smem:$0x7FF] =	sst s3  }
0x5: {  	s7 =	smul.u32 $0xC380, s12;
	s1 =	sand.u32 $0x1, s1;
	s4 =	sadd.s32 $0xC7A00, s0  }
0x6: {  	s5 =	sadd.s32 $0x4400, s0;
	s6 =	sadd.s32 $0x1A4000, s0;
	s11 =	smul.u32 $0x30D40, s12  }
0x7: {  	s12 =	sshll.u32 s12, $0x6;
	_ =	strace $0x80000050;
	s8 =	smul.u32 $0xC3800, s1  }
0x8: {  	s10 =	smul.u32 $0x30D400, s1;
	s1 =	ssub.s32 $0x2, s1;
	s9 =	sshrl.u32 s7, $0x3  }
0x9: {  	s25 =	sshrl.u32 s1, $0x1;
	s8 =	sadd.s32 s7, s8;
	s9 =	sadd.s32 s9, s0  }
0xa: {  	s1 =	ssub.s32 s1, s25;
	s7 =	sadd.s32 s7, s2;
	s26 =	sadd.s32 s11, s10  }
0xb: {  	s8 =	sshrl.u32 s8, $0x3;
	[dreg:$0xa] =	wrdreg s7;
	s11 =	sadd.s32 $0x18B800, s9  }
0xc: {  	s10 =	sshrl.u32 s26, $0x3;
	s9 =	sor.u32 $0x1C07, s12;
	s14 =	sadd.s32 $0x2710, s26  }
0xd: {  	s20 =	sadd.s32 $0xFA0, s26;
	s1 =	smax.u32 s1, $0x1;
	[dreg:$0xb] =	wrdreg s11  }
0xe: {  	s25 =	sadd.s32 $0x1F40, s26;
	s0 =	sadd.s32 s8, s0;
	[dreg:$0x11] =	wrdreg s1  }
0xf: {  	s13 =	sadd.s32 s4, s10;
	s15 =	sadd.s32 s5, s10;
	[dreg:$0x12] =	wrdreg s25  }
0x10: {  	s10 =	sadd.s32 $0xFA, s10;
	s8 =	sshrl.u32 s14, $0x3;
	[dreg:$0xc] =	wrdreg s13  }
0x11: {  	s22 =	sshrl.u32 s20, $0x3;
	[dreg:$0xd] =	wrdreg s15;
	s16 =	sadd.s32 s4, s10  }
0x12: {  	s20 =	simm.s32 $0x3E80;
	s17 =	sadd.s32 s8, s5;
	[dreg:$0xe] =	wrdreg s16  }
0x13: {  	s25 =	simm.s32 $0x1F40;
	s8 =	sadd.s32 s8, s4;
	[dreg:$0x3] =	wrdreg s17  }
0x14: {  	s1 =	simm.s32 $0x0;
	s10 =	sadd.s32 s5, s10;
	[dreg:$0x4] =	wrdreg s8  }
0x15: {  	s13 =	sadd.s32 $0x1770, s26;
	s0 =	sadd.s32 $0x1BC800, s0;
	[dreg:$0xf] =	wrdreg s10  }
0x16: {  	s23 =	sadd.s32 s22, s5;
	s24 =	sadd.s32 s22, s4;
	[dreg:$0x10] =	wrdreg s0  }
0x17: {  	s22 =	simm.s32 $0x1770;
	s26 =	simm.s32 $0x2710;
	[dreg:$0x7] =	wrdreg s23  }
0x18: {  	s18 =	sshrl.u32 s13, $0x3;
	[dreg:$0x8] =	wrdreg s24;
	s17 =	simm.s32 $0x7  }
0x19: {  	s23 =	simm.s32 $0x2;
	s24 =	simm.s32 $0x7D00;
	[dreg:$0x9] =	wrdreg s26  }
0x1a: {  	s26 =	simm.s32 $0x5;
	s0 =	simm.s32 $0x4;
	s19 =	sadd.s32 s18, s5  }
0x1b: {  	s21 =	sadd.s32 s18, s4;
	s18 =	simm.s32 $0x7D0;
	[dreg:$0x5] =	wrdreg s19  }
0x1c: {  	[dreg:$0x6] =	wrdreg s21;
	s19 =	simm.s32 $0x1;
	s21 =	simm.s32 $0xFA0  }
.LBB2_1:
0x1d: {  	s7 =	rddreg [dreg:$0xa]  }
0x1e: {  	s8 =	rddreg [dreg:$0xb];
	s7 =	sshrl.u32 s7, $0x3  }
0x1f: {  	[spmem:s7], [sflag:s9] =	dma.local [hbm:s8], $0x1870  }
0x20: {  	_ =	swait.ge [sflag:s17], $0x1870  }
0x21: {  	[sflag:s17] =	ssyncset.done $0x0  }
0x22: {  	[sflag:s17] =	ssyncadd.s32 $0xFFFFE790  }
0x23: {  	[bflag:$0x0] =	sbarrier.arrive $0xFFFF  }
0x24: {  	s15 =	rddreg [dreg:$0xc]  }
0x25: {  	[tilespmem:s3], [sflag:$0x1] =	stream.linear.gather [hbm4b:s15+s3], $0x7D0, $0x38;
	[tilespmem:$0x17F00] =	vst v63  }
0x26: {  	s16 =	rddreg [dreg:$0xd]  }
0x27: {  	[tilespmem:s18], [sflag:$0x1] =	stream.linear.gather [hbm4b:s16+s3], $0x7D0, $0x38;
	[tilespmem:$0x17F00] =	vst v63  }
0x28: {  	_ =	swait.ge [sflag:s19], $0x7D0  }
0x29: {  	[sflag:s19] =	ssyncset.done $0x0  }
0x2a: {  	[sflag:s19] =	ssyncadd.s32 $0xFFFFF830  }
0x2b: {  	_ =	swait.ge [sflag:s19], $0x7D0  }
0x2c: {  	[sflag:s19] =	ssyncset.done $0x0  }
0x2d: {  	[sflag:s19] =	ssyncadd.s32 $0xFFFFF830  }
0x2e: {  	[tilespmem:s20], [sflag:$0x5] =	stream.indirect.gather [hbm4b:s6+s18], $0x8, s3, s18, $0xb8;
	[tilespmem:$0x17F00] =	vst v63  }
0x2f: {  	s10 =	smov.u32 s9;
	s9 =	rddreg [dreg:$0xe]  }
0x30: {  	[tilespmem:s21], [sflag:$0x2] =	stream.linear.gather [hbm4b:s9+s3], $0x7D0, $0x38;
	[tilespmem:$0x17F00] =	vst v63  }
0x31: {  	s11 =	rddreg [dreg:$0xf]  }
0x32: {  	[tilespmem:s22], [sflag:$0x2] =	stream.linear.gather [hbm4b:s11+s3], $0x7D0, $0x38;
	[tilespmem:$0x17F00] =	vst v63  }
0x33: {  	_ =	swait.ge [sflag:s23], $0x7D0  }
0x34: {  	[sflag:s23] =	ssyncset.done $0x0  }
0x35: {  	[sflag:s23] =	ssyncadd.s32 $0xFFFFF830  }
0x36: {  	_ =	swait.ge [sflag:s23], $0x7D0  }
0x37: {  	[sflag:s23] =	ssyncset.done $0x0  }
0x38: {  	s12 =	rddreg [dreg:$0x8];
	[sflag:s23] =	ssyncadd.s32 $0xFFFFF830  }
0x39: {  	[tilespmem:s24], [sflag:$0x6] =	stream.indirect.gather [hbm4b:s6+s18], $0x8, s21, s18, $0xb8;
	[tilespmem:$0x17F00] =	vst v63  }
0x3a: {  	s11 =	rddreg [dreg:$0x7];
	s8 =	sadd.s32 $0x0, s12  }
0x3b: {  	[tilespmem:s25], [sflag:$0x3] =	stream.linear.gather [hbm4b:s8+s3], $0x7D0, $0x38;
	[tilespmem:$0x17F00] =	vst v63  }
0x3c: {  	s16 =	rddreg [dreg:$0x9];
	s13 =	sadd.s32 $0x0, s11  }
0x3d: {  	[tilespmem:s16], [sflag:$0x3] =	stream.linear.gather [hbm4b:s13+s3], $0x7D0, $0x38;
	[tilespmem:$0x17F00] =	vst v63  }
0x3e: {  	_ =	swait.ge [sflag:s26], $0x3E80  }
0x3f: {  	[sflag:s26] =	ssyncset.done $0x0  }
0x40: {  	[sflag:s26] =	ssyncadd.s32 $0xFFFFC180  }
0x41: {  	[spmem:s2] =	stream.indirect.scatter.add.f32 [tilespmem:s20], [sflag:$0x7], $0x8, s18, s18, $0xb8;
	[tilespmem:$0x17F00] =	vst v63  }
0x42: {  	_ =	swait.ge [sflag:s17], $0x3E80  }
0x43: {  	[sflag:s17] =	ssyncset.done $0x0  }
0x44: {  	[sflag:s17] =	ssyncadd.s32 $0xFFFFC180  }
0x45: {  	_ =	swait.ge [sflag:s28], $0x7D0  }
0x46: {  	[sflag:s28] =	ssyncset.done $0x0  }
0x47: {  	[sflag:s28] =	ssyncadd.s32 $0xFFFFF830  }
0x48: {  	_ =	swait.ge [sflag:s28], $0x7D0  }
0x49: {  	[sflag:s28] =	ssyncset.done $0x0  }
0x4a: {  	s14 =	rddreg [dreg:$0x6];
	[sflag:s28] =	ssyncadd.s32 $0xFFFFF830  }
0x4b: {  	[tilespmem:s20], [sflag:$0x5] =	stream.indirect.gather [hbm4b:s6+s18], $0x8, s25, s18, $0xb8;
	[tilespmem:$0x17F00] =	vst v63  }
0x4c: {  	s15 =	rddreg [dreg:$0x5];
	s8 =	sadd.s32 $0x0, s14  }
0x4d: {  	[tilespmem:s29], [sflag:$0x4] =	stream.linear.gather [hbm4b:s8+s3], $0x7D0, $0x38;
	[tilespmem:$0x17F00] =	vst v63  }
0x4e: {  	s16 =	sadd.s32 $0x0, s15  }
0x4f: {  	[tilespmem:s30], [sflag:$0x4] =	stream.linear.gather [hbm4b:s16+s3], $0x7D0, $0x38;
	[tilespmem:$0x17F00] =	vst v63  }
0x50: {  	_ =	swait.ge [sflag:s31], $0x3E80  }
0x51: {  	[sflag:s31] =	ssyncset.done $0x0  }
0x52: {  	[sflag:s31] =	ssyncadd.s32 $0xFFFFC180  }
0x53: {  	[spmem:s2] =	stream.indirect.scatter.add.f32 [tilespmem:s24], [sflag:$0x7], $0x8, s22, s18, $0xb8;
	[tilespmem:$0x17F00] =	vst v63  }
0x54: {  	_ =	swait.ge [sflag:s17], $0x3E80  }
0x55: {  	[sflag:s17] =	ssyncset.done $0x0  }
0x56: {  	[sflag:s17] =	ssyncadd.s32 $0xFFFFC180  }
0x57: {  	_ =	swait.ge [sflag:s0], $0x7D0  }
0x58: {  	[sflag:s0] =	ssyncset.done $0x0  }
0x59: {  	[sflag:s0] =	ssyncadd.s32 $0xFFFFF830  }
0x5a: {  	_ =	swait.ge [sflag:s0], $0x7D0  }
0x5b: {  	p0 =	por $0x1, $0x1;
	[sflag:s0] =	ssyncset.done $0x0;
	s9 =	rddreg [dreg:$0x12]  }
0x5c: {  	[sflag:s0] =	ssyncadd.s32 $0xFFFFF830;
	s8 =	sshrl.u32 @p0 s9, $0x3  }
0x5d: {  	[tilespmem:s24], [sflag:$0x6] =	stream.indirect.gather [hbm4b:s6+s18], $0x8, s29, s18, $0xb8;
	[tilespmem:$0x17F00] =	vst v63  }
0x5e: {  	s11 =	simm.s32 @p0 $0x0;
	s16 =	sadd.s32 @p0 s4, s8  }
0x5f: {  	[tilespmem:s11], [sflag:$0x1] =	stream.linear.gather @p0 [hbm4b:s16+s11], $0x7D0, $0x38;
	[tilespmem:$0x17F00] =	vst v63  }
0x60: {  	s12 =	simm.s32 @p0 $0x5;
	s8 =	sadd.s32 @p0 s5, s8;
	s16 =	simm.s32 @p0 $0x7D0  }
0x61: {  	[tilespmem:s16], [sflag:$0x1] =	stream.linear.gather @p0 [hbm4b:s8+s11], $0x7D0, $0x38;
	[tilespmem:$0x17F00] =	vst v63  }
0x62: {  	_ =	swait.ge @p0 [sflag:s12], $0x3E80  }
0x63: {  	[sflag:s12] =	ssyncset.done @p0 $0x0  }
0x64: {  	s8 =	simm.s32 @p0 $0x2710;
	[sflag:s12] =	ssyncadd.s32 @p0 $0xFFFFC180;
	s12 =	simm.s32 @p0 $0x3E80  }
0x65: {  	[spmem:s2] =	stream.indirect.scatter.add.f32 @p0 [tilespmem:s12], [sflag:$0x7], $0x8, s8, s16, $0xb8;
	[tilespmem:$0x17F00] =	vst v63  }
0x66: {  	s8 =	simm.s32 @p0 $0x7  }
0x67: {  	_ =	swait.ge @p0 [sflag:s8], $0x3E80  }
0x68: {  	[sflag:s8] =	ssyncset.done @p0 $0x0  }
0x69: {  	[sflag:s8] =	ssyncadd.s32 @p0 $0xFFFFC180;
	s8 =	simm.s32 @p0 $0x1  }
0x6a: {  	_ =	swait.ge @p0 [sflag:s8], $0x7D0  }
0x6b: {  	[sflag:s8] =	ssyncset.done @p0 $0x0  }
0x6c: {  	[sflag:s8] =	ssyncadd.s32 @p0 $0xFFFFF830  }
0x6d: {  	_ =	swait.ge @p0 [sflag:s8], $0x7D0  }
0x6e: {  	[sflag:s8] =	ssyncset.done @p0 $0x0  }
0x6f: {  	[sflag:s8] =	ssyncadd.s32 @p0 $0xFFFFF830;
	s8 =	rddreg [dreg:$0x4]  }
0x70: {  	[tilespmem:s12], [sflag:$0x5] =	stream.indirect.gather @p0 [hbm4b:s6+s16], $0x8, s11, s16, $0xb8;
	[tilespmem:$0x17F00] =	vst v63  }
0x71: {  	s12 =	rddreg [dreg:$0x3];
	s8 =	sadd.s32 @p0 $0x0, s8;
	s16 =	simm.s32 @p0 $0xFA0  }
0x72: {  	[tilespmem:s16], [sflag:$0x2] =	stream.linear.gather @p0 [hbm4b:s8+s11], $0x7D0, $0x38;
	[tilespmem:$0x17F00] =	vst v63  }
0x73: {  	s12 =	sadd.s32 @p0 $0x0, s12;
	s8 =	simm.s32 @p0 $0x1770  }
0x74: {  	[tilespmem:s8], [sflag:$0x2] =	stream.linear.gather @p0 [hbm4b:s12+s11], $0x7D0, $0x38;
	[tilespmem:$0x17F00] =	vst v63  }
0x75: {  	s8 =	simm.s32 @!p0 $0x5  }
0x76: {  	_ =	swait.ge @!p0 [sflag:s8], $0x3E80  }
0x77: {  	s11 =	simm.s32 @!p0 $0x3E80;
	[sflag:s8] =	ssyncset.done @!p0 $0x0  }
0x78: {  	s12 =	simm.s32 @!p0 $0x7D0;
	[sflag:s8] =	ssyncadd.s32 @!p0 $0xFFFFC180;
	s8 =	simm.s32 @!p0 $0x2710  }
0x79: {  	[spmem:s2] =	stream.indirect.scatter.add.f32 @!p0 [tilespmem:s11], [sflag:$0x7], $0x8, s8, s12, $0xb8;
	[tilespmem:$0x17F00] =	vst v63  }
0x7a: {  	s8 =	simm.s32 @!p0 $0x7  }
0x7b: {  	_ =	swait.ge @!p0 [sflag:s8], $0x3E80  }
0x7c: {  	[sflag:s8] =	ssyncset.done @!p0 $0x0  }
0x7d: {  	[sflag:s8] =	ssyncadd.s32 @!p0 $0xFFFFC180  }
0x7e: {  	_ =	swait.ge [sflag:s31], $0x3E80  }
0x7f: {  	[sflag:s31] =	ssyncset.done $0x0  }
0x80: {  	[sflag:s31] =	ssyncadd.s32 $0xFFFFC180  }
0x81: {  	[spmem:s2] =	stream.indirect.scatter.add.f32 [tilespmem:s24], [sflag:$0x7], $0x8, s30, s18, $0xb8;
	[tilespmem:$0x17F00] =	vst v63  }
0x82: {  	s16 =	smov.u32 s9;
	s8 =	simm.s32 $0x3E8;
	_ =	swait.ge [sflag:s17], $0x3E80  }
.LBB2_2:
0x83: {  	[sflag:s17] =	ssyncset.done $0x0  }
0x84: {  	[sflag:s17] =	ssyncadd.s32 $0xFFFFC180  }
0x85: {  	_ =	swait.ge [sflag:s23], $0x7D0  }
0x86: {  	[sflag:s23] =	ssyncset.done $0x0  }
0x87: {  	[sflag:s23] =	ssyncadd.s32 $0xFFFFF830  }
0x88: {  	_ =	swait.ge [sflag:s23], $0x7D0  }
0x89: {  	[sflag:s23] =	ssyncset.done $0x0  }
0x8a: {  	s11 =	smov.u32 s8;
	s12 =	rddreg [dreg:$0x8];
	[sflag:s23] =	ssyncadd.s32 $0xFFFFF830  }
0x8b: {  	[tilespmem:s24], [sflag:$0x6] =	stream.indirect.gather [hbm4b:s6+s18], $0x8, s21, s18, $0xb8;
	[tilespmem:$0x17F00] =	vst v63  }
0x8c: {  	s13 =	rddreg [dreg:$0x7];
	s12 =	sadd.s32 s11, s12  }
0x8d: {  	[tilespmem:s25], [sflag:$0x3] =	stream.linear.gather [hbm4b:s12+s3], $0x7D0, $0x38;
	[tilespmem:$0x17F00] =	vst v63  }
0x8e: {  	s14 =	rddreg [dreg:$0x9];
	s9 =	sadd.s32 s11, s13  }
0x8f: {  	[tilespmem:s14], [sflag:$0x3] =	stream.linear.gather [hbm4b:s9+s3], $0x7D0, $0x38;
	[tilespmem:$0x17F00] =	vst v63  }
0x90: {  	_ =	swait.ge [sflag:s26], $0x3E80  }
0x91: {  	[sflag:s26] =	ssyncset.done $0x0  }
0x92: {  	[sflag:s26] =	ssyncadd.s32 $0xFFFFC180  }
0x93: {  	[spmem:s2] =	stream.indirect.scatter.add.f32 [tilespmem:s20], [sflag:$0x7], $0x8, s18, s18, $0xb8;
	[tilespmem:$0x17F00] =	vst v63  }
0x94: {  	_ =	swait.ge [sflag:s17], $0x3E80  }
0x95: {  	[sflag:s17] =	ssyncset.done $0x0  }
0x96: {  	[sflag:s17] =	ssyncadd.s32 $0xFFFFC180  }
0x97: {  	_ =	swait.ge [sflag:s28], $0x7D0  }
0x98: {  	[sflag:s28] =	ssyncset.done $0x0  }
0x99: {  	[sflag:s28] =	ssyncadd.s32 $0xFFFFF830  }
0x9a: {  	_ =	swait.ge [sflag:s28], $0x7D0  }
0x9b: {  	[sflag:s28] =	ssyncset.done $0x0  }
0x9c: {  	s13 =	rddreg [dreg:$0x6];
	[sflag:s28] =	ssyncadd.s32 $0xFFFFF830  }
0x9d: {  	[tilespmem:s20], [sflag:$0x5] =	stream.indirect.gather [hbm4b:s6+s18], $0x8, s25, s18, $0xb8;
	[tilespmem:$0x17F00] =	vst v63  }
0x9e: {  	s14 =	rddreg [dreg:$0x5];
	s12 =	sadd.s32 s11, s13  }
0x9f: {  	[tilespmem:s29], [sflag:$0x4] =	stream.linear.gather [hbm4b:s12+s3], $0x7D0, $0x38;
	[tilespmem:$0x17F00] =	vst v63  }
0xa0: {  	s15 =	sadd.s32 s11, s14  }
0xa1: {  	[tilespmem:s30], [sflag:$0x4] =	stream.linear.gather [hbm4b:s15+s3], $0x7D0, $0x38;
	[tilespmem:$0x17F00] =	vst v63  }
0xa2: {  	_ =	swait.ge [sflag:s31], $0x3E80  }
0xa3: {  	[sflag:s31] =	ssyncset.done $0x0  }
0xa4: {  	[sflag:s31] =	ssyncadd.s32 $0xFFFFC180  }
0xa5: {  	[spmem:s2] =	stream.indirect.scatter.add.f32 [tilespmem:s24], [sflag:$0x7], $0x8, s22, s18, $0xb8;
	[tilespmem:$0x17F00] =	vst v63  }
0xa6: {  	_ =	swait.ge [sflag:s17], $0x3E80  }
0xa7: {  	[sflag:s17] =	ssyncset.done $0x0  }
0xa8: {  	[sflag:s17] =	ssyncadd.s32 $0xFFFFC180  }
0xa9: {  	_ =	swait.ge [sflag:s0], $0x7D0  }
0xaa: {  	[sflag:s0] =	ssyncset.done $0x0  }
0xab: {  	[sflag:s0] =	ssyncadd.s32 $0xFFFFF830  }
0xac: {  	_ =	swait.ge [sflag:s0], $0x7D0  }
0xad: {  	s16 =	sadd.s32 $0x1F40, s16;
	p1 =	sne.s32 s11, $0x5DC0;
	[sflag:s0] =	ssyncset.done $0x0  }
0xae: {  	s12 =	sshrl.u32 @p1 s16, $0x3;
	[sflag:s0] =	ssyncadd.s32 $0xFFFFF830  }
0xaf: {  	[tilespmem:s24], [sflag:$0x6] =	stream.indirect.gather [hbm4b:s6+s18], $0x8, s29, s18, $0xb8;
	[tilespmem:$0x17F00] =	vst v63  }
0xb0: {  	s13 =	simm.s32 @p1 $0x0;
	s14 =	sadd.s32 @p1 s4, s12  }
0xb1: {  	[tilespmem:s13], [sflag:$0x1] =	stream.linear.gather @p1 [hbm4b:s14+s13], $0x7D0, $0x38;
	[tilespmem:$0x17F00] =	vst v63  }
0xb2: {  	s12 =	sadd.s32 @p1 s5, s12;
	s15 =	simm.s32 @p1 $0x7D0;
	s14 =	simm.s32 @p1 $0x5  }
0xb3: {  	[tilespmem:s15], [sflag:$0x1] =	stream.linear.gather @p1 [hbm4b:s12+s13], $0x7D0, $0x38;
	[tilespmem:$0x17F00] =	vst v63  }
0xb4: {  	_ =	swait.ge @p1 [sflag:s14], $0x3E80  }
0xb5: {  	s9 =	simm.s32 @p1 $0x3E80;
	[sflag:s14] =	ssyncset.done @p1 $0x0  }
0xb6: {  	s12 =	simm.s32 @p1 $0x2710;
	[sflag:s14] =	ssyncadd.s32 @p1 $0xFFFFC180;
	s14 =	simm.s32 @p1 $0x7  }
0xb7: {  	[spmem:s2] =	stream.indirect.scatter.add.f32 @p1 [tilespmem:s9], [sflag:$0x7], $0x8, s12, s15, $0xb8;
	[tilespmem:$0x17F00] =	vst v63  }
0xb8: {  	_ =	swait.ge @p1 [sflag:s14], $0x3E80  }
0xb9: {  	[sflag:s14] =	ssyncset.done @p1 $0x0  }
0xba: {  	s12 =	simm.s32 @p1 $0x1;
	[sflag:s14] =	ssyncadd.s32 @p1 $0xFFFFC180  }
0xbb: {  	_ =	swait.ge @p1 [sflag:s12], $0x7D0  }
0xbc: {  	[sflag:s12] =	ssyncset.done @p1 $0x0  }
0xbd: {  	[sflag:s12] =	ssyncadd.s32 @p1 $0xFFFFF830  }
0xbe: {  	_ =	swait.ge @p1 [sflag:s12], $0x7D0  }
0xbf: {  	[sflag:s12] =	ssyncset.done @p1 $0x0  }
0xc0: {  	s14 =	rddreg [dreg:$0x4];
	[sflag:s12] =	ssyncadd.s32 @p1 $0xFFFFF830  }
0xc1: {  	[tilespmem:s9], [sflag:$0x5] =	stream.indirect.gather @p1 [hbm4b:s6+s15], $0x8, s13, s15, $0xb8;
	[tilespmem:$0x17F00] =	vst v63  }
0xc2: {  	s12 =	rddreg [dreg:$0x3];
	s9 =	sadd.s32 @p1 s11, s14;
	s14 =	simm.s32 @p1 $0xFA0  }
0xc3: {  	[tilespmem:s14], [sflag:$0x2] =	stream.linear.gather @p1 [hbm4b:s9+s13], $0x7D0, $0x38;
	[tilespmem:$0x17F00] =	vst v63  }
0xc4: {  	s15 =	simm.s32 @p1 $0x1770;
	s9 =	sadd.s32 @p1 s11, s12;
	s11 =	simm.s32 @!p1 $0x5  }
0xc5: {  	[tilespmem:s15], [sflag:$0x2] =	stream.linear.gather @p1 [hbm4b:s9+s13], $0x7D0, $0x38;
	[tilespmem:$0x17F00] =	vst v63  }
0xc6: {  	_ =	swait.ge @!p1 [sflag:s11], $0x3E80  }
0xc7: {  	s12 =	simm.s32 @!p1 $0x7D0;
	s9 =	simm.s32 @!p1 $0x3E80;
	[sflag:s11] =	ssyncset.done @!p1 $0x0  }
0xc8: {  	s13 =	simm.s32 @!p1 $0x2710;
	[sflag:s11] =	ssyncadd.s32 @!p1 $0xFFFFC180;
	s11 =	simm.s32 @!p1 $0x7  }
0xc9: {  	[spmem:s2] =	stream.indirect.scatter.add.f32 @!p1 [tilespmem:s9], [sflag:$0x7], $0x8, s13, s12, $0xb8;
	[tilespmem:$0x17F00] =	vst v63  }
0xca: {  	_ =	swait.ge @!p1 [sflag:s11], $0x3E80  }
0xcb: {  	s8 =	sadd.s32 $0x3E8, s8;
	[sflag:s11] =	ssyncset.done @!p1 $0x0  }
0xcc: {  	p0 =	sne.s32 s8, $0x61A8;
	[sflag:s11] =	ssyncadd.s32 @!p1 $0xFFFFC180  }
.Ltmp0:
0xcd: {  	_ =	swait.ge [sflag:s31], $0x3E80;
	(pc) =	sbr.rel @p0 .LBB2_2-.Ltmp0, $4  }
0xce: {  	[sflag:s31] =	ssyncset.done $0x0  }
0xcf: {  	[sflag:s31] =	ssyncadd.s32 $0xFFFFC180  }
0xd0: {  	[spmem:s2] =	stream.indirect.scatter.add.f32 [tilespmem:s24], [sflag:$0x7], $0x8, s30, s18, $0xb8;
	[tilespmem:$0x17F00] =	vst v63  }
0xd1: {  	_ =	swait.ge [sflag:s17], $0x3E80  }
0xd2: {  	[sflag:s17] =	ssyncset.done $0x0  }
0xd3: {  	[sflag:s17] =	ssyncadd.s32 $0xFFFFC180  }
0xd4: {  	[bflag:$0x0] =	sbarrier.arrive $0xFFFF  }
0xd5: {  	s8 =	rddreg [dreg:$0x10]  }
0xd6: {  	[hbm:s8], [sflag:s10] =	dma.local [spmem:s7], $0x1870  }
0xd7: {  	_ =	swait.ge [sflag:s17], $0x1870  }
0xd8: {  	s1 =	sadd.s32 $0x1, s1;
	s16 =	rddreg [dreg:$0x11]  }
0xd9: {  	p0 =	sne.s32 s1, s16  }
.Ltmp1:
0xda: {  	_ = 	snop;
	(pc) =	sbr.rel @p0 .LBB2_1-.Ltmp1, $3  }
0xdb: {  	_ =	sdelay $0x1  }
0xdc: {  	[sflag:s17] =	ssyncset.done $0x0  }
0xdd: {  	s9 =	smov.u32 s10;
	[sflag:s17] =	ssyncadd.s32 $0xFFFFE790  }
0xde: {  	_ =	sfence.sel $0x180000  }
0xdf: {  	[bflag:$0x0] =	sbarrier.arrive $0xFFFF  }
0xe0: {  	_ =	strace $0x90000050  }
0xe1: {  	s0 =	stileid.u32;
	[bflag:$0x2] =	sbarrier.arrive $0xFFFF  }
0xe2: {  	p0 =	sne.s32 s0, $0x0;
	s0 =	rddreg [dreg:$0x2]  }
0xe3: {  	s0 =	sadd.s32 @!p0 $0x100000, s0  }
0xe4: {  	[sflag:s0] =	ssyncadd.tile.s32 @!p0 $0x1;
	_ =	shalt  }
.Lfunc_end2:
_tile_overlayer_lowered:
.L_overlay_start_2:
0xe5: {  	(tag) =	ssettag $0x2  }
0xe6: {  	s0 =	rddreg [dreg:$0x0];
	s2 =	stileid.u32  }
0xe7: {  	s1 =	rddreg [dreg:$0x1];
	p0 =	sne.s32 s2, $0x0  }
0xe8: {  	s3 =	rddreg [dreg:$0x2];
	[bflag:$0x3] =	sbarrier.arrive $0xFFFF;
	s2 =	simm.s32 @!p0 $0x1C07  }
0xe9: {  	[timem:s3], [sflag:s2] =	dma.local @!p0 [hbm:s0], s1  }
0xea: {  	s0 =	simm.s32 @!p0 $0x7  }
0xeb: {  	_ =	swait.ge @!p0 [sflag:s0], s1  }
0xec: {  	s1 =	ssub.s32 @!p0 $0x0, s1;
	[sflag:s0] =	ssyncset.done @!p0 $0x0  }
0xed: {  	[sflag:s0] =	ssyncadd.s32 @!p0 s1  }
0xee: {  	[bflag:$0x3] =	sbarrier.arrive $0xFFFF  }
0xef: {  	_ =	shalt  }

// kernel: kernel.24.cloned.1.call-start
scs
__scs_entry_jumppad:
0x0: {  	(pc) =	sbr.rel $0x88, $3  }
0x1: {  	(tag) =	ssettag $0x0;
	lr =	simm.s32 $0x1  }
0x2: {  	[smem:$0x3F96] =	sst lr;
	_ =	strace $0xD0000000  }
0x3: {  	_ = 	snop  }
0x4: {  	_ = 	snop  }
0x5: {  	_ = 	snop  }
0x6: {  	_ = 	snop  }
0x7: {  	_ = 	snop  }
__scs_overlays_trampoline_lowered:
0x8: {  	[smem:$0x3FA5] =	sst s0  }
0x9: {  	[smem:$0x3FA6] =	sst s1  }
0xa: {  	[smem:$0x3FA7] =	sst s2  }
0xb: {  	[smem:$0x3FA8] =	sst s3  }
0xc: {  	[smem:$0x3FA9] =	sst s4  }
0xd: {  	[smem:$0x3FAA] =	sst s5  }
0xe: {  	[smem:$0x3FAB] =	sst s6  }
0xf: {  	[smem:$0x3FAC] =	sst s7  }
0x10: {  	[smem:$0x3FAD] =	sst s8  }
0x11: {  	[smem:$0x3FAE] =	sst s9;
	s0 =	simm.s32 @!p0 $0x0  }
0x12: {  	s1 =	sld [smem:$0x3F94];
	s0 =	simm.s32 @p0 $0x1  }
0x13: {  	[smem:$0x3FAF] =	sst s0;
	s0 =	simm.s32 @!p1 $0x0  }
0x14: {  	s2 =	sld [smem:$0x3F93];
	s0 =	simm.s32 @p1 $0x1  }
0x15: {  	[smem:$0x3FB0] =	sst s0;
	s0 =	simm.s32 @!p2 $0x0  }
0x16: {  	s3 =	sld [smem:$0x3FDB];
	s0 =	simm.s32 @p2 $0x1  }
0x17: {  	s4 =	simm.s32 $0x1BF5;
	[smem:$0x3FB2] =	sst s0  }
0x18: {  	s0 =	sld [smem:$0x3F95];
	_ =	swait.ge [sflag:s4], $0x0  }
0x19: {  	s7 =	sld [smem:$0x3F96]  }
0x1a: {  	s8 =	sadd.s32 $0xFFFFE003, lr  }
0x1b: {  	s9 =	sadd.s32 $0xFFFFFEF7, lr;
	s5 =	simm.s32 $0xFFFFFFFF;
	p2 =	slt.u32 s8, $0xFFFFF086  }
0x1c: {  	p1 =	slt.u32 s9, $0xF7A;
	s5 =	simm.s32 @!p2 $0x0  }
0x1d: {  	s5 =	simm.s32 @p1 $0x1;
	p0 =	seq.s32 s7, s2  }
0x1e: {  	s7 =	smul.u32 @!p0 $0xF7A, s2;
	p2 =	seq.s32 @!p0 s5, $0x0  }
0x1f: {  	s9 =	smul.u32 $0xF7A, s1;
	s8 =	simm.s32 @!p0 $0x1BF5;
	p2 =	por !p2, p0  }
0x20: {  	[sflag:s8] =	ssyncset.s32 @!p0 $0xFFFFF086;
	s6 =	sadd.s32 @!p0 s3, s7;
	s7 =	simm.s32 @!p0 $0x108  }
0x21: {  	s3 =	sadd.s32 s3, s9;
	s6 =	sadd.s32 @!p0 $0x88, s6;
	s7 =	simm.s32 @p2 $0x1082  }
0x22: {  	[simem:s7], [sflag:s8] =	dma.local @!p0 [hbm:s6], $0xF7A  }
0x23: {  	s9 =	sor.u32 $0xD0000000, s2;
	s6 =	simm.s32 $0x108;
	_ =	swait.ge @!p0 [sflag:s8], $0x0  }
0x24: {  	s3 =	sadd.s32 $0x88, s3;
	s6 =	simm.s32 @!p1 $0x1082;
	[sflag:s4] =	ssyncset.s32 $0xFFFFF086  }
0x25: {  	[simem:s6], [sflag:s4] =	dma.local [hbm:s3], $0xF7A  }
0x26: {  	[smem:$0x3F96] =	sst s1;
	(tag) =	ssettag s2;
	_ =	strace s9  }
0x27: {  	s1 =	sld [smem:$0x3FA6]  }
0x28: {  	s2 =	sld [smem:$0x3FA7]  }
0x29: {  	s4 =	sld [smem:$0x3FA9]  }
0x2a: {  	p0 =	seq.s32 s5, $0x0;
	s5 =	sld [smem:$0x3FAA]  }
0x2b: {  	s6 =	sld [smem:$0x3FAB]  }
0x2c: {  	s7 =	sld [smem:$0x3FAC]  }
0x2d: {  	s3 =	simm.s32 $0x108;
	s8 =	sld [smem:$0x3FAD]  }
0x2e: {  	s3 =	simm.s32 @!p0 $0x1082;
	s9 =	sld [smem:$0x3FAE]  }
0x2f: {  	lr =	sadd.s32 s0, s3;
	s0 =	sld [smem:$0x3FA5]  }
0x30: {  	s3 =	sld [smem:$0x3FA8]  }
0x31: {  	[smem:$0x3FB1] =	sst s10  }
0x32: {  	s10 =	sld [smem:$0x3FAF];
	_ =	sdelay $0x3  }
0x33: {  	p0 =	seq.s32 s10, $0x1;
	s10 =	sld [smem:$0x3FB1];
	_ =	sdelay $0x3  }
0x34: {  	[smem:$0x3FB1] =	sst s10  }
0x35: {  	s10 =	sld [smem:$0x3FB0];
	_ =	sdelay $0x3  }
0x36: {  	p1 =	seq.s32 s10, $0x1;
	s10 =	sld [smem:$0x3FB1];
	_ =	sdelay $0x3  }
0x37: {  	[smem:$0x3FB1] =	sst s10  }
0x38: {  	s10 =	sld [smem:$0x3FB2]  }
0x39: {  	_ = 	snop;
	(pc) =	sbr.ind lr, $3  }
0x3a: {  	_ = 	snop  }
0x3b: {  	_ = 	snop  }
0x3c: {  	p2 =	seq.s32 s10, $0x1;
	s10 =	sld [smem:$0x3FB1]  }
0x3d: {  	_ =	shalt  }
0x3e: {  	_ =	shalt  }
0x3f: {  	_ =	shalt  }
0x40: {  	_ =	shalt  }
0x41: {  	_ =	shalt  }
0x42: {  	_ =	shalt  }
0x43: {  	_ =	shalt  }
0x44: {  	_ =	shalt  }
0x45: {  	_ =	shalt  }
0x46: {  	_ =	shalt  }
0x47: {  	_ =	shalt  }
0x48: {  	_ =	shalt  }
0x49: {  	_ =	shalt  }
0x4a: {  	_ =	shalt  }
0x4b: {  	_ =	shalt  }
0x4c: {  	_ =	shalt  }
0x4d: {  	_ =	shalt  }
0x4e: {  	_ =	shalt  }
0x4f: {  	_ =	shalt  }
0x50: {  	_ =	shalt  }
0x51: {  	_ =	shalt  }
0x52: {  	_ =	shalt  }
0x53: {  	_ =	shalt  }
0x54: {  	_ =	shalt  }
0x55: {  	_ =	shalt  }
0x56: {  	_ =	shalt  }
0x57: {  	_ =	shalt  }
0x58: {  	_ =	shalt  }
0x59: {  	_ =	shalt  }
0x5a: {  	_ =	shalt  }
0x5b: {  	_ =	shalt  }
0x5c: {  	_ =	shalt  }
0x5d: {  	_ =	shalt  }
0x5e: {  	_ =	shalt  }
0x5f: {  	_ =	shalt  }
0x60: {  	_ =	shalt  }
0x61: {  	_ =	shalt  }
0x62: {  	_ =	shalt  }
0x63: {  	_ =	shalt  }
0x64: {  	_ =	shalt  }
0x65: {  	_ =	shalt  }
0x66: {  	_ =	shalt  }
0x67: {  	_ =	shalt  }
0x68: {  	_ =	shalt  }
0x69: {  	_ =	shalt  }
0x6a: {  	_ =	shalt  }
0x6b: {  	_ =	shalt  }
0x6c: {  	_ =	shalt  }
0x6d: {  	_ =	shalt  }
0x6e: {  	_ =	shalt  }
0x6f: {  	_ =	shalt  }
0x70: {  	_ =	shalt  }
0x71: {  	_ =	shalt  }
0x72: {  	_ =	shalt  }
0x73: {  	_ =	shalt  }
0x74: {  	_ =	shalt  }
0x75: {  	_ =	shalt  }
0x76: {  	_ =	shalt  }
0x77: {  	_ =	shalt  }
0x78: {  	_ =	shalt  }
0x79: {  	_ =	shalt  }
0x7a: {  	_ =	shalt  }
0x7b: {  	_ =	shalt  }
0x7c: {  	_ =	shalt  }
0x7d: {  	_ =	shalt  }
0x7e: {  	_ =	shalt  }
0x7f: {  	_ =	shalt  }
0x80: {  	_ =	shalt  }
0x81: {  	_ =	shalt  }
0x82: {  	_ =	shalt  }
0x83: {  	_ =	shalt  }
0x84: {  	_ =	shalt  }
0x85: {  	_ =	shalt  }
0x86: {  	_ =	shalt  }
0x87: {  	_ =	shalt  }
.Lfunc_end0:
.L_simem_size_0:
called_computation.4_lowered:
.L_overlay_start_0:
0x88: {  	s2 =	sld [smem:$0x3FD9]  }
0x89: {  	s3 =	sld [smem:$0x3FFE];
	_ =	sdelay $0x1  }
0x8a: {  	s1 =	srdreg.scid  }
0x8b: {  	s0 =	sand.u32 $0x1, s1  }
0x8c: {  	s16 =	sshll.u32 s0, $0xA;
	s2 =	sadd.s32 s3, s2  }
0x8d: {  	s2 =	sadd.s32 s2, s16  }
0x8e: {  	[smem:$0x3FBD] =	sst s2  }
0x8f: {  	_ = 	snop  }
0x90: {  	(tm) =	ssettm $0x1  }
0x91: {  	s17 =	sld [smem:$0x3FFB];
	_ =	sdelay $0x3  }
0x92: {  	_ =	strace s17  }
0x93: {  	s2 =	sld [smem:$0x3FFC];
	_ =	sdelay $0x3  }
0x94: {  	_ =	strace s2  }
0x95: {  	s2 =	sld [smem:$0x3FFD];
	_ =	sdelay $0x3  }
0x96: {  	_ =	strace s2  }
0x97: {  	_ =	strace $0x8FFFFFFF  }
0x98: {  	s18 =	sld [smem:$0x3FDB];
	_ =	sdelay $0x1  }
0x99: {  	s19 =	simm.s32 $_scs_section_size  }
0x9a: {  	s4 =	simm.s32 $_size__tile_overlayer_lowered;
	s5 =	simm.s32 $_tile_overlayer_lowered  }
0x9b: {  	s22 =	simm.s32 $0x1BFF;
	s21 =	sshll.u32 s5, $0x1;
	s2 =	sadd.s32 s19, s18  }
0x9c: {  	s6 =	simm.s32 $0x0;
	s20 =	sshll.u32 s4, $0x1;
	s4 =	sadd.s32 s21, s2  }
0x9d: {  	[timem:s6], [sflag:s22] =	dma.local [hbm:s4], s20  }
0x9e: {  	_ =	swait.ge [sflag:s22], s20  }
0x9f: {  	s3 =	ssub.s32 $0x0, s20;
	[sflag:s22] =	ssyncset.done $0x0  }
0xa0: {  	[sflag:s22] =	ssyncadd.s32 s3;
	_ =	sdelay $0x1  }
0xa1: {  	s23 =	simm.s32 $0x1B8B  }
0xa2: {  	_ =	swait.ge [sflag:s23], $0x1  }
0xa3: {  	[sflag:s23] =	ssyncset.done $0x0  }
0xa4: {  	s25 =	simm.s32 $0x1B8E;
	s24 =	sld [smem:$0x3FFE];
	[sflag:s23] =	ssyncadd.s32 $0xFFFFFFFF  }
0xa5: {  	s26 =	simm.s32 $execute0_lowered;
	[smem:$0x3FD2] =	sst s25  }
0xa6: {  	s4 =	sshll.u32 s26, $0x1;
	_ =	strace $0x80000052;
	[dreg:$0x1] =	wrdreg $0xFFFFFFFF  }
0xa7: {  	s28 =	simm.s32 $_size_execute0_lowered;
	s2 =	sadd.s32 s2, s4;
	[dreg:$0x0] =	wrdreg $0x0  }
0xa8: {  	s4 =	sshll.u32 s28, $0x1;
	[dreg:$0x2] =	wrdreg s2  }
0xa9: {  	[dreg:$0x3] =	wrdreg s4  }
0xaa: {  	[dreg:$0x4] =	wrdreg $0xC0  }
0xab: {  	_ =	task [dreg:s6], $0x5FFFF  }
0xac: {  	[dreg:$0x1] =	wrdreg $0xFFFFFFFF  }
0xad: {  	[dreg:$0x0] =	wrdreg $0x60  }
0xae: {  	[dreg:$0x2] =	wrdreg s24  }
0xaf: {  	[dreg:$0x3] =	wrdreg $0xCFB80  }
0xb0: {  	[dreg:$0x4] =	wrdreg $0x9  }
0xb1: {  	_ =	task.clear_ibuf [dreg:s6], $0x5FFFF;
	_ =	strace $0x90000052  }
0xb2: {  	s29 =	simm.s32 $0x9;
	_ =	strace $0x80000054  }
0xb3: {  	_ =	swait.ge [sflag:s29], $0x1  }
0xb4: {  	[sflag:s29] =	ssyncadd.s32 $0xFFFFFFFF  }
0xb5: {  	_ =	strace $0x90000054  }
0xb6: {  	_ =	sfence  }
0xb7: {  	s30 =	sld [smem:$0x0];
	_ =	sdelay $0x2  }
0xb8: {  	s31 =	sshll.u32 s1, $0xD;
	s1 =	sshrl.u32 s1, $0x2  }
0xb9: {  	s3 =	sand.u32 $0x4000, s31;
	s1 =	sadd.s32 s1, s30  }
0xba: {  	s0 =	sor.u32 s3, s0;
	s1 =	sshll.u32 s1, $0x11  }
0xbb: {  	s0 =	sor.u32 s1, s0  }
0xbc: {  	s0 =	sadd.s32 $0x8F2B, s0  }
0xbd: {  	[sflag:s0] =	ssyncadd.remote.s32 $0x1  }
0xbe: {  	_ =	sfence.sel $0xFFFF  }
0xbf: {  	[dreg:$0x0] =	wrdreg $0xFFFFFFFF;
	(pc) =	sbr.abs _section_cstart, $3  }
0xc0: {  	[dreg:$0x1] =	wrdreg $0xFFFFFFFF  }
0xc1: {  	_ =	task.clear_ibuf [dreg:s6], $0x2FFFF;
	_ =	strace $0x9FFFFFFF  }
0xc2: {  	(tm) =	ssettm $0x7FFFFFFF  }
0xc3: {  	_ =	shalt  }
tec
execute0_lowered:
.L_overlay_start_1:
0x0: {  	(tag) =	ssettag $0x1  }
0x1: {  	s0 =	srdreg.scid  }
0x2: {  	s4 =	sand.u32 $0x1, s0  }
0x3: {  	s3 =	rddreg [dreg:$0x0];
	s8 =	ssub.s32 $0x2, s4  }
0x4: {  	s1 =	rddreg [dreg:$0x1];
	s10 =	sshrl.u32 s8, $0x1  }
0x5: {  	s6 =	stileid.u32;
	s2 =	simm.s32 $0x0;
	s8 =	ssub.s32 s8, s10  }
0x6: {  	p1 =	por $0x0, $0x0;
	s5 =	sshll.u32 s4, $0x4;
	s31 =	smax.u32 s8, $0x1  }
0x7: {  	s4 =	smul.u32 $0x110, s4;
	s5 =	sor.u32 s6, s5;
	s12 =	sadd.s32 $0xFFFFFFFF, s31  }
0x8: {  	s0 =	rddreg [dreg:$0x2];
	s7 =	smul.u32 $0x1870, s5;
	p2 =	sne.s32 s12, $0x0  }
.Ltmp0:
0x9: {  	[smem:$0x7FF] =	sst s2;
	s9 =	sadd.s32 $0x35200, s3;
	(pc) =	sbr.rel @!p2 .LBB2_3-.Ltmp0, $4  }
0xa: {  	p0 =	sne.s32 s6, $0x0;
	_ =	strace $0x80000053;
	s5 =	smul.u32 $0x187, s5  }
0xb: {  	s6 =	simm.s32 $0x1;
	s8 =	simm.s32 $0xC38;
	s7 =	sadd.s32 s7, s3  }
0xc: {  	s5 =	sadd.s32 s5, s3;
	s3 =	sadd.s32 s4, s3;
	s4 =	sshrl.u32 @!p0 s1, $0x3  }
0xd: {  	s7 =	sadd.s32 $0x4400, s7;
	s5 =	sadd.s32 $0x1ED600, s5;
	s3 =	sadd.s32 $0x35400, s3  }
0xe: {  	s11 =	simm.s32 @!p0 $0x1C01;
	s10 =	simm.s32 @!p0 $0x1  }
0xf: {  	[spmem:s4], [sflag:s11] =	dma.local @!p0 [hbm:s9], $0x110  }
0x10: {  	_ =	swait.ge @!p0 [sflag:s10], $0x110  }
0x11: {  	[sflag:s10] =	ssyncset.done @!p0 $0x0  }
0x12: {  	[sflag:s10] =	ssyncadd.s32 @!p0 $0xFFFFFEF0  }
0x13: {  	[bflag:$0x0] =	sbarrier.arrive $0xFFFF  }
0x14: {  	[tilespmem:s8], [sflag:$0x1] =	stream.linear.gather [hbm4b:s7+s2], $0xC380, $0x38;
	[tilespmem:$0xD040] =	vst v63  }
0x15: {  	_ =	swait.ge [sflag:s6], $0xC380  }
0x16: {  	[sflag:s6] =	ssyncset.done $0x0  }
0x17: {  	[sflag:s6] =	ssyncadd.s32 $0xFFFF3C80  }
0x18: {  	[tilespmem:s2], [sflag:$0x1] =	stream.linear.gather [hbm4b:s5+s2], $0xC38, $0x38;
	[tilespmem:$0xD040] =	vst v63  }
0x19: {  	_ =	swait.ge [sflag:s6], $0xC38  }
0x1a: {  	[sflag:s6] =	ssyncset.done $0x0  }
0x1b: {  	[sflag:s6] =	ssyncadd.s32 $0xFFFFF3C8  }
0x1c: {  	[spmem:s1] =	stream.indirect.scatter.add.f32 [tilespmem:s8], [sflag:$0x1], $0x10, s2, s8, $0xb8;
	[tilespmem:$0xD040] =	vst v63  }
0x1d: {  	s12 =	sadd.s32 $0xFFFFFFFF, s12;
	_ =	swait.ge [sflag:s6], $0xC380  }
0x1e: {  	p2 =	sne.s32 s12, $0x0;
	[sflag:s6] =	ssyncset.done $0x0  }
.Ltmp1:
0x1f: {  	[sflag:s6] =	ssyncadd.s32 $0xFFFF3C80;
	(pc) =	sbr.rel @!p2 .LBB2_3-.Ltmp1, $4  }
0x20: {  	[bflag:$0x0] =	sbarrier.arrive $0xFFFF  }
0x21: {  	[hbm:s3], [sflag:s11] =	dma.local @!p0 [spmem:s4], $0x110  }
0x22: {  	_ =	swait.ge @!p0 [sflag:s10], $0x110  }
0x23: {  	p1 =	por $0x1, $0x1;
	[sflag:s10] =	ssyncset.done @!p0 $0x0  }
.LBB2_2:
0x24: {  	[sflag:s10] =	ssyncadd.s32 @!p0 $0xFFFFFEF0  }
0x25: {  	[spmem:s4], [sflag:s11] =	dma.local @!p0 [hbm:s9], $0x110  }
0x26: {  	s12 =	sadd.s32 $0xFFFFFFFF, s12;
	_ =	swait.ge @!p0 [sflag:s10], $0x110  }
0x27: {  	p2 =	sne.s32 s12, $0x0;
	[sflag:s10] =	ssyncset.done @!p0 $0x0  }
0x28: {  	[sflag:s10] =	ssyncadd.s32 @!p0 $0xFFFFFEF0  }
0x29: {  	[bflag:$0x0] =	sbarrier.arrive $0xFFFF  }
0x2a: {  	[tilespmem:s8], [sflag:$0x1] =	stream.linear.gather [hbm4b:s7+s2], $0xC380, $0x38;
	[tilespmem:$0xD040] =	vst v63  }
0x2b: {  	_ =	swait.ge [sflag:s6], $0xC380  }
0x2c: {  	[sflag:s6] =	ssyncset.done $0x0  }
0x2d: {  	[sflag:s6] =	ssyncadd.s32 $0xFFFF3C80  }
0x2e: {  	[tilespmem:s2], [sflag:$0x1] =	stream.linear.gather [hbm4b:s5+s2], $0xC38, $0x38;
	[tilespmem:$0xD040] =	vst v63  }
0x2f: {  	_ =	swait.ge [sflag:s6], $0xC38  }
0x30: {  	[sflag:s6] =	ssyncset.done $0x0  }
0x31: {  	[sflag:s6] =	ssyncadd.s32 $0xFFFFF3C8  }
0x32: {  	[spmem:s1] =	stream.indirect.scatter.add.f32 [tilespmem:s8], [sflag:$0x1], $0x10, s2, s8, $0xb8;
	[tilespmem:$0xD040] =	vst v63  }
0x33: {  	_ =	swait.ge [sflag:s6], $0xC380  }
0x34: {  	[sflag:s6] =	ssyncset.done $0x0  }
.Ltmp2:
0x35: {  	[sflag:s6] =	ssyncadd.s32 $0xFFFF3C80;
	(pc) =	sbr.rel @p2 .LBB2_2-.Ltmp2, $4  }
0x36: {  	[bflag:$0x0] =	sbarrier.arrive $0xFFFF  }
0x37: {  	[hbm:s3], [sflag:s11] =	dma.local @!p0 [spmem:s4], $0x110  }
0x38: {  	_ =	swait.ge @!p0 [sflag:s10], $0x110  }
0x39: {  	[sflag:s10] =	ssyncset.done @!p0 $0x0  }
.LBB2_3:
0x3a: {  	p1 =	por p0, !p1  }
0x3b: {  	s11 =	simm.s32 @!p0 $0x1C01;
	s12 =	simm.s32 @!p0 $0x1;
	[sflag:s10] =	ssyncadd.s32 @!p1 $0xFFFFFEF0  }
0x3c: {  	[spmem:s4], [sflag:s11] =	dma.local @!p0 [hbm:s9], $0x110  }
0x3d: {  	_ =	swait.ge @!p0 [sflag:s12], $0x110  }
0x3e: {  	[sflag:s12] =	ssyncset.done @!p0 $0x0  }
0x3f: {  	[sflag:s12] =	ssyncadd.s32 @!p0 $0xFFFFFEF0  }
0x40: {  	[bflag:$0x0] =	sbarrier.arrive $0xFFFF  }
0x41: {  	[tilespmem:s8], [sflag:$0x1] =	stream.linear.gather [hbm4b:s7+s2], $0xC380, $0x38;
	[tilespmem:$0xD040] =	vst v63  }
0x42: {  	_ =	swait.ge [sflag:s6], $0xC380  }
0x43: {  	[sflag:s6] =	ssyncset.done $0x0  }
0x44: {  	[sflag:s6] =	ssyncadd.s32 $0xFFFF3C80  }
0x45: {  	[tilespmem:s2], [sflag:$0x1] =	stream.linear.gather [hbm4b:s5+s2], $0xC38, $0x38;
	[tilespmem:$0xD040] =	vst v63  }
0x46: {  	_ =	swait.ge [sflag:s6], $0xC38  }
0x47: {  	[sflag:s6] =	ssyncset.done $0x0  }
0x48: {  	[sflag:s6] =	ssyncadd.s32 $0xFFFFF3C8  }
0x49: {  	[spmem:s1] =	stream.indirect.scatter.add.f32 [tilespmem:s8], [sflag:$0x1], $0x10, s2, s8, $0xb8;
	[tilespmem:$0xD040] =	vst v63  }
0x4a: {  	_ =	swait.ge [sflag:s6], $0xC380  }
0x4b: {  	[sflag:s6] =	ssyncset.done $0x0  }
0x4c: {  	[sflag:s6] =	ssyncadd.s32 $0xFFFF3C80  }
0x4d: {  	[bflag:$0x0] =	sbarrier.arrive $0xFFFF  }
0x4e: {  	[hbm:s3], [sflag:s11] =	dma.local @!p0 [spmem:s4], $0x110  }
0x4f: {  	_ =	swait.ge @!p0 [sflag:s12], $0x110  }
0x50: {  	[sflag:s12] =	ssyncset.done @!p0 $0x0  }
0x51: {  	[sflag:s12] =	ssyncadd.s32 @!p0 $0xFFFFFEF0  }
0x52: {  	_ =	sfence.sel $0x180000  }
0x53: {  	[bflag:$0x0] =	sbarrier.arrive $0xFFFF  }
0x54: {  	_ =	strace $0x90000053  }
0x55: {  	s0 =	sadd.s32 @!p0 $0x100000, s0;
	[bflag:$0x2] =	sbarrier.arrive $0xFFFF  }
0x56: {  	[sflag:s0] =	ssyncadd.tile.s32 @!p0 $0x1;
	_ =	shalt  }
.Lfunc_end2:
_tile_overlayer_lowered:
.L_overlay_start_2:
0x57: {  	(tag) =	ssettag $0x2  }
0x58: {  	s0 =	rddreg [dreg:$0x0];
	s2 =	stileid.u32  }
0x59: {  	s1 =	rddreg [dreg:$0x1];
	p0 =	sne.s32 s2, $0x0  }
0x5a: {  	s3 =	rddreg [dreg:$0x2];
	[bflag:$0x3] =	sbarrier.arrive $0xFFFF;
	s2 =	simm.s32 @!p0 $0x1C01  }
0x5b: {  	[timem:s3], [sflag:s2] =	dma.local @!p0 [hbm:s0], s1  }
0x5c: {  	s0 =	simm.s32 @!p0 $0x1  }
0x5d: {  	_ =	swait.ge @!p0 [sflag:s0], s1  }
0x5e: {  	s1 =	ssub.s32 @!p0 $0x0, s1;
	[sflag:s0] =	ssyncset.done @!p0 $0x0  }
0x5f: {  	[sflag:s0] =	ssyncadd.s32 @!p0 s1  }
0x60: {  	[bflag:$0x3] =	sbarrier.arrive $0xFFFF  }
0x61: {  	_ =	shalt  }

</sc_bundles>
